<compile_context>
chip_gen: v7x
topology: tpu7x:2x2x1
jax: 0.10.2.dev20260603
libtpu: 0.0.44.dev20260713+nightly
codegen_flags: <defaults>
</compile_context>

<pallas_src>
import functools

import jax
import jax.numpy as jnp
from jax import lax
from jax.experimental import pallas as pl
from jax.experimental.pallas import tpu as pltpu
from jax.experimental.pallas import tpu_sc as plsc

N = 10000
E = 160000
NPAD = 10240
EPAD = 163840
NG = 128
F32 = jnp.float32

def _mesh():
    return plsc.VectorSubcoreMesh(core_axis_name="c", subcore_axis_name="s",
                                  num_cores=2, num_subcores=16)

_EPT = EPAD // 32
_CD = 512
_CP = 320
_RPT = NPAD // 16


_G = 128
_GPT = _EPT // _G


def _deg_body(dst_hbm, zeros16_hbm, ones16_hbm, out_hbm, buf, dstb, acc,
              sem):
    del sem
    c = lax.axis_index("c")
    s = lax.axis_index("s")
    base_row = (c * 16 + s) * _GPT
    pltpu.sync_copy(dst_hbm.at[pl.ds(base_row, _GPT)], dstb)
    for r in range(_RPT // _G):
        pltpu.sync_copy(zeros16_hbm, acc.at[pl.ds(s * _RPT + r * _G, _G)])
    pltpu.sync_copy(ones16_hbm, buf)
    plsc.subcore_barrier()

    def body(i, carry):
        pltpu.sync_copy(buf, acc.at[dstb.at[i]], add=True)
        return carry

    lax.fori_loop(0, _GPT, body, 0)
    plsc.subcore_barrier()
    off = c * NPAD + s * _RPT
    pltpu.sync_copy(acc.at[pl.ds(s * _RPT, _RPT)], out_hbm.at[pl.ds(off, _RPT)])


def _deg(dst2):
    out = pl.kernel(
        _deg_body,
        out_type=jax.ShapeDtypeStruct((2 * NPAD, 16), F32),
        mesh=_mesh(),
        scratch_types=[
            pltpu.VMEM((_G, 16), F32),
            pltpu.VMEM((_GPT, _G), jnp.int32),
            pltpu.VMEM_SHARED((NPAD, 16), F32),
            pltpu.SemaphoreType.DMA,
        ],
    )(dst2, jnp.zeros((_G, 16), F32), jnp.ones((_G, 16), F32))
    return out.reshape(2, NPAD, 16)


def _prop_body(src_hbm, dst_hbm, zeros_hbm, h0, h1, h2, h3, out_hbm, srcb,
               dstb, rows_a, rows_b, acc, sem_a, sem_b):
    c = lax.axis_index("c")
    s = lax.axis_index("s")
    base_row = (c * 16 + s) * _GPT
    pltpu.sync_copy(src_hbm.at[pl.ds(base_row, _GPT)], srcb)
    pltpu.sync_copy(dst_hbm.at[pl.ds(base_row, _GPT)], dstb)
    for ck, hk in enumerate((h0, h1, h2, h3)):
        for r in range(_RPT // _G):
            pltpu.sync_copy(zeros_hbm, acc.at[pl.ds(s * _RPT + r * _G, _G)])
        plsc.subcore_barrier()

        def body(i, carry):
            pltpu.async_copy(hk.at[srcb.at[i]], rows_a, sem_a).wait()
            pltpu.sync_copy(rows_a, acc.at[dstb.at[i]], add=True)
            return carry

        lax.fori_loop(0, _GPT, body, 0)
        plsc.subcore_barrier()
        off = ck * 2 * NPAD + c * NPAD + s * _RPT
        pltpu.sync_copy(acc.at[pl.ds(s * _RPT, _RPT)],
                        out_hbm.at[pl.ds(off, _RPT)])
        plsc.subcore_barrier()


def _prop(src2, dst2, H):
    out = pl.kernel(
        _prop_body,
        out_type=jax.ShapeDtypeStruct((8 * NPAD, 128), F32),
        mesh=_mesh(),
        scratch_types=[
            pltpu.VMEM((_GPT, _G), jnp.int32),
            pltpu.VMEM((_GPT, _G), jnp.int32),
            pltpu.VMEM((_G, 128), F32),
            pltpu.VMEM((_G, 128), F32),
            pltpu.VMEM_SHARED((NPAD, 128), F32),
            pltpu.SemaphoreType.DMA,
            pltpu.SemaphoreType.DMA,
        ],
    )(src2, dst2, jnp.zeros((_G, 128), F32), H[0], H[1], H[2], H[3])
    return out.reshape(4, 2, NPAD, 128)


def _k2_body(degp_ref, x_ref, dis_ref, xs_ref):
    deg = jnp.sum(degp_ref[...], axis=(0, 2)) + 1.0
    dis = lax.rsqrt(deg)
    dis_ref[...] = dis[None, None, :]
    xs_ref[...] = dis[:, None] * x_ref[...]


def _k2(degp, xp):
    return pl.pallas_call(
        _k2_body,
        grid=(NPAD // 512,),
        in_specs=[
            pl.BlockSpec((2, 512, 16), lambda m: (0, m, 0)),
            pl.BlockSpec((512, 256), lambda m: (m, 0)),
        ],
        out_specs=[
            pl.BlockSpec((1, 1, 512), lambda m: (m, 0, 0)),
            pl.BlockSpec((512, 256), lambda m: (m, 0)),
        ],
        out_shape=[
            jax.ShapeDtypeStruct((NPAD // 512, 1, 512), F32),
            jax.ShapeDtypeStruct((NPAD, 256), F32),
        ],
    )(degp, xp)


def _mm1_body(a_ref, b_ref, o_ref):
    o_ref[0] = jnp.dot(a_ref[...], b_ref[...], preferred_element_type=F32)


def _mm1(xs, W1):
    return pl.pallas_call(
        _mm1_body,
        grid=(NPAD // 512, 4),
        in_specs=[
            pl.BlockSpec((512, 256), lambda m, nc: (m, 0)),
            pl.BlockSpec((256, 128), lambda m, nc: (0, nc)),
        ],
        out_specs=pl.BlockSpec((1, 512, 128), lambda m, nc: (nc, m, 0)),
        out_shape=jax.ShapeDtypeStruct((4, NPAD, 128), F32),
    )(xs, W1)


def _k5a_body(p_ref, h_ref, dis_ref, b_ref, zs_ref):
    t = p_ref[0, 0] + p_ref[0, 1] + h_ref[0]
    dis = dis_ref[0, 0]
    z = jnp.maximum(dis[:, None] * t + b_ref[0], 0.0)
    zs_ref[0] = dis[:, None] * z


def _k5a(P, H, dis2d, b4):
    return pl.pallas_call(
        _k5a_body,
        grid=(4, NPAD // 512),
        in_specs=[
            pl.BlockSpec((1, 2, 512, 128), lambda kc, m: (kc, 0, m, 0)),
            pl.BlockSpec((1, 512, 128), lambda kc, m: (kc, m, 0)),
            pl.BlockSpec((1, 1, 512), lambda kc, m: (m, 0, 0)),
            pl.BlockSpec((1, 1, 128), lambda kc, m: (kc, 0, 0)),
        ],
        out_specs=pl.BlockSpec((1, 512, 128), lambda kc, m: (kc, m, 0)),
        out_shape=jax.ShapeDtypeStruct((4, NPAD, 128), F32),
    )(P, H, dis2d, b4)


def _mm2_body(a_ref, b_ref, o_ref):
    @pl.when(pl.program_id(2) == 0)
    def _():
        o_ref[...] = jnp.zeros_like(o_ref)

    o_ref[0] += jnp.dot(a_ref[0], b_ref[...], preferred_element_type=F32)


def _mm2(zs, W2):
    return pl.pallas_call(
        _mm2_body,
        grid=(NPAD // 512, 4, 4),
        in_specs=[
            pl.BlockSpec((1, 512, 128), lambda m, nc, kc: (kc, m, 0)),
            pl.BlockSpec((128, 128), lambda m, nc, kc: (kc, nc)),
        ],
        out_specs=pl.BlockSpec((1, 512, 128), lambda m, nc, kc: (nc, m, 0)),
        out_shape=jax.ShapeDtypeStruct((4, NPAD, 128), F32),
    )(zs, W2)


def _k7a_body(p_ref, h_ref, dis_ref, b_ref, bat_ref, s_ref, cnt_ref):
    kc = pl.program_id(0)
    m = pl.program_id(1)
    t = p_ref[0, 0] + p_ref[0, 1] + h_ref[0]
    dis = dis_ref[0, 0]
    z = jnp.maximum(dis[:, None] * t + b_ref[0], 0.0)
    oh = (lax.broadcasted_iota(jnp.int32, (128, 512), 0)
          == bat_ref[0, 0][None, :]).astype(F32)

    @pl.when(m == 0)
    def _():
        s_ref[...] = jnp.zeros_like(s_ref)

    s_ref[...] += jnp.dot(oh, z, preferred_element_type=F32)

    @pl.when((m == 0) & (kc == 0))
    def _():
        cnt_ref[...] = jnp.zeros_like(cnt_ref)

    @pl.when(kc == 0)
    def _():
        cnt_ref[...] += jnp.sum(oh, axis=1)[:, None]


def _k7a(P, H, dis2d, b4, bat2d):
    return pl.pallas_call(
        _k7a_body,
        grid=(4, NPAD // 512),
        in_specs=[
            pl.BlockSpec((1, 2, 512, 128), lambda kc, m: (kc, 0, m, 0)),
            pl.BlockSpec((1, 512, 128), lambda kc, m: (kc, m, 0)),
            pl.BlockSpec((1, 1, 512), lambda kc, m: (m, 0, 0)),
            pl.BlockSpec((1, 1, 128), lambda kc, m: (kc, 0, 0)),
            pl.BlockSpec((1, 1, 512), lambda kc, m: (m, 0, 0)),
        ],
        out_specs=[
            pl.BlockSpec((128, 128), lambda kc, m: (0, kc)),
            pl.BlockSpec((128, 128), lambda kc, m: (0, 0)),
        ],
        out_shape=[
            jax.ShapeDtypeStruct((128, 512), F32),
            jax.ShapeDtypeStruct((128, 128), F32),
        ],
    )(P, H, dis2d, b4, bat2d)


def _k7b_body(s_ref, cnt_ref, w_ref, b_ref, o_ref):
    pooled = s_ref[...] / jnp.maximum(cnt_ref[:, 0:1], 1.0)
    o_ref[...] = jnp.dot(pooled, w_ref[...], preferred_element_type=F32) \
        + b_ref[...]


def _k7b(S, cnt, W3, b3r):
    return pl.pallas_call(
        _k7b_body,
        out_shape=jax.ShapeDtypeStruct((128, 256), F32),
    )(S, cnt, W3, b3r)


def kernel(x, edge_index, batch, W1, b1, W2, b2, W3, b3):
    src = jnp.concatenate(
        [edge_index[0], jnp.zeros((EPAD - E,), jnp.int32)]).reshape(-1, 128)
    pad_dst = N + jnp.arange(EPAD - E, dtype=jnp.int32) % (NPAD - N)
    dst = jnp.concatenate([edge_index[1], pad_dst]).reshape(-1, 128)
    xp = jnp.pad(x, ((0, NPAD - N), (0, 0)))
    bat2d = jnp.pad(batch, (0, NPAD - N),
                    constant_values=NG).reshape(NPAD // 512, 1, 512)

    degp = _deg(dst)
    dis2d, xs = _k2(degp, xp)
    H0 = _mm1(xs, W1)
    P1 = _prop(src, dst, H0)
    zs1 = _k5a(P1, H0, dis2d, b1.reshape(4, 1, 128))
    H1 = _mm2(zs1, W2)
    P2 = _prop(src, dst, H1)
    S, cnt = _k7a(P2, H1, dis2d, b2.reshape(4, 1, 128), bat2d)
    return _k7b(S, cnt, W3, b3.reshape(1, 256))

# --- scband reference (transcript-rebuilt; emitter-appended) ---
"""Pipeline reference for scband-gcnmodule-37005438222876 (READ-ONLY COPY).

The authoritative reference and input builder live on the scoring server;
editing this copy changes nothing except your own understanding.
"""

import jax, jax.numpy as jnp
import numpy as np

N = 10000
E = 160000
IN_DIM = 256
HID = 512
OUT = 256
NUM_GRAPHS = 128


def setup_inputs(seed: int = 0) -> dict:
    key = jax.random.key(seed)
    ks = jax.random.split(key, 10)
    x = jax.random.normal(ks[0], (N, IN_DIM), dtype=jnp.float32)
    edge_index = jax.random.randint(ks[1], (2, E), 0, N, dtype=jnp.int32)
    batch = jnp.sort(jax.random.randint(ks[2], (N,), 0, NUM_GRAPHS, dtype=jnp.int32))
    s1 = 1.0 / np.sqrt(IN_DIM)
    s2 = 1.0 / np.sqrt(HID)
    W1 = jax.random.uniform(ks[3], (IN_DIM, HID), jnp.float32, -s1, s1)
    b1 = jnp.zeros((HID,), jnp.float32)
    W2 = jax.random.uniform(ks[4], (HID, HID), jnp.float32, -s2, s2)
    b2 = jnp.zeros((HID,), jnp.float32)
    W3 = jax.random.uniform(ks[5], (HID, OUT), jnp.float32, -s2, s2)
    b3 = jax.random.uniform(ks[6], (OUT,), jnp.float32, -s2, s2)
    return {"x": x, "edge_index": edge_index, "batch": batch,
            "W1": W1, "b1": b1, "W2": W2, "b2": b2, "W3": W3, "b3": b3}


def gcn_conv(x, src, dst, W, b):
    n = x.shape[0]
    h = x @ W
    deg = jnp.zeros((n,), x.dtype).at[dst].add(1.0)
    dis = jnp.where(deg > 0, deg ** -0.5, 0.0)
    norm = dis[src] * dis[dst]
    msg = norm[:, None] * h[src]
    out = jnp.zeros((n, W.shape[1]), x.dtype).at[dst].add(msg)
    return out + b


def reference(x, edge_index, batch, W1, b1, W2, b2, W3, b3):
    n = x.shape[0]
    loops = jnp.arange(n, dtype=edge_index.dtype)
    src = jnp.concatenate([edge_index[0], loops])
    dst = jnp.concatenate([edge_index[1], loops])
    h = gcn_conv(x, src, dst, W1, b1)
    h = jax.nn.relu(h)
    h = gcn_conv(h, src, dst, W2, b2)
    h = jax.nn.relu(h)
    sums = jax.ops.segment_sum(h, batch, num_segments=NUM_GRAPHS)
    counts = jax.ops.segment_sum(jnp.ones((n,), h.dtype), batch, num_segments=NUM_GRAPHS)
    pooled = sums / jnp.maximum(counts, 1.0)[:, None]
    return pooled @ W3 + b3

if __name__ == "__main__":
    import jax
    _d = setup_inputs()
    print(jax.jit(kernel)(*tuple(_d.values())))

</pallas_src>

<mosaic_0001>
#map = affine_map<(d0, d1) -> (0, 0)>
module attributes {stable_mosaic.version = 14 : i64} {
  func.func @_prop_body(%arg0: i32, %arg1: i32, %arg2: memref<1280x128xi32, #tpu.memory_space<hbm>>, %arg3: memref<1280x128xi32, #tpu.memory_space<hbm>>, %arg4: memref<128x128xf32, #tpu.memory_space<hbm>>, %arg5: memref<10240x128xf32, #tpu.memory_space<hbm>>, %arg6: memref<10240x128xf32, #tpu.memory_space<hbm>>, %arg7: memref<10240x128xf32, #tpu.memory_space<hbm>>, %arg8: memref<10240x128xf32, #tpu.memory_space<hbm>>, %arg9: memref<81920x128xf32, #tpu.memory_space<hbm>>, %arg10: memref<40x128xi32, #tpu.memory_space<vmem>>, %arg11: memref<40x128xi32, #tpu.memory_space<vmem>>, %arg12: memref<128x128xf32, #tpu.memory_space<vmem>>, %arg13: memref<128x128xf32, #tpu.memory_space<vmem>>, %arg14: memref<10240x128xf32, #tpu.memory_space<vmem_shared>>, %arg15: memref<!tpu.dma_semaphore, #tpu.memory_space<semaphore_mem>>, %arg16: memref<!tpu.dma_semaphore, #tpu.memory_space<semaphore_mem>>) attributes {dimension_semantics = [#tpu.dimension_semantics<core_parallel>, #tpu.dimension_semantics<subcore_parallel>], iteration_bounds = array<i64: 2, 16>, scalar_prefetch = 0 : i64, scratch_operands = 7 : i64, tpu.core_type = #tpu.core_type<sc_vector_subcore>, window_params = [{transform_indices = #map}, {transform_indices = #map}, {transform_indices = #map}, {transform_indices = #map}, {transform_indices = #map}, {transform_indices = #map}, {transform_indices = #map}, {transform_indices = #map}]} {
    %mul3A = arith.constant 16 : i32
    %mul3A_0 = arith.muli %arg0, %mul3A : i32
    %add3A = arith.addi %mul3A_0, %arg1 : i32
    %mul3A_1 = arith.constant 40 : i32
    %mul3A_2 = arith.muli %add3A, %mul3A_1 : i32
    "tpu.region"() ({
      %run_scoped3A = tpu.sem_alloc : memref<!tpu.dma_semaphore, #tpu.memory_space<semaphore_mem>>
      %dma_start3A = arith.constant 0 : i32
      %dma_start3A_153 = tpu.memref_slice %arg2[%mul3A_2, %dma_start3A] : memref<1280x128xi32, #tpu.memory_space<hbm>> -> memref<40x128xi32, #tpu.memory_space<hbm>>
      %dma_start3A_154 = arith.constant 0 : i32
      %dma_start3A_155 = tpu.memref_slice %arg2[%mul3A_2, %dma_start3A_154] : memref<1280x128xi32, #tpu.memory_space<hbm>> -> memref<40x128xi32, #tpu.memory_space<hbm>>
      tpu.enqueue_dma source(%dma_start3A_155 : memref<40x128xi32, #tpu.memory_space<hbm>>) target(%arg10 : memref<40x128xi32, #tpu.memory_space<vmem>>) target_semaphore(%run_scoped3A : memref<!tpu.dma_semaphore, #tpu.memory_space<semaphore_mem>>)
      %dma_wait3A = arith.constant 0 : i32
      %dma_wait3A_156 = tpu.memref_slice %arg2[%mul3A_2, %dma_wait3A] : memref<1280x128xi32, #tpu.memory_space<hbm>> -> memref<40x128xi32, #tpu.memory_space<hbm>>
      %dma_wait3A_157 = arith.constant 0 : i32
      %dma_wait3A_158 = tpu.memref_slice %arg2[%mul3A_2, %dma_wait3A_157] : memref<1280x128xi32, #tpu.memory_space<hbm>> -> memref<40x128xi32, #tpu.memory_space<hbm>>
      tpu.wait_dma2 semaphore(%run_scoped3A : memref<!tpu.dma_semaphore, #tpu.memory_space<semaphore_mem>>) src(%dma_wait3A_158 : memref<40x128xi32, #tpu.memory_space<hbm>>) dst(%arg10 : memref<40x128xi32, #tpu.memory_space<vmem>>)
      tpu.yield
    }) : () -> ()
    "tpu.region"() ({
      %run_scoped3A = tpu.sem_alloc : memref<!tpu.dma_semaphore, #tpu.memory_space<semaphore_mem>>
      %dma_start3A = arith.constant 0 : i32
      %dma_start3A_153 = tpu.memref_slice %arg3[%mul3A_2, %dma_start3A] : memref<1280x128xi32, #tpu.memory_space<hbm>> -> memref<40x128xi32, #tpu.memory_space<hbm>>
      %dma_start3A_154 = arith.constant 0 : i32
      %dma_start3A_155 = tpu.memref_slice %arg3[%mul3A_2, %dma_start3A_154] : memref<1280x128xi32, #tpu.memory_space<hbm>> -> memref<40x128xi32, #tpu.memory_space<hbm>>
      tpu.enqueue_dma source(%dma_start3A_155 : memref<40x128xi32, #tpu.memory_space<hbm>>) target(%arg11 : memref<40x128xi32, #tpu.memory_space<vmem>>) target_semaphore(%run_scoped3A : memref<!tpu.dma_semaphore, #tpu.memory_space<semaphore_mem>>)
      %dma_wait3A = arith.constant 0 : i32
      %dma_wait3A_156 = tpu.memref_slice %arg3[%mul3A_2, %dma_wait3A] : memref<1280x128xi32, #tpu.memory_space<hbm>> -> memref<40x128xi32, #tpu.memory_space<hbm>>
      %dma_wait3A_157 = arith.constant 0 : i32
      %dma_wait3A_158 = tpu.memref_slice %arg3[%mul3A_2, %dma_wait3A_157] : memref<1280x128xi32, #tpu.memory_space<hbm>> -> memref<40x128xi32, #tpu.memory_space<hbm>>
      tpu.wait_dma2 semaphore(%run_scoped3A : memref<!tpu.dma_semaphore, #tpu.memory_space<semaphore_mem>>) src(%dma_wait3A_158 : memref<40x128xi32, #tpu.memory_space<hbm>>) dst(%arg11 : memref<40x128xi32, #tpu.memory_space<vmem>>)
      tpu.yield
    }) : () -> ()
    %mul3A_3 = arith.constant 640 : i32
    %mul3A_4 = arith.muli %arg1, %mul3A_3 : i32
    %add3A_5 = arith.constant 0 : i32
    %add3A_6 = arith.addi %mul3A_4, %add3A_5 : i32
    "tpu.region"() ({
      %run_scoped3A = tpu.sem_alloc : memref<!tpu.dma_semaphore, #tpu.memory_space<semaphore_mem>>
      %dma_start3A = arith.constant 0 : i32
      %dma_start3A_153 = tpu.memref_slice %arg14[%add3A_6, %dma_start3A] : memref<10240x128xf32, #tpu.memory_space<vmem_shared>> -> memref<128x128xf32, #tpu.memory_space<vmem_shared>>
      tpu.enqueue_dma source(%arg4 : memref<128x128xf32, #tpu.memory_space<hbm>>) target(%dma_start3A_153 : memref<128x128xf32, #tpu.memory_space<vmem_shared>>) target_semaphore(%run_scoped3A : memref<!tpu.dma_semaphore, #tpu.memory_space<semaphore_mem>>)
      %dma_wait3A = arith.constant 0 : i32
      %dma_wait3A_154 = tpu.memref_slice %arg14[%add3A_6, %dma_wait3A] : memref<10240x128xf32, #tpu.memory_space<vmem_shared>> -> memref<128x128xf32, #tpu.memory_space<vmem_shared>>
      tpu.wait_dma2 semaphore(%run_scoped3A : memref<!tpu.dma_semaphore, #tpu.memory_space<semaphore_mem>>) src(%arg4 : memref<128x128xf32, #tpu.memory_space<hbm>>) dst(%dma_wait3A_154 : memref<128x128xf32, #tpu.memory_space<vmem_shared>>)
      tpu.yield
    }) : () -> ()
    %mul3A_7 = arith.constant 640 : i32
    %mul3A_8 = arith.muli %arg1, %mul3A_7 : i32
    %add3A_9 = arith.constant 128 : i32
    %add3A_10 = arith.addi %mul3A_8, %add3A_9 : i32
    "tpu.region"() ({
      %run_scoped3A = tpu.sem_alloc : memref<!tpu.dma_semaphore, #tpu.memory_space<semaphore_mem>>
      %dma_start3A = arith.constant 0 : i32
      %dma_start3A_153 = tpu.memref_slice %arg14[%add3A_10, %dma_start3A] : memref<10240x128xf32, #tpu.memory_space<vmem_shared>> -> memref<128x128xf32, #tpu.memory_space<vmem_shared>>
      tpu.enqueue_dma source(%arg4 : memref<128x128xf32, #tpu.memory_space<hbm>>) target(%dma_start3A_153 : memref<128x128xf32, #tpu.memory_space<vmem_shared>>) target_semaphore(%run_scoped3A : memref<!tpu.dma_semaphore, #tpu.memory_space<semaphore_mem>>)
      %dma_wait3A = arith.constant 0 : i32
      %dma_wait3A_154 = tpu.memref_slice %arg14[%add3A_10, %dma_wait3A] : memref<10240x128xf32, #tpu.memory_space<vmem_shared>> -> memref<128x128xf32, #tpu.memory_space<vmem_shared>>
      tpu.wait_dma2 semaphore(%run_scoped3A : memref<!tpu.dma_semaphore, #tpu.memory_space<semaphore_mem>>) src(%arg4 : memref<128x128xf32, #tpu.memory_space<hbm>>) dst(%dma_wait3A_154 : memref<128x128xf32, #tpu.memory_space<vmem_shared>>)
      tpu.yield
    }) : () -> ()
    %mul3A_11 = arith.constant 640 : i32
    %mul3A_12 = arith.muli %arg1, %mul3A_11 : i32
    %add3A_13 = arith.constant 256 : i32
    %add3A_14 = arith.addi %mul3A_12, %add3A_13 : i32
    "tpu.region"() ({
      %run_scoped3A = tpu.sem_alloc : memref<!tpu.dma_semaphore, #tpu.memory_space<semaphore_mem>>
      %dma_start3A = arith.constant 0 : i32
      %dma_start3A_153 = tpu.memref_slice %arg14[%add3A_14, %dma_start3A] : memref<10240x128xf32, #tpu.memory_space<vmem_shared>> -> memref<128x128xf32, #tpu.memory_space<vmem_shared>>
      tpu.enqueue_dma source(%arg4 : memref<128x128xf32, #tpu.memory_space<hbm>>) target(%dma_start3A_153 : memref<128x128xf32, #tpu.memory_space<vmem_shared>>) target_semaphore(%run_scoped3A : memref<!tpu.dma_semaphore, #tpu.memory_space<semaphore_mem>>)
      %dma_wait3A = arith.constant 0 : i32
      %dma_wait3A_154 = tpu.memref_slice %arg14[%add3A_14, %dma_wait3A] : memref<10240x128xf32, #tpu.memory_space<vmem_shared>> -> memref<128x128xf32, #tpu.memory_space<vmem_shared>>
      tpu.wait_dma2 semaphore(%run_scoped3A : memref<!tpu.dma_semaphore, #tpu.memory_space<semaphore_mem>>) src(%arg4 : memref<128x128xf32, #tpu.memory_space<hbm>>) dst(%dma_wait3A_154 : memref<128x128xf32, #tpu.memory_space<vmem_shared>>)
      tpu.yield
    }) : () -> ()
    %mul3A_15 = arith.constant 640 : i32
    %mul3A_16 = arith.muli %arg1, %mul3A_15 : i32
    %add3A_17 = arith.constant 384 : i32
    %add3A_18 = arith.addi %mul3A_16, %add3A_17 : i32
    "tpu.region"() ({
      %run_scoped3A = tpu.sem_alloc : memref<!tpu.dma_semaphore, #tpu.memory_space<semaphore_mem>>
      %dma_start3A = arith.constant 0 : i32
      %dma_start3A_153 = tpu.memref_slice %arg14[%add3A_18, %dma_start3A] : memref<10240x128xf32, #tpu.memory_space<vmem_shared>> -> memref<128x128xf32, #tpu.memory_space<vmem_shared>>
      tpu.enqueue_dma source(%arg4 : memref<128x128xf32, #tpu.memory_space<hbm>>) target(%dma_start3A_153 : memref<128x128xf32, #tpu.memory_space<vmem_shared>>) target_semaphore(%run_scoped3A : memref<!tpu.dma_semaphore, #tpu.memory_space<semaphore_mem>>)
      %dma_wait3A = arith.constant 0 : i32
      %dma_wait3A_154 = tpu.memref_slice %arg14[%add3A_18, %dma_wait3A] : memref<10240x128xf32, #tpu.memory_space<vmem_shared>> -> memref<128x128xf32, #tpu.memory_space<vmem_shared>>
      tpu.wait_dma2 semaphore(%run_scoped3A : memref<!tpu.dma_semaphore, #tpu.memory_space<semaphore_mem>>) src(%arg4 : memref<128x128xf32, #tpu.memory_space<hbm>>) dst(%dma_wait3A_154 : memref<128x128xf32, #tpu.memory_space<vmem_shared>>)
      tpu.yield
    }) : () -> ()
    %mul3A_19 = arith.constant 640 : i32
    %mul3A_20 = arith.muli %arg1, %mul3A_19 : i32
    %add3A_21 = arith.constant 512 : i32
    %add3A_22 = arith.addi %mul3A_20, %add3A_21 : i32
    "tpu.region"() ({
      %run_scoped3A = tpu.sem_alloc : memref<!tpu.dma_semaphore, #tpu.memory_space<semaphore_mem>>
      %dma_start3A = arith.constant 0 : i32
      %dma_start3A_153 = tpu.memref_slice %arg14[%add3A_22, %dma_start3A] : memref<10240x128xf32, #tpu.memory_space<vmem_shared>> -> memref<128x128xf32, #tpu.memory_space<vmem_shared>>
      tpu.enqueue_dma source(%arg4 : memref<128x128xf32, #tpu.memory_space<hbm>>) target(%dma_start3A_153 : memref<128x128xf32, #tpu.memory_space<vmem_shared>>) target_semaphore(%run_scoped3A : memref<!tpu.dma_semaphore, #tpu.memory_space<semaphore_mem>>)
      %dma_wait3A = arith.constant 0 : i32
      %dma_wait3A_154 = tpu.memref_slice %arg14[%add3A_22, %dma_wait3A] : memref<10240x128xf32, #tpu.memory_space<vmem_shared>> -> memref<128x128xf32, #tpu.memory_space<vmem_shared>>
      tpu.wait_dma2 semaphore(%run_scoped3A : memref<!tpu.dma_semaphore, #tpu.memory_space<semaphore_mem>>) src(%arg4 : memref<128x128xf32, #tpu.memory_space<hbm>>) dst(%dma_wait3A_154 : memref<128x128xf32, #tpu.memory_space<vmem_shared>>)
      tpu.yield
    }) : () -> ()
    %barrier3A = arith.constant 0 : index
    tpu.barrier barrier_id(%barrier3A)
    %scan3A = arith.constant 0 : i32
    %scan3A_23 = arith.constant 0 : i32
    %scan3A_24 = arith.constant 40 : i32
    %scan3A_25 = arith.addi %scan3A_23, %scan3A_24 : i32
    %scan3A_26 = arith.constant 1 : i32
    scf.for %scan3A_153 = %scan3A_23 to %scan3A_25 step %scan3A_26  : i32 {
      %dma_start3A = arith.constant 0 : i32
      %dma_start3A_154 = tpu.memref_slice %arg10[%scan3A_153, %dma_start3A] : memref<40x128xi32, #tpu.memory_space<vmem>> -> memref<1x128xi32, #tpu.memory_space<vmem>>
      %dma_start3A_155 = tpu.memref_squeeze %dma_start3A_154 : memref<1x128xi32, #tpu.memory_space<vmem>> -> memref<128xi32, #tpu.memory_space<vmem>>
      %dma_start3A_156 = arith.constant 0 : i32
      %dma_start3A_157 = arith.constant 0 : i32
      %dma_start3A_158 = tpu.memref_slice %arg5[%dma_start3A_156, %dma_start3A_157] : memref<10240x128xf32, #tpu.memory_space<hbm>> -> memref<10240x128xf32, #tpu.memory_space<hbm>>
      tpu.enqueue_indirect_dma source(%dma_start3A_158 : memref<10240x128xf32, #tpu.memory_space<hbm>>) target(%arg12 : memref<128x128xf32, #tpu.memory_space<vmem>>) offsets(%dma_start3A_155 : memref<128xi32, #tpu.memory_space<vmem>>) semaphore(%arg15 : memref<!tpu.dma_semaphore, #tpu.memory_space<semaphore_mem>>)
      %dma_wait3A = arith.constant 0 : i32
      %dma_wait3A_159 = tpu.memref_slice %arg10[%scan3A_153, %dma_wait3A] : memref<40x128xi32, #tpu.memory_space<vmem>> -> memref<1x128xi32, #tpu.memory_space<vmem>>
      %dma_wait3A_160 = tpu.memref_squeeze %dma_wait3A_159 : memref<1x128xi32, #tpu.memory_space<vmem>> -> memref<128xi32, #tpu.memory_space<vmem>>
      %dma_wait3A_161 = arith.constant 0 : i32
      %dma_wait3A_162 = arith.constant 0 : i32
      %dma_wait3A_163 = tpu.memref_slice %arg5[%dma_wait3A_161, %dma_wait3A_162] : memref<10240x128xf32, #tpu.memory_space<hbm>> -> memref<10240x128xf32, #tpu.memory_space<hbm>>
      tpu.wait_indirect_dma semaphore(%arg15 : memref<!tpu.dma_semaphore, #tpu.memory_space<semaphore_mem>>) src(%dma_wait3A_163 : memref<10240x128xf32, #tpu.memory_space<hbm>>) dst(%arg12 : memref<128x128xf32, #tpu.memory_space<vmem>>)
      "tpu.region"() ({
        %run_scoped3A = tpu.sem_alloc : memref<!tpu.dma_semaphore, #tpu.memory_space<semaphore_mem>>
        %dma_start3A_164 = arith.constant 0 : i32
        %dma_start3A_165 = tpu.memref_slice %arg11[%scan3A_153, %dma_start3A_164] : memref<40x128xi32, #tpu.memory_space<vmem>> -> memref<1x128xi32, #tpu.memory_space<vmem>>
        %dma_start3A_166 = tpu.memref_squeeze %dma_start3A_165 : memref<1x128xi32, #tpu.memory_space<vmem>> -> memref<128xi32, #tpu.memory_space<vmem>>
        %dma_start3A_167 = arith.constant 0 : i32
        %dma_start3A_168 = arith.constant 0 : i32
        %dma_start3A_169 = tpu.memref_slice %arg14[%dma_start3A_167, %dma_start3A_168] : memref<10240x128xf32, #tpu.memory_space<vmem_shared>> -> memref<10240x128xf32, #tpu.memory_space<vmem_shared>>
        tpu.enqueue_indirect_dma source(%arg12 : memref<128x128xf32, #tpu.memory_space<vmem>>) target(%dma_start3A_169 : memref<10240x128xf32, #tpu.memory_space<vmem_shared>>) offsets(%dma_start3A_166 : memref<128xi32, #tpu.memory_space<vmem>>) semaphore(%run_scoped3A : memref<!tpu.dma_semaphore, #tpu.memory_space<semaphore_mem>>) {add = true}
        %dma_wait3A_170 = arith.constant 0 : i32
        %dma_wait3A_171 = tpu.memref_slice %arg11[%scan3A_153, %dma_wait3A_170] : memref<40x128xi32, #tpu.memory_space<vmem>> -> memref<1x128xi32, #tpu.memory_space<vmem>>
        %dma_wait3A_172 = tpu.memref_squeeze %dma_wait3A_171 : memref<1x128xi32, #tpu.memory_space<vmem>> -> memref<128xi32, #tpu.memory_space<vmem>>
        %dma_wait3A_173 = arith.constant 0 : i32
        %dma_wait3A_174 = arith.constant 0 : i32
        %dma_wait3A_175 = tpu.memref_slice %arg14[%dma_wait3A_173, %dma_wait3A_174] : memref<10240x128xf32, #tpu.memory_space<vmem_shared>> -> memref<10240x128xf32, #tpu.memory_space<vmem_shared>>
        tpu.wait_indirect_dma semaphore(%run_scoped3A : memref<!tpu.dma_semaphore, #tpu.memory_space<semaphore_mem>>) src(%arg12 : memref<128x128xf32, #tpu.memory_space<vmem>>) dst(%dma_wait3A_175 : memref<10240x128xf32, #tpu.memory_space<vmem_shared>>)
        tpu.yield
      }) : () -> ()
    }
    %scan3A_27 = arith.constant 40 : i32
    %barrier3A_28 = arith.constant 0 : index
    tpu.barrier barrier_id(%barrier3A_28)
    %mul3A_29 = arith.constant 10240 : i32
    %mul3A_30 = arith.muli %arg0, %mul3A_29 : i32
    %add3A_31 = arith.constant 0 : i32
    %add3A_32 = arith.addi %add3A_31, %mul3A_30 : i32
    %mul3A_33 = arith.constant 640 : i32
    %mul3A_34 = arith.muli %arg1, %mul3A_33 : i32
    %add3A_35 = arith.addi %add3A_32, %mul3A_34 : i32
    %mul3A_36 = arith.constant 640 : i32
    %mul3A_37 = arith.muli %arg1, %mul3A_36 : i32
    "tpu.region"() ({
      %run_scoped3A = tpu.sem_alloc : memref<!tpu.dma_semaphore, #tpu.memory_space<semaphore_mem>>
      %dma_start3A = arith.constant 0 : i32
      %dma_start3A_153 = tpu.memref_slice %arg9[%add3A_35, %dma_start3A] : memref<81920x128xf32, #tpu.memory_space<hbm>> -> memref<640x128xf32, #tpu.memory_space<hbm>>
      %dma_start3A_154 = arith.constant 0 : i32
      %dma_start3A_155 = tpu.memref_slice %arg14[%mul3A_37, %dma_start3A_154] : memref<10240x128xf32, #tpu.memory_space<vmem_shared>> -> memref<640x128xf32, #tpu.memory_space<vmem_shared>>
      tpu.enqueue_dma source(%dma_start3A_155 : memref<640x128xf32, #tpu.memory_space<vmem_shared>>) target(%dma_start3A_153 : memref<640x128xf32, #tpu.memory_space<hbm>>) target_semaphore(%run_scoped3A : memref<!tpu.dma_semaphore, #tpu.memory_space<semaphore_mem>>)
      %dma_wait3A = arith.constant 0 : i32
      %dma_wait3A_156 = tpu.memref_slice %arg9[%add3A_35, %dma_wait3A] : memref<81920x128xf32, #tpu.memory_space<hbm>> -> memref<640x128xf32, #tpu.memory_space<hbm>>
      %dma_wait3A_157 = arith.constant 0 : i32
      %dma_wait3A_158 = tpu.memref_slice %arg14[%mul3A_37, %dma_wait3A_157] : memref<10240x128xf32, #tpu.memory_space<vmem_shared>> -> memref<640x128xf32, #tpu.memory_space<vmem_shared>>
      tpu.wait_dma2 semaphore(%run_scoped3A : memref<!tpu.dma_semaphore, #tpu.memory_space<semaphore_mem>>) src(%dma_wait3A_158 : memref<640x128xf32, #tpu.memory_space<vmem_shared>>) dst(%dma_wait3A_156 : memref<640x128xf32, #tpu.memory_space<hbm>>)
      tpu.yield
    }) : () -> ()
    %barrier3A_38 = arith.constant 0 : index
    tpu.barrier barrier_id(%barrier3A_38)
    %mul3A_39 = arith.constant 640 : i32
    %mul3A_40 = arith.muli %arg1, %mul3A_39 : i32
    %add3A_41 = arith.constant 0 : i32
    %add3A_42 = arith.addi %mul3A_40, %add3A_41 : i32
    "tpu.region"() ({
      %run_scoped3A = tpu.sem_alloc : memref<!tpu.dma_semaphore, #tpu.memory_space<semaphore_mem>>
      %dma_start3A = arith.constant 0 : i32
      %dma_start3A_153 = tpu.memref_slice %arg14[%add3A_42, %dma_start3A] : memref<10240x128xf32, #tpu.memory_space<vmem_shared>> -> memref<128x128xf32, #tpu.memory_space<vmem_shared>>
      tpu.enqueue_dma source(%arg4 : memref<128x128xf32, #tpu.memory_space<hbm>>) target(%dma_start3A_153 : memref<128x128xf32, #tpu.memory_space<vmem_shared>>) target_semaphore(%run_scoped3A : memref<!tpu.dma_semaphore, #tpu.memory_space<semaphore_mem>>)
      %dma_wait3A = arith.constant 0 : i32
      %dma_wait3A_154 = tpu.memref_slice %arg14[%add3A_42, %dma_wait3A] : memref<10240x128xf32, #tpu.memory_space<vmem_shared>> -> memref<128x128xf32, #tpu.memory_space<vmem_shared>>
      tpu.wait_dma2 semaphore(%run_scoped3A : memref<!tpu.dma_semaphore, #tpu.memory_space<semaphore_mem>>) src(%arg4 : memref<128x128xf32, #tpu.memory_space<hbm>>) dst(%dma_wait3A_154 : memref<128x128xf32, #tpu.memory_space<vmem_shared>>)
      tpu.yield
    }) : () -> ()
    %mul3A_43 = arith.constant 640 : i32
    %mul3A_44 = arith.muli %arg1, %mul3A_43 : i32
    %add3A_45 = arith.constant 128 : i32
    %add3A_46 = arith.addi %mul3A_44, %add3A_45 : i32
    "tpu.region"() ({
      %run_scoped3A = tpu.sem_alloc : memref<!tpu.dma_semaphore, #tpu.memory_space<semaphore_mem>>
      %dma_start3A = arith.constant 0 : i32
      %dma_start3A_153 = tpu.memref_slice %arg14[%add3A_46, %dma_start3A] : memref<10240x128xf32, #tpu.memory_space<vmem_shared>> -> memref<128x128xf32, #tpu.memory_space<vmem_shared>>
      tpu.enqueue_dma source(%arg4 : memref<128x128xf32, #tpu.memory_space<hbm>>) target(%dma_start3A_153 : memref<128x128xf32, #tpu.memory_space<vmem_shared>>) target_semaphore(%run_scoped3A : memref<!tpu.dma_semaphore, #tpu.memory_space<semaphore_mem>>)
      %dma_wait3A = arith.constant 0 : i32
      %dma_wait3A_154 = tpu.memref_slice %arg14[%add3A_46, %dma_wait3A] : memref<10240x128xf32, #tpu.memory_space<vmem_shared>> -> memref<128x128xf32, #tpu.memory_space<vmem_shared>>
      tpu.wait_dma2 semaphore(%run_scoped3A : memref<!tpu.dma_semaphore, #tpu.memory_space<semaphore_mem>>) src(%arg4 : memref<128x128xf32, #tpu.memory_space<hbm>>) dst(%dma_wait3A_154 : memref<128x128xf32, #tpu.memory_space<vmem_shared>>)
      tpu.yield
    }) : () -> ()
    %mul3A_47 = arith.constant 640 : i32
    %mul3A_48 = arith.muli %arg1, %mul3A_47 : i32
    %add3A_49 = arith.constant 256 : i32
    %add3A_50 = arith.addi %mul3A_48, %add3A_49 : i32
    "tpu.region"() ({
      %run_scoped3A = tpu.sem_alloc : memref<!tpu.dma_semaphore, #tpu.memory_space<semaphore_mem>>
      %dma_start3A = arith.constant 0 : i32
      %dma_start3A_153 = tpu.memref_slice %arg14[%add3A_50, %dma_start3A] : memref<10240x128xf32, #tpu.memory_space<vmem_shared>> -> memref<128x128xf32, #tpu.memory_space<vmem_shared>>
      tpu.enqueue_dma source(%arg4 : memref<128x128xf32, #tpu.memory_space<hbm>>) target(%dma_start3A_153 : memref<128x128xf32, #tpu.memory_space<vmem_shared>>) target_semaphore(%run_scoped3A : memref<!tpu.dma_semaphore, #tpu.memory_space<semaphore_mem>>)
      %dma_wait3A = arith.constant 0 : i32
      %dma_wait3A_154 = tpu.memref_slice %arg14[%add3A_50, %dma_wait3A] : memref<10240x128xf32, #tpu.memory_space<vmem_shared>> -> memref<128x128xf32, #tpu.memory_space<vmem_shared>>
      tpu.wait_dma2 semaphore(%run_scoped3A : memref<!tpu.dma_semaphore, #tpu.memory_space<semaphore_mem>>) src(%arg4 : memref<128x128xf32, #tpu.memory_space<hbm>>) dst(%dma_wait3A_154 : memref<128x128xf32, #tpu.memory_space<vmem_shared>>)
      tpu.yield
    }) : () -> ()
    %mul3A_51 = arith.constant 640 : i32
    %mul3A_52 = arith.muli %arg1, %mul3A_51 : i32
    %add3A_53 = arith.constant 384 : i32
    %add3A_54 = arith.addi %mul3A_52, %add3A_53 : i32
    "tpu.region"() ({
      %run_scoped3A = tpu.sem_alloc : memref<!tpu.dma_semaphore, #tpu.memory_space<semaphore_mem>>
      %dma_start3A = arith.constant 0 : i32
      %dma_start3A_153 = tpu.memref_slice %arg14[%add3A_54, %dma_start3A] : memref<10240x128xf32, #tpu.memory_space<vmem_shared>> -> memref<128x128xf32, #tpu.memory_space<vmem_shared>>
      tpu.enqueue_dma source(%arg4 : memref<128x128xf32, #tpu.memory_space<hbm>>) target(%dma_start3A_153 : memref<128x128xf32, #tpu.memory_space<vmem_shared>>) target_semaphore(%run_scoped3A : memref<!tpu.dma_semaphore, #tpu.memory_space<semaphore_mem>>)
      %dma_wait3A = arith.constant 0 : i32
      %dma_wait3A_154 = tpu.memref_slice %arg14[%add3A_54, %dma_wait3A] : memref<10240x128xf32, #tpu.memory_space<vmem_shared>> -> memref<128x128xf32, #tpu.memory_space<vmem_shared>>
      tpu.wait_dma2 semaphore(%run_scoped3A : memref<!tpu.dma_semaphore, #tpu.memory_space<semaphore_mem>>) src(%arg4 : memref<128x128xf32, #tpu.memory_space<hbm>>) dst(%dma_wait3A_154 : memref<128x128xf32, #tpu.memory_space<vmem_shared>>)
      tpu.yield
    }) : () -> ()
    %mul3A_55 = arith.constant 640 : i32
    %mul3A_56 = arith.muli %arg1, %mul3A_55 : i32
    %add3A_57 = arith.constant 512 : i32
    %add3A_58 = arith.addi %mul3A_56, %add3A_57 : i32
    "tpu.region"() ({
      %run_scoped3A = tpu.sem_alloc : memref<!tpu.dma_semaphore, #tpu.memory_space<semaphore_mem>>
      %dma_start3A = arith.constant 0 : i32
      %dma_start3A_153 = tpu.memref_slice %arg14[%add3A_58, %dma_start3A] : memref<10240x128xf32, #tpu.memory_space<vmem_shared>> -> memref<128x128xf32, #tpu.memory_space<vmem_shared>>
      tpu.enqueue_dma source(%arg4 : memref<128x128xf32, #tpu.memory_space<hbm>>) target(%dma_start3A_153 : memref<128x128xf32, #tpu.memory_space<vmem_shared>>) target_semaphore(%run_scoped3A : memref<!tpu.dma_semaphore, #tpu.memory_space<semaphore_mem>>)
      %dma_wait3A = arith.constant 0 : i32
      %dma_wait3A_154 = tpu.memref_slice %arg14[%add3A_58, %dma_wait3A] : memref<10240x128xf32, #tpu.memory_space<vmem_shared>> -> memref<128x128xf32, #tpu.memory_space<vmem_shared>>
      tpu.wait_dma2 semaphore(%run_scoped3A : memref<!tpu.dma_semaphore, #tpu.memory_space<semaphore_mem>>) src(%arg4 : memref<128x128xf32, #tpu.memory_space<hbm>>) dst(%dma_wait3A_154 : memref<128x128xf32, #tpu.memory_space<vmem_shared>>)
      tpu.yield
    }) : () -> ()
    %barrier3A_59 = arith.constant 0 : index
    tpu.barrier barrier_id(%barrier3A_59)
    %scan3A_60 = arith.constant 0 : i32
    %scan3A_61 = arith.constant 0 : i32
    %scan3A_62 = arith.constant 40 : i32
    %scan3A_63 = arith.addi %scan3A_61, %scan3A_62 : i32
    %scan3A_64 = arith.constant 1 : i32
    scf.for %scan3A_153 = %scan3A_61 to %scan3A_63 step %scan3A_64  : i32 {
      %dma_start3A = arith.constant 0 : i32
      %dma_start3A_154 = tpu.memref_slice %arg10[%scan3A_153, %dma_start3A] : memref<40x128xi32, #tpu.memory_space<vmem>> -> memref<1x128xi32, #tpu.memory_space<vmem>>
      %dma_start3A_155 = tpu.memref_squeeze %dma_start3A_154 : memref<1x128xi32, #tpu.memory_space<vmem>> -> memref<128xi32, #tpu.memory_space<vmem>>
      %dma_start3A_156 = arith.constant 0 : i32
      %dma_start3A_157 = arith.constant 0 : i32
      %dma_start3A_158 = tpu.memref_slice %arg6[%dma_start3A_156, %dma_start3A_157] : memref<10240x128xf32, #tpu.memory_space<hbm>> -> memref<10240x128xf32, #tpu.memory_space<hbm>>
      tpu.enqueue_indirect_dma source(%dma_start3A_158 : memref<10240x128xf32, #tpu.memory_space<hbm>>) target(%arg12 : memref<128x128xf32, #tpu.memory_space<vmem>>) offsets(%dma_start3A_155 : memref<128xi32, #tpu.memory_space<vmem>>) semaphore(%arg15 : memref<!tpu.dma_semaphore, #tpu.memory_space<semaphore_mem>>)
      %dma_wait3A = arith.constant 0 : i32
      %dma_wait3A_159 = tpu.memref_slice %arg10[%scan3A_153, %dma_wait3A] : memref<40x128xi32, #tpu.memory_space<vmem>> -> memref<1x128xi32, #tpu.memory_space<vmem>>
      %dma_wait3A_160 = tpu.memref_squeeze %dma_wait3A_159 : memref<1x128xi32, #tpu.memory_space<vmem>> -> memref<128xi32, #tpu.memory_space<vmem>>
      %dma_wait3A_161 = arith.constant 0 : i32
      %dma_wait3A_162 = arith.constant 0 : i32
      %dma_wait3A_163 = tpu.memref_slice %arg6[%dma_wait3A_161, %dma_wait3A_162] : memref<10240x128xf32, #tpu.memory_space<hbm>> -> memref<10240x128xf32, #tpu.memory_space<hbm>>
      tpu.wait_indirect_dma semaphore(%arg15 : memref<!tpu.dma_semaphore, #tpu.memory_space<semaphore_mem>>) src(%dma_wait3A_163 : memref<10240x128xf32, #tpu.memory_space<hbm>>) dst(%arg12 : memref<128x128xf32, #tpu.memory_space<vmem>>)
      "tpu.region"() ({
        %run_scoped3A = tpu.sem_alloc : memref<!tpu.dma_semaphore, #tpu.memory_space<semaphore_mem>>
        %dma_start3A_164 = arith.constant 0 : i32
        %dma_start3A_165 = tpu.memref_slice %arg11[%scan3A_153, %dma_start3A_164] : memref<40x128xi32, #tpu.memory_space<vmem>> -> memref<1x128xi32, #tpu.memory_space<vmem>>
        %dma_start3A_166 = tpu.memref_squeeze %dma_start3A_165 : memref<1x128xi32, #tpu.memory_space<vmem>> -> memref<128xi32, #tpu.memory_space<vmem>>
        %dma_start3A_167 = arith.constant 0 : i32
        %dma_start3A_168 = arith.constant 0 : i32
        %dma_start3A_169 = tpu.memref_slice %arg14[%dma_start3A_167, %dma_start3A_168] : memref<10240x128xf32, #tpu.memory_space<vmem_shared>> -> memref<10240x128xf32, #tpu.memory_space<vmem_shared>>
        tpu.enqueue_indirect_dma source(%arg12 : memref<128x128xf32, #tpu.memory_space<vmem>>) target(%dma_start3A_169 : memref<10240x128xf32, #tpu.memory_space<vmem_shared>>) offsets(%dma_start3A_166 : memref<128xi32, #tpu.memory_space<vmem>>) semaphore(%run_scoped3A : memref<!tpu.dma_semaphore, #tpu.memory_space<semaphore_mem>>) {add = true}
        %dma_wait3A_170 = arith.constant 0 : i32
        %dma_wait3A_171 = tpu.memref_slice %arg11[%scan3A_153, %dma_wait3A_170] : memref<40x128xi32, #tpu.memory_space<vmem>> -> memref<1x128xi32, #tpu.memory_space<vmem>>
        %dma_wait3A_172 = tpu.memref_squeeze %dma_wait3A_171 : memref<1x128xi32, #tpu.memory_space<vmem>> -> memref<128xi32, #tpu.memory_space<vmem>>
        %dma_wait3A_173 = arith.constant 0 : i32
        %dma_wait3A_174 = arith.constant 0 : i32
        %dma_wait3A_175 = tpu.memref_slice %arg14[%dma_wait3A_173, %dma_wait3A_174] : memref<10240x128xf32, #tpu.memory_space<vmem_shared>> -> memref<10240x128xf32, #tpu.memory_space<vmem_shared>>
        tpu.wait_indirect_dma semaphore(%run_scoped3A : memref<!tpu.dma_semaphore, #tpu.memory_space<semaphore_mem>>) src(%arg12 : memref<128x128xf32, #tpu.memory_space<vmem>>) dst(%dma_wait3A_175 : memref<10240x128xf32, #tpu.memory_space<vmem_shared>>)
        tpu.yield
      }) : () -> ()
    }
    %scan3A_65 = arith.constant 40 : i32
    %barrier3A_66 = arith.constant 0 : index
    tpu.barrier barrier_id(%barrier3A_66)
    %mul3A_67 = arith.constant 10240 : i32
    %mul3A_68 = arith.muli %arg0, %mul3A_67 : i32
    %add3A_69 = arith.constant 20480 : i32
    %add3A_70 = arith.addi %add3A_69, %mul3A_68 : i32
    %mul3A_71 = arith.constant 640 : i32
    %mul3A_72 = arith.muli %arg1, %mul3A_71 : i32
    %add3A_73 = arith.addi %add3A_70, %mul3A_72 : i32
    %mul3A_74 = arith.constant 640 : i32
    %mul3A_75 = arith.muli %arg1, %mul3A_74 : i32
    "tpu.region"() ({
      %run_scoped3A = tpu.sem_alloc : memref<!tpu.dma_semaphore, #tpu.memory_space<semaphore_mem>>
      %dma_start3A = arith.constant 0 : i32
      %dma_start3A_153 = tpu.memref_slice %arg9[%add3A_73, %dma_start3A] : memref<81920x128xf32, #tpu.memory_space<hbm>> -> memref<640x128xf32, #tpu.memory_space<hbm>>
      %dma_start3A_154 = arith.constant 0 : i32
      %dma_start3A_155 = tpu.memref_slice %arg14[%mul3A_75, %dma_start3A_154] : memref<10240x128xf32, #tpu.memory_space<vmem_shared>> -> memref<640x128xf32, #tpu.memory_space<vmem_shared>>
      tpu.enqueue_dma source(%dma_start3A_155 : memref<640x128xf32, #tpu.memory_space<vmem_shared>>) target(%dma_start3A_153 : memref<640x128xf32, #tpu.memory_space<hbm>>) target_semaphore(%run_scoped3A : memref<!tpu.dma_semaphore, #tpu.memory_space<semaphore_mem>>)
      %dma_wait3A = arith.constant 0 : i32
      %dma_wait3A_156 = tpu.memref_slice %arg9[%add3A_73, %dma_wait3A] : memref<81920x128xf32, #tpu.memory_space<hbm>> -> memref<640x128xf32, #tpu.memory_space<hbm>>
      %dma_wait3A_157 = arith.constant 0 : i32
      %dma_wait3A_158 = tpu.memref_slice %arg14[%mul3A_75, %dma_wait3A_157] : memref<10240x128xf32, #tpu.memory_space<vmem_shared>> -> memref<640x128xf32, #tpu.memory_space<vmem_shared>>
      tpu.wait_dma2 semaphore(%run_scoped3A : memref<!tpu.dma_semaphore, #tpu.memory_space<semaphore_mem>>) src(%dma_wait3A_158 : memref<640x128xf32, #tpu.memory_space<vmem_shared>>) dst(%dma_wait3A_156 : memref<640x128xf32, #tpu.memory_space<hbm>>)
      tpu.yield
    }) : () -> ()
    %barrier3A_76 = arith.constant 0 : index
    tpu.barrier barrier_id(%barrier3A_76)
    %mul3A_77 = arith.constant 640 : i32
    %mul3A_78 = arith.muli %arg1, %mul3A_77 : i32
    %add3A_79 = arith.constant 0 : i32
    %add3A_80 = arith.addi %mul3A_78, %add3A_79 : i32
    "tpu.region"() ({
      %run_scoped3A = tpu.sem_alloc : memref<!tpu.dma_semaphore, #tpu.memory_space<semaphore_mem>>
      %dma_start3A = arith.constant 0 : i32
      %dma_start3A_153 = tpu.memref_slice %arg14[%add3A_80, %dma_start3A] : memref<10240x128xf32, #tpu.memory_space<vmem_shared>> -> memref<128x128xf32, #tpu.memory_space<vmem_shared>>
      tpu.enqueue_dma source(%arg4 : memref<128x128xf32, #tpu.memory_space<hbm>>) target(%dma_start3A_153 : memref<128x128xf32, #tpu.memory_space<vmem_shared>>) target_semaphore(%run_scoped3A : memref<!tpu.dma_semaphore, #tpu.memory_space<semaphore_mem>>)
      %dma_wait3A = arith.constant 0 : i32
      %dma_wait3A_154 = tpu.memref_slice %arg14[%add3A_80, %dma_wait3A] : memref<10240x128xf32, #tpu.memory_space<vmem_shared>> -> memref<128x128xf32, #tpu.memory_space<vmem_shared>>
      tpu.wait_dma2 semaphore(%run_scoped3A : memref<!tpu.dma_semaphore, #tpu.memory_space<semaphore_mem>>) src(%arg4 : memref<128x128xf32, #tpu.memory_space<hbm>>) dst(%dma_wait3A_154 : memref<128x128xf32, #tpu.memory_space<vmem_shared>>)
      tpu.yield
    }) : () -> ()
    %mul3A_81 = arith.constant 640 : i32
    %mul3A_82 = arith.muli %arg1, %mul3A_81 : i32
    %add3A_83 = arith.constant 128 : i32
    %add3A_84 = arith.addi %mul3A_82, %add3A_83 : i32
    "tpu.region"() ({
      %run_scoped3A = tpu.sem_alloc : memref<!tpu.dma_semaphore, #tpu.memory_space<semaphore_mem>>
      %dma_start3A = arith.constant 0 : i32
      %dma_start3A_153 = tpu.memref_slice %arg14[%add3A_84, %dma_start3A] : memref<10240x128xf32, #tpu.memory_space<vmem_shared>> -> memref<128x128xf32, #tpu.memory_space<vmem_shared>>
      tpu.enqueue_dma source(%arg4 : memref<128x128xf32, #tpu.memory_space<hbm>>) target(%dma_start3A_153 : memref<128x128xf32, #tpu.memory_space<vmem_shared>>) target_semaphore(%run_scoped3A : memref<!tpu.dma_semaphore, #tpu.memory_space<semaphore_mem>>)
      %dma_wait3A = arith.constant 0 : i32
      %dma_wait3A_154 = tpu.memref_slice %arg14[%add3A_84, %dma_wait3A] : memref<10240x128xf32, #tpu.memory_space<vmem_shared>> -> memref<128x128xf32, #tpu.memory_space<vmem_shared>>
      tpu.wait_dma2 semaphore(%run_scoped3A : memref<!tpu.dma_semaphore, #tpu.memory_space<semaphore_mem>>) src(%arg4 : memref<128x128xf32, #tpu.memory_space<hbm>>) dst(%dma_wait3A_154 : memref<128x128xf32, #tpu.memory_space<vmem_shared>>)
      tpu.yield
    }) : () -> ()
    %mul3A_85 = arith.constant 640 : i32
    %mul3A_86 = arith.muli %arg1, %mul3A_85 : i32
    %add3A_87 = arith.constant 256 : i32
    %add3A_88 = arith.addi %mul3A_86, %add3A_87 : i32
    "tpu.region"() ({
      %run_scoped3A = tpu.sem_alloc : memref<!tpu.dma_semaphore, #tpu.memory_space<semaphore_mem>>
      %dma_start3A = arith.constant 0 : i32
      %dma_start3A_153 = tpu.memref_slice %arg14[%add3A_88, %dma_start3A] : memref<10240x128xf32, #tpu.memory_space<vmem_shared>> -> memref<128x128xf32, #tpu.memory_space<vmem_shared>>
      tpu.enqueue_dma source(%arg4 : memref<128x128xf32, #tpu.memory_space<hbm>>) target(%dma_start3A_153 : memref<128x128xf32, #tpu.memory_space<vmem_shared>>) target_semaphore(%run_scoped3A : memref<!tpu.dma_semaphore, #tpu.memory_space<semaphore_mem>>)
      %dma_wait3A = arith.constant 0 : i32
      %dma_wait3A_154 = tpu.memref_slice %arg14[%add3A_88, %dma_wait3A] : memref<10240x128xf32, #tpu.memory_space<vmem_shared>> -> memref<128x128xf32, #tpu.memory_space<vmem_shared>>
      tpu.wait_dma2 semaphore(%run_scoped3A : memref<!tpu.dma_semaphore, #tpu.memory_space<semaphore_mem>>) src(%arg4 : memref<128x128xf32, #tpu.memory_space<hbm>>) dst(%dma_wait3A_154 : memref<128x128xf32, #tpu.memory_space<vmem_shared>>)
      tpu.yield
    }) : () -> ()
    %mul3A_89 = arith.constant 640 : i32
    %mul3A_90 = arith.muli %arg1, %mul3A_89 : i32
    %add3A_91 = arith.constant 384 : i32
    %add3A_92 = arith.addi %mul3A_90, %add3A_91 : i32
    "tpu.region"() ({
      %run_scoped3A = tpu.sem_alloc : memref<!tpu.dma_semaphore, #tpu.memory_space<semaphore_mem>>
      %dma_start3A = arith.constant 0 : i32
      %dma_start3A_153 = tpu.memref_slice %arg14[%add3A_92, %dma_start3A] : memref<10240x128xf32, #tpu.memory_space<vmem_shared>> -> memref<128x128xf32, #tpu.memory_space<vmem_shared>>
      tpu.enqueue_dma source(%arg4 : memref<128x128xf32, #tpu.memory_space<hbm>>) target(%dma_start3A_153 : memref<128x128xf32, #tpu.memory_space<vmem_shared>>) target_semaphore(%run_scoped3A : memref<!tpu.dma_semaphore, #tpu.memory_space<semaphore_mem>>)
      %dma_wait3A = arith.constant 0 : i32
      %dma_wait3A_154 = tpu.memref_slice %arg14[%add3A_92, %dma_wait3A] : memref<10240x128xf32, #tpu.memory_space<vmem_shared>> -> memref<128x128xf32, #tpu.memory_space<vmem_shared>>
      tpu.wait_dma2 semaphore(%run_scoped3A : memref<!tpu.dma_semaphore, #tpu.memory_space<semaphore_mem>>) src(%arg4 : memref<128x128xf32, #tpu.memory_space<hbm>>) dst(%dma_wait3A_154 : memref<128x128xf32, #tpu.memory_space<vmem_shared>>)
      tpu.yield
    }) : () -> ()
    %mul3A_93 = arith.constant 640 : i32
    %mul3A_94 = arith.muli %arg1, %mul3A_93 : i32
    %add3A_95 = arith.constant 512 : i32
    %add3A_96 = arith.addi %mul3A_94, %add3A_95 : i32
    "tpu.region"() ({
      %run_scoped3A = tpu.sem_alloc : memref<!tpu.dma_semaphore, #tpu.memory_space<semaphore_mem>>
      %dma_start3A = arith.constant 0 : i32
      %dma_start3A_153 = tpu.memref_slice %arg14[%add3A_96, %dma_start3A] : memref<10240x128xf32, #tpu.memory_space<vmem_shared>> -> memref<128x128xf32, #tpu.memory_space<vmem_shared>>
      tpu.enqueue_dma source(%arg4 : memref<128x128xf32, #tpu.memory_space<hbm>>) target(%dma_start3A_153 : memref<128x128xf32, #tpu.memory_space<vmem_shared>>) target_semaphore(%run_scoped3A : memref<!tpu.dma_semaphore, #tpu.memory_space<semaphore_mem>>)
      %dma_wait3A = arith.constant 0 : i32
      %dma_wait3A_154 = tpu.memref_slice %arg14[%add3A_96, %dma_wait3A] : memref<10240x128xf32, #tpu.memory_space<vmem_shared>> -> memref<128x128xf32, #tpu.memory_space<vmem_shared>>
      tpu.wait_dma2 semaphore(%run_scoped3A : memref<!tpu.dma_semaphore, #tpu.memory_space<semaphore_mem>>) src(%arg4 : memref<128x128xf32, #tpu.memory_space<hbm>>) dst(%dma_wait3A_154 : memref<128x128xf32, #tpu.memory_space<vmem_shared>>)
      tpu.yield
    }) : () -> ()
    %barrier3A_97 = arith.constant 0 : index
    tpu.barrier barrier_id(%barrier3A_97)
    %scan3A_98 = arith.constant 0 : i32
    %scan3A_99 = arith.constant 0 : i32
    %scan3A_100 = arith.constant 40 : i32
    %scan3A_101 = arith.addi %scan3A_99, %scan3A_100 : i32
    %scan3A_102 = arith.constant 1 : i32
    scf.for %scan3A_153 = %scan3A_99 to %scan3A_101 step %scan3A_102  : i32 {
      %dma_start3A = arith.constant 0 : i32
      %dma_start3A_154 = tpu.memref_slice %arg10[%scan3A_153, %dma_start3A] : memref<40x128xi32, #tpu.memory_space<vmem>> -> memref<1x128xi32, #tpu.memory_space<vmem>>
      %dma_start3A_155 = tpu.memref_squeeze %dma_start3A_154 : memref<1x128xi32, #tpu.memory_space<vmem>> -> memref<128xi32, #tpu.memory_space<vmem>>
      %dma_start3A_156 = arith.constant 0 : i32
      %dma_start3A_157 = arith.constant 0 : i32
      %dma_start3A_158 = tpu.memref_slice %arg7[%dma_start3A_156, %dma_start3A_157] : memref<10240x128xf32, #tpu.memory_space<hbm>> -> memref<10240x128xf32, #tpu.memory_space<hbm>>
      tpu.enqueue_indirect_dma source(%dma_start3A_158 : memref<10240x128xf32, #tpu.memory_space<hbm>>) target(%arg12 : memref<128x128xf32, #tpu.memory_space<vmem>>) offsets(%dma_start3A_155 : memref<128xi32, #tpu.memory_space<vmem>>) semaphore(%arg15 : memref<!tpu.dma_semaphore, #tpu.memory_space<semaphore_mem>>)
      %dma_wait3A = arith.constant 0 : i32
      %dma_wait3A_159 = tpu.memref_slice %arg10[%scan3A_153, %dma_wait3A] : memref<40x128xi32, #tpu.memory_space<vmem>> -> memref<1x128xi32, #tpu.memory_space<vmem>>
      %dma_wait3A_160 = tpu.memref_squeeze %dma_wait3A_159 : memref<1x128xi32, #tpu.memory_space<vmem>> -> memref<128xi32, #tpu.memory_space<vmem>>
      %dma_wait3A_161 = arith.constant 0 : i32
      %dma_wait3A_162 = arith.constant 0 : i32
      %dma_wait3A_163 = tpu.memref_slice %arg7[%dma_wait3A_161, %dma_wait3A_162] : memref<10240x128xf32, #tpu.memory_space<hbm>> -> memref<10240x128xf32, #tpu.memory_space<hbm>>
      tpu.wait_indirect_dma semaphore(%arg15 : memref<!tpu.dma_semaphore, #tpu.memory_space<semaphore_mem>>) src(%dma_wait3A_163 : memref<10240x128xf32, #tpu.memory_space<hbm>>) dst(%arg12 : memref<128x128xf32, #tpu.memory_space<vmem>>)
      "tpu.region"() ({
        %run_scoped3A = tpu.sem_alloc : memref<!tpu.dma_semaphore, #tpu.memory_space<semaphore_mem>>
        %dma_start3A_164 = arith.constant 0 : i32
        %dma_start3A_165 = tpu.memref_slice %arg11[%scan3A_153, %dma_start3A_164] : memref<40x128xi32, #tpu.memory_space<vmem>> -> memref<1x128xi32, #tpu.memory_space<vmem>>
        %dma_start3A_166 = tpu.memref_squeeze %dma_start3A_165 : memref<1x128xi32, #tpu.memory_space<vmem>> -> memref<128xi32, #tpu.memory_space<vmem>>
        %dma_start3A_167 = arith.constant 0 : i32
        %dma_start3A_168 = arith.constant 0 : i32
        %dma_start3A_169 = tpu.memref_slice %arg14[%dma_start3A_167, %dma_start3A_168] : memref<10240x128xf32, #tpu.memory_space<vmem_shared>> -> memref<10240x128xf32, #tpu.memory_space<vmem_shared>>
        tpu.enqueue_indirect_dma source(%arg12 : memref<128x128xf32, #tpu.memory_space<vmem>>) target(%dma_start3A_169 : memref<10240x128xf32, #tpu.memory_space<vmem_shared>>) offsets(%dma_start3A_166 : memref<128xi32, #tpu.memory_space<vmem>>) semaphore(%run_scoped3A : memref<!tpu.dma_semaphore, #tpu.memory_space<semaphore_mem>>) {add = true}
        %dma_wait3A_170 = arith.constant 0 : i32
        %dma_wait3A_171 = tpu.memref_slice %arg11[%scan3A_153, %dma_wait3A_170] : memref<40x128xi32, #tpu.memory_space<vmem>> -> memref<1x128xi32, #tpu.memory_space<vmem>>
        %dma_wait3A_172 = tpu.memref_squeeze %dma_wait3A_171 : memref<1x128xi32, #tpu.memory_space<vmem>> -> memref<128xi32, #tpu.memory_space<vmem>>
        %dma_wait3A_173 = arith.constant 0 : i32
        %dma_wait3A_174 = arith.constant 0 : i32
        %dma_wait3A_175 = tpu.memref_slice %arg14[%dma_wait3A_173, %dma_wait3A_174] : memref<10240x128xf32, #tpu.memory_space<vmem_shared>> -> memref<10240x128xf32, #tpu.memory_space<vmem_shared>>
        tpu.wait_indirect_dma semaphore(%run_scoped3A : memref<!tpu.dma_semaphore, #tpu.memory_space<semaphore_mem>>) src(%arg12 : memref<128x128xf32, #tpu.memory_space<vmem>>) dst(%dma_wait3A_175 : memref<10240x128xf32, #tpu.memory_space<vmem_shared>>)
        tpu.yield
      }) : () -> ()
    }
    %scan3A_103 = arith.constant 40 : i32
    %barrier3A_104 = arith.constant 0 : index
    tpu.barrier barrier_id(%barrier3A_104)
    %mul3A_105 = arith.constant 10240 : i32
    %mul3A_106 = arith.muli %arg0, %mul3A_105 : i32
    %add3A_107 = arith.constant 40960 : i32
    %add3A_108 = arith.addi %add3A_107, %mul3A_106 : i32
    %mul3A_109 = arith.constant 640 : i32
    %mul3A_110 = arith.muli %arg1, %mul3A_109 : i32
    %add3A_111 = arith.addi %add3A_108, %mul3A_110 : i32
    %mul3A_112 = arith.constant 640 : i32
    %mul3A_113 = arith.muli %arg1, %mul3A_112 : i32
    "tpu.region"() ({
      %run_scoped3A = tpu.sem_alloc : memref<!tpu.dma_semaphore, #tpu.memory_space<semaphore_mem>>
      %dma_start3A = arith.constant 0 : i32
      %dma_start3A_153 = tpu.memref_slice %arg9[%add3A_111, %dma_start3A] : memref<81920x128xf32, #tpu.memory_space<hbm>> -> memref<640x128xf32, #tpu.memory_space<hbm>>
      %dma_start3A_154 = arith.constant 0 : i32
      %dma_start3A_155 = tpu.memref_slice %arg14[%mul3A_113, %dma_start3A_154] : memref<10240x128xf32, #tpu.memory_space<vmem_shared>> -> memref<640x128xf32, #tpu.memory_space<vmem_shared>>
      tpu.enqueue_dma source(%dma_start3A_155 : memref<640x128xf32, #tpu.memory_space<vmem_shared>>) target(%dma_start3A_153 : memref<640x128xf32, #tpu.memory_space<hbm>>) target_semaphore(%run_scoped3A : memref<!tpu.dma_semaphore, #tpu.memory_space<semaphore_mem>>)
      %dma_wait3A = arith.constant 0 : i32
      %dma_wait3A_156 = tpu.memref_slice %arg9[%add3A_111, %dma_wait3A] : memref<81920x128xf32, #tpu.memory_space<hbm>> -> memref<640x128xf32, #tpu.memory_space<hbm>>
      %dma_wait3A_157 = arith.constant 0 : i32
      %dma_wait3A_158 = tpu.memref_slice %arg14[%mul3A_113, %dma_wait3A_157] : memref<10240x128xf32, #tpu.memory_space<vmem_shared>> -> memref<640x128xf32, #tpu.memory_space<vmem_shared>>
      tpu.wait_dma2 semaphore(%run_scoped3A : memref<!tpu.dma_semaphore, #tpu.memory_space<semaphore_mem>>) src(%dma_wait3A_158 : memref<640x128xf32, #tpu.memory_space<vmem_shared>>) dst(%dma_wait3A_156 : memref<640x128xf32, #tpu.memory_space<hbm>>)
      tpu.yield
    }) : () -> ()
    %barrier3A_114 = arith.constant 0 : index
    tpu.barrier barrier_id(%barrier3A_114)
    %mul3A_115 = arith.constant 640 : i32
    %mul3A_116 = arith.muli %arg1, %mul3A_115 : i32
    %add3A_117 = arith.constant 0 : i32
    %add3A_118 = arith.addi %mul3A_116, %add3A_117 : i32
    "tpu.region"() ({
      %run_scoped3A = tpu.sem_alloc : memref<!tpu.dma_semaphore, #tpu.memory_space<semaphore_mem>>
      %dma_start3A = arith.constant 0 : i32
      %dma_start3A_153 = tpu.memref_slice %arg14[%add3A_118, %dma_start3A] : memref<10240x128xf32, #tpu.memory_space<vmem_shared>> -> memref<128x128xf32, #tpu.memory_space<vmem_shared>>
      tpu.enqueue_dma source(%arg4 : memref<128x128xf32, #tpu.memory_space<hbm>>) target(%dma_start3A_153 : memref<128x128xf32, #tpu.memory_space<vmem_shared>>) target_semaphore(%run_scoped3A : memref<!tpu.dma_semaphore, #tpu.memory_space<semaphore_mem>>)
      %dma_wait3A = arith.constant 0 : i32
      %dma_wait3A_154 = tpu.memref_slice %arg14[%add3A_118, %dma_wait3A] : memref<10240x128xf32, #tpu.memory_space<vmem_shared>> -> memref<128x128xf32, #tpu.memory_space<vmem_shared>>
      tpu.wait_dma2 semaphore(%run_scoped3A : memref<!tpu.dma_semaphore, #tpu.memory_space<semaphore_mem>>) src(%arg4 : memref<128x128xf32, #tpu.memory_space<hbm>>) dst(%dma_wait3A_154 : memref<128x128xf32, #tpu.memory_space<vmem_shared>>)
      tpu.yield
    }) : () -> ()
    %mul3A_119 = arith.constant 640 : i32
    %mul3A_120 = arith.muli %arg1, %mul3A_119 : i32
    %add3A_121 = arith.constant 128 : i32
    %add3A_122 = arith.addi %mul3A_120, %add3A_121 : i32
    "tpu.region"() ({
      %run_scoped3A = tpu.sem_alloc : memref<!tpu.dma_semaphore, #tpu.memory_space<semaphore_mem>>
      %dma_start3A = arith.constant 0 : i32
      %dma_start3A_153 = tpu.memref_slice %arg14[%add3A_122, %dma_start3A] : memref<10240x128xf32, #tpu.memory_space<vmem_shared>> -> memref<128x128xf32, #tpu.memory_space<vmem_shared>>
      tpu.enqueue_dma source(%arg4 : memref<128x128xf32, #tpu.memory_space<hbm>>) target(%dma_start3A_153 : memref<128x128xf32, #tpu.memory_space<vmem_shared>>) target_semaphore(%run_scoped3A : memref<!tpu.dma_semaphore, #tpu.memory_space<semaphore_mem>>)
      %dma_wait3A = arith.constant 0 : i32
      %dma_wait3A_154 = tpu.memref_slice %arg14[%add3A_122, %dma_wait3A] : memref<10240x128xf32, #tpu.memory_space<vmem_shared>> -> memref<128x128xf32, #tpu.memory_space<vmem_shared>>
      tpu.wait_dma2 semaphore(%run_scoped3A : memref<!tpu.dma_semaphore, #tpu.memory_space<semaphore_mem>>) src(%arg4 : memref<128x128xf32, #tpu.memory_space<hbm>>) dst(%dma_wait3A_154 : memref<128x128xf32, #tpu.memory_space<vmem_shared>>)
      tpu.yield
    }) : () -> ()
    %mul3A_123 = arith.constant 640 : i32
    %mul3A_124 = arith.muli %arg1, %mul3A_123 : i32
    %add3A_125 = arith.constant 256 : i32
    %add3A_126 = arith.addi %mul3A_124, %add3A_125 : i32
    "tpu.region"() ({
      %run_scoped3A = tpu.sem_alloc : memref<!tpu.dma_semaphore, #tpu.memory_space<semaphore_mem>>
      %dma_start3A = arith.constant 0 : i32
      %dma_start3A_153 = tpu.memref_slice %arg14[%add3A_126, %dma_start3A] : memref<10240x128xf32, #tpu.memory_space<vmem_shared>> -> memref<128x128xf32, #tpu.memory_space<vmem_shared>>
      tpu.enqueue_dma source(%arg4 : memref<128x128xf32, #tpu.memory_space<hbm>>) target(%dma_start3A_153 : memref<128x128xf32, #tpu.memory_space<vmem_shared>>) target_semaphore(%run_scoped3A : memref<!tpu.dma_semaphore, #tpu.memory_space<semaphore_mem>>)
      %dma_wait3A = arith.constant 0 : i32
      %dma_wait3A_154 = tpu.memref_slice %arg14[%add3A_126, %dma_wait3A] : memref<10240x128xf32, #tpu.memory_space<vmem_shared>> -> memref<128x128xf32, #tpu.memory_space<vmem_shared>>
      tpu.wait_dma2 semaphore(%run_scoped3A : memref<!tpu.dma_semaphore, #tpu.memory_space<semaphore_mem>>) src(%arg4 : memref<128x128xf32, #tpu.memory_space<hbm>>) dst(%dma_wait3A_154 : memref<128x128xf32, #tpu.memory_space<vmem_shared>>)
      tpu.yield
    }) : () -> ()
    %mul3A_127 = arith.constant 640 : i32
    %mul3A_128 = arith.muli %arg1, %mul3A_127 : i32
    %add3A_129 = arith.constant 384 : i32
    %add3A_130 = arith.addi %mul3A_128, %add3A_129 : i32
    "tpu.region"() ({
      %run_scoped3A = tpu.sem_alloc : memref<!tpu.dma_semaphore, #tpu.memory_space<semaphore_mem>>
      %dma_start3A = arith.constant 0 : i32
      %dma_start3A_153 = tpu.memref_slice %arg14[%add3A_130, %dma_start3A] : memref<10240x128xf32, #tpu.memory_space<vmem_shared>> -> memref<128x128xf32, #tpu.memory_space<vmem_shared>>
      tpu.enqueue_dma source(%arg4 : memref<128x128xf32, #tpu.memory_space<hbm>>) target(%dma_start3A_153 : memref<128x128xf32, #tpu.memory_space<vmem_shared>>) target_semaphore(%run_scoped3A : memref<!tpu.dma_semaphore, #tpu.memory_space<semaphore_mem>>)
      %dma_wait3A = arith.constant 0 : i32
      %dma_wait3A_154 = tpu.memref_slice %arg14[%add3A_130, %dma_wait3A] : memref<10240x128xf32, #tpu.memory_space<vmem_shared>> -> memref<128x128xf32, #tpu.memory_space<vmem_shared>>
      tpu.wait_dma2 semaphore(%run_scoped3A : memref<!tpu.dma_semaphore, #tpu.memory_space<semaphore_mem>>) src(%arg4 : memref<128x128xf32, #tpu.memory_space<hbm>>) dst(%dma_wait3A_154 : memref<128x128xf32, #tpu.memory_space<vmem_shared>>)
      tpu.yield
    }) : () -> ()
    %mul3A_131 = arith.constant 640 : i32
    %mul3A_132 = arith.muli %arg1, %mul3A_131 : i32
    %add3A_133 = arith.constant 512 : i32
    %add3A_134 = arith.addi %mul3A_132, %add3A_133 : i32
    "tpu.region"() ({
      %run_scoped3A = tpu.sem_alloc : memref<!tpu.dma_semaphore, #tpu.memory_space<semaphore_mem>>
      %dma_start3A = arith.constant 0 : i32
      %dma_start3A_153 = tpu.memref_slice %arg14[%add3A_134, %dma_start3A] : memref<10240x128xf32, #tpu.memory_space<vmem_shared>> -> memref<128x128xf32, #tpu.memory_space<vmem_shared>>
      tpu.enqueue_dma source(%arg4 : memref<128x128xf32, #tpu.memory_space<hbm>>) target(%dma_start3A_153 : memref<128x128xf32, #tpu.memory_space<vmem_shared>>) target_semaphore(%run_scoped3A : memref<!tpu.dma_semaphore, #tpu.memory_space<semaphore_mem>>)
      %dma_wait3A = arith.constant 0 : i32
      %dma_wait3A_154 = tpu.memref_slice %arg14[%add3A_134, %dma_wait3A] : memref<10240x128xf32, #tpu.memory_space<vmem_shared>> -> memref<128x128xf32, #tpu.memory_space<vmem_shared>>
      tpu.wait_dma2 semaphore(%run_scoped3A : memref<!tpu.dma_semaphore, #tpu.memory_space<semaphore_mem>>) src(%arg4 : memref<128x128xf32, #tpu.memory_space<hbm>>) dst(%dma_wait3A_154 : memref<128x128xf32, #tpu.memory_space<vmem_shared>>)
      tpu.yield
    }) : () -> ()
    %barrier3A_135 = arith.constant 0 : index
    tpu.barrier barrier_id(%barrier3A_135)
    %scan3A_136 = arith.constant 0 : i32
    %scan3A_137 = arith.constant 0 : i32
    %scan3A_138 = arith.constant 40 : i32
    %scan3A_139 = arith.addi %scan3A_137, %scan3A_138 : i32
    %scan3A_140 = arith.constant 1 : i32
    scf.for %scan3A_153 = %scan3A_137 to %scan3A_139 step %scan3A_140  : i32 {
      %dma_start3A = arith.constant 0 : i32
      %dma_start3A_154 = tpu.memref_slice %arg10[%scan3A_153, %dma_start3A] : memref<40x128xi32, #tpu.memory_space<vmem>> -> memref<1x128xi32, #tpu.memory_space<vmem>>
      %dma_start3A_155 = tpu.memref_squeeze %dma_start3A_154 : memref<1x128xi32, #tpu.memory_space<vmem>> -> memref<128xi32, #tpu.memory_space<vmem>>
      %dma_start3A_156 = arith.constant 0 : i32
      %dma_start3A_157 = arith.constant 0 : i32
      %dma_start3A_158 = tpu.memref_slice %arg8[%dma_start3A_156, %dma_start3A_157] : memref<10240x128xf32, #tpu.memory_space<hbm>> -> memref<10240x128xf32, #tpu.memory_space<hbm>>
      tpu.enqueue_indirect_dma source(%dma_start3A_158 : memref<10240x128xf32, #tpu.memory_space<hbm>>) target(%arg12 : memref<128x128xf32, #tpu.memory_space<vmem>>) offsets(%dma_start3A_155 : memref<128xi32, #tpu.memory_space<vmem>>) semaphore(%arg15 : memref<!tpu.dma_semaphore, #tpu.memory_space<semaphore_mem>>)
      %dma_wait3A = arith.constant 0 : i32
      %dma_wait3A_159 = tpu.memref_slice %arg10[%scan3A_153, %dma_wait3A] : memref<40x128xi32, #tpu.memory_space<vmem>> -> memref<1x128xi32, #tpu.memory_space<vmem>>
      %dma_wait3A_160 = tpu.memref_squeeze %dma_wait3A_159 : memref<1x128xi32, #tpu.memory_space<vmem>> -> memref<128xi32, #tpu.memory_space<vmem>>
      %dma_wait3A_161 = arith.constant 0 : i32
      %dma_wait3A_162 = arith.constant 0 : i32
      %dma_wait3A_163 = tpu.memref_slice %arg8[%dma_wait3A_161, %dma_wait3A_162] : memref<10240x128xf32, #tpu.memory_space<hbm>> -> memref<10240x128xf32, #tpu.memory_space<hbm>>
      tpu.wait_indirect_dma semaphore(%arg15 : memref<!tpu.dma_semaphore, #tpu.memory_space<semaphore_mem>>) src(%dma_wait3A_163 : memref<10240x128xf32, #tpu.memory_space<hbm>>) dst(%arg12 : memref<128x128xf32, #tpu.memory_space<vmem>>)
      "tpu.region"() ({
        %run_scoped3A = tpu.sem_alloc : memref<!tpu.dma_semaphore, #tpu.memory_space<semaphore_mem>>
        %dma_start3A_164 = arith.constant 0 : i32
        %dma_start3A_165 = tpu.memref_slice %arg11[%scan3A_153, %dma_start3A_164] : memref<40x128xi32, #tpu.memory_space<vmem>> -> memref<1x128xi32, #tpu.memory_space<vmem>>
        %dma_start3A_166 = tpu.memref_squeeze %dma_start3A_165 : memref<1x128xi32, #tpu.memory_space<vmem>> -> memref<128xi32, #tpu.memory_space<vmem>>
        %dma_start3A_167 = arith.constant 0 : i32
        %dma_start3A_168 = arith.constant 0 : i32
        %dma_start3A_169 = tpu.memref_slice %arg14[%dma_start3A_167, %dma_start3A_168] : memref<10240x128xf32, #tpu.memory_space<vmem_shared>> -> memref<10240x128xf32, #tpu.memory_space<vmem_shared>>
        tpu.enqueue_indirect_dma source(%arg12 : memref<128x128xf32, #tpu.memory_space<vmem>>) target(%dma_start3A_169 : memref<10240x128xf32, #tpu.memory_space<vmem_shared>>) offsets(%dma_start3A_166 : memref<128xi32, #tpu.memory_space<vmem>>) semaphore(%run_scoped3A : memref<!tpu.dma_semaphore, #tpu.memory_space<semaphore_mem>>) {add = true}
        %dma_wait3A_170 = arith.constant 0 : i32
        %dma_wait3A_171 = tpu.memref_slice %arg11[%scan3A_153, %dma_wait3A_170] : memref<40x128xi32, #tpu.memory_space<vmem>> -> memref<1x128xi32, #tpu.memory_space<vmem>>
        %dma_wait3A_172 = tpu.memref_squeeze %dma_wait3A_171 : memref<1x128xi32, #tpu.memory_space<vmem>> -> memref<128xi32, #tpu.memory_space<vmem>>
        %dma_wait3A_173 = arith.constant 0 : i32
        %dma_wait3A_174 = arith.constant 0 : i32
        %dma_wait3A_175 = tpu.memref_slice %arg14[%dma_wait3A_173, %dma_wait3A_174] : memref<10240x128xf32, #tpu.memory_space<vmem_shared>> -> memref<10240x128xf32, #tpu.memory_space<vmem_shared>>
        tpu.wait_indirect_dma semaphore(%run_scoped3A : memref<!tpu.dma_semaphore, #tpu.memory_space<semaphore_mem>>) src(%arg12 : memref<128x128xf32, #tpu.memory_space<vmem>>) dst(%dma_wait3A_175 : memref<10240x128xf32, #tpu.memory_space<vmem_shared>>)
        tpu.yield
      }) : () -> ()
    }
    %scan3A_141 = arith.constant 40 : i32
    %barrier3A_142 = arith.constant 0 : index
    tpu.barrier barrier_id(%barrier3A_142)
    %mul3A_143 = arith.constant 10240 : i32
    %mul3A_144 = arith.muli %arg0, %mul3A_143 : i32
    %add3A_145 = arith.constant 61440 : i32
    %add3A_146 = arith.addi %add3A_145, %mul3A_144 : i32
    %mul3A_147 = arith.constant 640 : i32
    %mul3A_148 = arith.muli %arg1, %mul3A_147 : i32
    %add3A_149 = arith.addi %add3A_146, %mul3A_148 : i32
    %mul3A_150 = arith.constant 640 : i32
    %mul3A_151 = arith.muli %arg1, %mul3A_150 : i32
    "tpu.region"() ({
      %run_scoped3A = tpu.sem_alloc : memref<!tpu.dma_semaphore, #tpu.memory_space<semaphore_mem>>
      %dma_start3A = arith.constant 0 : i32
      %dma_start3A_153 = tpu.memref_slice %arg9[%add3A_149, %dma_start3A] : memref<81920x128xf32, #tpu.memory_space<hbm>> -> memref<640x128xf32, #tpu.memory_space<hbm>>
      %dma_start3A_154 = arith.constant 0 : i32
      %dma_start3A_155 = tpu.memref_slice %arg14[%mul3A_151, %dma_start3A_154] : memref<10240x128xf32, #tpu.memory_space<vmem_shared>> -> memref<640x128xf32, #tpu.memory_space<vmem_shared>>
      tpu.enqueue_dma source(%dma_start3A_155 : memref<640x128xf32, #tpu.memory_space<vmem_shared>>) target(%dma_start3A_153 : memref<640x128xf32, #tpu.memory_space<hbm>>) target_semaphore(%run_scoped3A : memref<!tpu.dma_semaphore, #tpu.memory_space<semaphore_mem>>)
      %dma_wait3A = arith.constant 0 : i32
      %dma_wait3A_156 = tpu.memref_slice %arg9[%add3A_149, %dma_wait3A] : memref<81920x128xf32, #tpu.memory_space<hbm>> -> memref<640x128xf32, #tpu.memory_space<hbm>>
      %dma_wait3A_157 = arith.constant 0 : i32
      %dma_wait3A_158 = tpu.memref_slice %arg14[%mul3A_151, %dma_wait3A_157] : memref<10240x128xf32, #tpu.memory_space<vmem_shared>> -> memref<640x128xf32, #tpu.memory_space<vmem_shared>>
      tpu.wait_dma2 semaphore(%run_scoped3A : memref<!tpu.dma_semaphore, #tpu.memory_space<semaphore_mem>>) src(%dma_wait3A_158 : memref<640x128xf32, #tpu.memory_space<vmem_shared>>) dst(%dma_wait3A_156 : memref<640x128xf32, #tpu.memory_space<hbm>>)
      tpu.yield
    }) : () -> ()
    %barrier3A_152 = arith.constant 0 : index
    tpu.barrier barrier_id(%barrier3A_152)
    return
  }
}

#map = affine_map<(d0, d1) -> (0, 0)>
module attributes {stable_mosaic.version = 14 : i64} {
  func.func @_deg_body(%arg0: i32, %arg1: i32, %arg2: memref<1280x128xi32, #tpu.memory_space<hbm>>, %arg3: memref<128x16xf32, #tpu.memory_space<hbm>>, %arg4: memref<128x16xf32, #tpu.memory_space<hbm>>, %arg5: memref<20480x16xf32, #tpu.memory_space<hbm>>, %arg6: memref<128x16xf32, #tpu.memory_space<vmem>>, %arg7: memref<40x128xi32, #tpu.memory_space<vmem>>, %arg8: memref<10240x16xf32, #tpu.memory_space<vmem_shared>>, %arg9: memref<!tpu.dma_semaphore, #tpu.memory_space<semaphore_mem>>) attributes {dimension_semantics = [#tpu.dimension_semantics<core_parallel>, #tpu.dimension_semantics<subcore_parallel>], iteration_bounds = array<i64: 2, 16>, scalar_prefetch = 0 : i64, scratch_operands = 4 : i64, tpu.core_type = #tpu.core_type<sc_vector_subcore>, window_params = [{transform_indices = #map}, {transform_indices = #map}, {transform_indices = #map}, {transform_indices = #map}]} {
    %mul3A = arith.constant 16 : i32
    %mul3A_0 = arith.muli %arg0, %mul3A : i32
    %add3A = arith.addi %mul3A_0, %arg1 : i32
    %mul3A_1 = arith.constant 40 : i32
    %mul3A_2 = arith.muli %add3A, %mul3A_1 : i32
    "tpu.region"() ({
      %run_scoped3A = tpu.sem_alloc : memref<!tpu.dma_semaphore, #tpu.memory_space<semaphore_mem>>
      %dma_start3A = arith.constant 0 : i32
      %dma_start3A_36 = tpu.memref_slice %arg2[%mul3A_2, %dma_start3A] : memref<1280x128xi32, #tpu.memory_space<hbm>> -> memref<40x128xi32, #tpu.memory_space<hbm>>
      %dma_start3A_37 = arith.constant 0 : i32
      %dma_start3A_38 = tpu.memref_slice %arg2[%mul3A_2, %dma_start3A_37] : memref<1280x128xi32, #tpu.memory_space<hbm>> -> memref<40x128xi32, #tpu.memory_space<hbm>>
      tpu.enqueue_dma source(%dma_start3A_38 : memref<40x128xi32, #tpu.memory_space<hbm>>) target(%arg7 : memref<40x128xi32, #tpu.memory_space<vmem>>) target_semaphore(%run_scoped3A : memref<!tpu.dma_semaphore, #tpu.memory_space<semaphore_mem>>)
      %dma_wait3A = arith.constant 0 : i32
      %dma_wait3A_39 = tpu.memref_slice %arg2[%mul3A_2, %dma_wait3A] : memref<1280x128xi32, #tpu.memory_space<hbm>> -> memref<40x128xi32, #tpu.memory_space<hbm>>
      %dma_wait3A_40 = arith.constant 0 : i32
      %dma_wait3A_41 = tpu.memref_slice %arg2[%mul3A_2, %dma_wait3A_40] : memref<1280x128xi32, #tpu.memory_space<hbm>> -> memref<40x128xi32, #tpu.memory_space<hbm>>
      tpu.wait_dma2 semaphore(%run_scoped3A : memref<!tpu.dma_semaphore, #tpu.memory_space<semaphore_mem>>) src(%dma_wait3A_41 : memref<40x128xi32, #tpu.memory_space<hbm>>) dst(%arg7 : memref<40x128xi32, #tpu.memory_space<vmem>>)
      tpu.yield
    }) : () -> ()
    %mul3A_3 = arith.constant 640 : i32
    %mul3A_4 = arith.muli %arg1, %mul3A_3 : i32
    %add3A_5 = arith.constant 0 : i32
    %add3A_6 = arith.addi %mul3A_4, %add3A_5 : i32
    "tpu.region"() ({
      %run_scoped3A = tpu.sem_alloc : memref<!tpu.dma_semaphore, #tpu.memory_space<semaphore_mem>>
      %dma_start3A = arith.constant 0 : i32
      %dma_start3A_36 = tpu.memref_slice %arg8[%add3A_6, %dma_start3A] : memref<10240x16xf32, #tpu.memory_space<vmem_shared>> -> memref<128x16xf32, #tpu.memory_space<vmem_shared>>
      tpu.enqueue_dma source(%arg3 : memref<128x16xf32, #tpu.memory_space<hbm>>) target(%dma_start3A_36 : memref<128x16xf32, #tpu.memory_space<vmem_shared>>) target_semaphore(%run_scoped3A : memref<!tpu.dma_semaphore, #tpu.memory_space<semaphore_mem>>)
      %dma_wait3A = arith.constant 0 : i32
      %dma_wait3A_37 = tpu.memref_slice %arg8[%add3A_6, %dma_wait3A] : memref<10240x16xf32, #tpu.memory_space<vmem_shared>> -> memref<128x16xf32, #tpu.memory_space<vmem_shared>>
      tpu.wait_dma2 semaphore(%run_scoped3A : memref<!tpu.dma_semaphore, #tpu.memory_space<semaphore_mem>>) src(%arg3 : memref<128x16xf32, #tpu.memory_space<hbm>>) dst(%dma_wait3A_37 : memref<128x16xf32, #tpu.memory_space<vmem_shared>>)
      tpu.yield
    }) : () -> ()
    %mul3A_7 = arith.constant 640 : i32
    %mul3A_8 = arith.muli %arg1, %mul3A_7 : i32
    %add3A_9 = arith.constant 128 : i32
    %add3A_10 = arith.addi %mul3A_8, %add3A_9 : i32
    "tpu.region"() ({
      %run_scoped3A = tpu.sem_alloc : memref<!tpu.dma_semaphore, #tpu.memory_space<semaphore_mem>>
      %dma_start3A = arith.constant 0 : i32
      %dma_start3A_36 = tpu.memref_slice %arg8[%add3A_10, %dma_start3A] : memref<10240x16xf32, #tpu.memory_space<vmem_shared>> -> memref<128x16xf32, #tpu.memory_space<vmem_shared>>
      tpu.enqueue_dma source(%arg3 : memref<128x16xf32, #tpu.memory_space<hbm>>) target(%dma_start3A_36 : memref<128x16xf32, #tpu.memory_space<vmem_shared>>) target_semaphore(%run_scoped3A : memref<!tpu.dma_semaphore, #tpu.memory_space<semaphore_mem>>)
      %dma_wait3A = arith.constant 0 : i32
      %dma_wait3A_37 = tpu.memref_slice %arg8[%add3A_10, %dma_wait3A] : memref<10240x16xf32, #tpu.memory_space<vmem_shared>> -> memref<128x16xf32, #tpu.memory_space<vmem_shared>>
      tpu.wait_dma2 semaphore(%run_scoped3A : memref<!tpu.dma_semaphore, #tpu.memory_space<semaphore_mem>>) src(%arg3 : memref<128x16xf32, #tpu.memory_space<hbm>>) dst(%dma_wait3A_37 : memref<128x16xf32, #tpu.memory_space<vmem_shared>>)
      tpu.yield
    }) : () -> ()
    %mul3A_11 = arith.constant 640 : i32
    %mul3A_12 = arith.muli %arg1, %mul3A_11 : i32
    %add3A_13 = arith.constant 256 : i32
    %add3A_14 = arith.addi %mul3A_12, %add3A_13 : i32
    "tpu.region"() ({
      %run_scoped3A = tpu.sem_alloc : memref<!tpu.dma_semaphore, #tpu.memory_space<semaphore_mem>>
      %dma_start3A = arith.constant 0 : i32
      %dma_start3A_36 = tpu.memref_slice %arg8[%add3A_14, %dma_start3A] : memref<10240x16xf32, #tpu.memory_space<vmem_shared>> -> memref<128x16xf32, #tpu.memory_space<vmem_shared>>
      tpu.enqueue_dma source(%arg3 : memref<128x16xf32, #tpu.memory_space<hbm>>) target(%dma_start3A_36 : memref<128x16xf32, #tpu.memory_space<vmem_shared>>) target_semaphore(%run_scoped3A : memref<!tpu.dma_semaphore, #tpu.memory_space<semaphore_mem>>)
      %dma_wait3A = arith.constant 0 : i32
      %dma_wait3A_37 = tpu.memref_slice %arg8[%add3A_14, %dma_wait3A] : memref<10240x16xf32, #tpu.memory_space<vmem_shared>> -> memref<128x16xf32, #tpu.memory_space<vmem_shared>>
      tpu.wait_dma2 semaphore(%run_scoped3A : memref<!tpu.dma_semaphore, #tpu.memory_space<semaphore_mem>>) src(%arg3 : memref<128x16xf32, #tpu.memory_space<hbm>>) dst(%dma_wait3A_37 : memref<128x16xf32, #tpu.memory_space<vmem_shared>>)
      tpu.yield
    }) : () -> ()
    %mul3A_15 = arith.constant 640 : i32
    %mul3A_16 = arith.muli %arg1, %mul3A_15 : i32
    %add3A_17 = arith.constant 384 : i32
    %add3A_18 = arith.addi %mul3A_16, %add3A_17 : i32
    "tpu.region"() ({
      %run_scoped3A = tpu.sem_alloc : memref<!tpu.dma_semaphore, #tpu.memory_space<semaphore_mem>>
      %dma_start3A = arith.constant 0 : i32
      %dma_start3A_36 = tpu.memref_slice %arg8[%add3A_18, %dma_start3A] : memref<10240x16xf32, #tpu.memory_space<vmem_shared>> -> memref<128x16xf32, #tpu.memory_space<vmem_shared>>
      tpu.enqueue_dma source(%arg3 : memref<128x16xf32, #tpu.memory_space<hbm>>) target(%dma_start3A_36 : memref<128x16xf32, #tpu.memory_space<vmem_shared>>) target_semaphore(%run_scoped3A : memref<!tpu.dma_semaphore, #tpu.memory_space<semaphore_mem>>)
      %dma_wait3A = arith.constant 0 : i32
      %dma_wait3A_37 = tpu.memref_slice %arg8[%add3A_18, %dma_wait3A] : memref<10240x16xf32, #tpu.memory_space<vmem_shared>> -> memref<128x16xf32, #tpu.memory_space<vmem_shared>>
      tpu.wait_dma2 semaphore(%run_scoped3A : memref<!tpu.dma_semaphore, #tpu.memory_space<semaphore_mem>>) src(%arg3 : memref<128x16xf32, #tpu.memory_space<hbm>>) dst(%dma_wait3A_37 : memref<128x16xf32, #tpu.memory_space<vmem_shared>>)
      tpu.yield
    }) : () -> ()
    %mul3A_19 = arith.constant 640 : i32
    %mul3A_20 = arith.muli %arg1, %mul3A_19 : i32
    %add3A_21 = arith.constant 512 : i32
    %add3A_22 = arith.addi %mul3A_20, %add3A_21 : i32
    "tpu.region"() ({
      %run_scoped3A = tpu.sem_alloc : memref<!tpu.dma_semaphore, #tpu.memory_space<semaphore_mem>>
      %dma_start3A = arith.constant 0 : i32
      %dma_start3A_36 = tpu.memref_slice %arg8[%add3A_22, %dma_start3A] : memref<10240x16xf32, #tpu.memory_space<vmem_shared>> -> memref<128x16xf32, #tpu.memory_space<vmem_shared>>
      tpu.enqueue_dma source(%arg3 : memref<128x16xf32, #tpu.memory_space<hbm>>) target(%dma_start3A_36 : memref<128x16xf32, #tpu.memory_space<vmem_shared>>) target_semaphore(%run_scoped3A : memref<!tpu.dma_semaphore, #tpu.memory_space<semaphore_mem>>)
      %dma_wait3A = arith.constant 0 : i32
      %dma_wait3A_37 = tpu.memref_slice %arg8[%add3A_22, %dma_wait3A] : memref<10240x16xf32, #tpu.memory_space<vmem_shared>> -> memref<128x16xf32, #tpu.memory_space<vmem_shared>>
      tpu.wait_dma2 semaphore(%run_scoped3A : memref<!tpu.dma_semaphore, #tpu.memory_space<semaphore_mem>>) src(%arg3 : memref<128x16xf32, #tpu.memory_space<hbm>>) dst(%dma_wait3A_37 : memref<128x16xf32, #tpu.memory_space<vmem_shared>>)
      tpu.yield
    }) : () -> ()
    "tpu.region"() ({
      %run_scoped3A = tpu.sem_alloc : memref<!tpu.dma_semaphore, #tpu.memory_space<semaphore_mem>>
      tpu.enqueue_dma source(%arg4 : memref<128x16xf32, #tpu.memory_space<hbm>>) target(%arg6 : memref<128x16xf32, #tpu.memory_space<vmem>>) target_semaphore(%run_scoped3A : memref<!tpu.dma_semaphore, #tpu.memory_space<semaphore_mem>>)
      tpu.wait_dma2 semaphore(%run_scoped3A : memref<!tpu.dma_semaphore, #tpu.memory_space<semaphore_mem>>) src(%arg4 : memref<128x16xf32, #tpu.memory_space<hbm>>) dst(%arg6 : memref<128x16xf32, #tpu.memory_space<vmem>>)
      tpu.yield
    }) : () -> ()
    %barrier3A = arith.constant 0 : index
    tpu.barrier barrier_id(%barrier3A)
    %scan3A = arith.constant 0 : i32
    %scan3A_23 = arith.constant 0 : i32
    %scan3A_24 = arith.constant 40 : i32
    %scan3A_25 = arith.addi %scan3A_23, %scan3A_24 : i32
    %scan3A_26 = arith.constant 1 : i32
    scf.for %scan3A_36 = %scan3A_23 to %scan3A_25 step %scan3A_26  : i32 {
      "tpu.region"() ({
        %run_scoped3A = tpu.sem_alloc : memref<!tpu.dma_semaphore, #tpu.memory_space<semaphore_mem>>
        %dma_start3A = arith.constant 0 : i32
        %dma_start3A_37 = tpu.memref_slice %arg7[%scan3A_36, %dma_start3A] : memref<40x128xi32, #tpu.memory_space<vmem>> -> memref<1x128xi32, #tpu.memory_space<vmem>>
        %dma_start3A_38 = tpu.memref_squeeze %dma_start3A_37 : memref<1x128xi32, #tpu.memory_space<vmem>> -> memref<128xi32, #tpu.memory_space<vmem>>
        %dma_start3A_39 = arith.constant 0 : i32
        %dma_start3A_40 = arith.constant 0 : i32
        %dma_start3A_41 = tpu.memref_slice %arg8[%dma_start3A_39, %dma_start3A_40] : memref<10240x16xf32, #tpu.memory_space<vmem_shared>> -> memref<10240x16xf32, #tpu.memory_space<vmem_shared>>
        tpu.enqueue_indirect_dma source(%arg6 : memref<128x16xf32, #tpu.memory_space<vmem>>) target(%dma_start3A_41 : memref<10240x16xf32, #tpu.memory_space<vmem_shared>>) offsets(%dma_start3A_38 : memref<128xi32, #tpu.memory_space<vmem>>) semaphore(%run_scoped3A : memref<!tpu.dma_semaphore, #tpu.memory_space<semaphore_mem>>) {add = true}
        %dma_wait3A = arith.constant 0 : i32
        %dma_wait3A_42 = tpu.memref_slice %arg7[%scan3A_36, %dma_wait3A] : memref<40x128xi32, #tpu.memory_space<vmem>> -> memref<1x128xi32, #tpu.memory_space<vmem>>
        %dma_wait3A_43 = tpu.memref_squeeze %dma_wait3A_42 : memref<1x128xi32, #tpu.memory_space<vmem>> -> memref<128xi32, #tpu.memory_space<vmem>>
        %dma_wait3A_44 = arith.constant 0 : i32
        %dma_wait3A_45 = arith.constant 0 : i32
        %dma_wait3A_46 = tpu.memref_slice %arg8[%dma_wait3A_44, %dma_wait3A_45] : memref<10240x16xf32, #tpu.memory_space<vmem_shared>> -> memref<10240x16xf32, #tpu.memory_space<vmem_shared>>
        tpu.wait_indirect_dma semaphore(%run_scoped3A : memref<!tpu.dma_semaphore, #tpu.memory_space<semaphore_mem>>) src(%arg6 : memref<128x16xf32, #tpu.memory_space<vmem>>) dst(%dma_wait3A_46 : memref<10240x16xf32, #tpu.memory_space<vmem_shared>>)
        tpu.yield
      }) : () -> ()
    }
    %scan3A_27 = arith.constant 40 : i32
    %barrier3A_28 = arith.constant 0 : index
    tpu.barrier barrier_id(%barrier3A_28)
    %mul3A_29 = arith.constant 10240 : i32
    %mul3A_30 = arith.muli %arg0, %mul3A_29 : i32
    %mul3A_31 = arith.constant 640 : i32
    %mul3A_32 = arith.muli %arg1, %mul3A_31 : i32
    %add3A_33 = arith.addi %mul3A_30, %mul3A_32 : i32
    %mul3A_34 = arith.constant 640 : i32
    %mul3A_35 = arith.muli %arg1, %mul3A_34 : i32
    "tpu.region"() ({
      %run_scoped3A = tpu.sem_alloc : memref<!tpu.dma_semaphore, #tpu.memory_space<semaphore_mem>>
      %dma_start3A = arith.constant 0 : i32
      %dma_start3A_36 = tpu.memref_slice %arg5[%add3A_33, %dma_start3A] : memref<20480x16xf32, #tpu.memory_space<hbm>> -> memref<640x16xf32, #tpu.memory_space<hbm>>
      %dma_start3A_37 = arith.constant 0 : i32
      %dma_start3A_38 = tpu.memref_slice %arg8[%mul3A_35, %dma_start3A_37] : memref<10240x16xf32, #tpu.memory_space<vmem_shared>> -> memref<640x16xf32, #tpu.memory_space<vmem_shared>>
      tpu.enqueue_dma source(%dma_start3A_38 : memref<640x16xf32, #tpu.memory_space<vmem_shared>>) target(%dma_start3A_36 : memref<640x16xf32, #tpu.memory_space<hbm>>) target_semaphore(%run_scoped3A : memref<!tpu.dma_semaphore, #tpu.memory_space<semaphore_mem>>)
      %dma_wait3A = arith.constant 0 : i32
      %dma_wait3A_39 = tpu.memref_slice %arg5[%add3A_33, %dma_wait3A] : memref<20480x16xf32, #tpu.memory_space<hbm>> -> memref<640x16xf32, #tpu.memory_space<hbm>>
      %dma_wait3A_40 = arith.constant 0 : i32
      %dma_wait3A_41 = tpu.memref_slice %arg8[%mul3A_35, %dma_wait3A_40] : memref<10240x16xf32, #tpu.memory_space<vmem_shared>> -> memref<640x16xf32, #tpu.memory_space<vmem_shared>>
      tpu.wait_dma2 semaphore(%run_scoped3A : memref<!tpu.dma_semaphore, #tpu.memory_space<semaphore_mem>>) src(%dma_wait3A_41 : memref<640x16xf32, #tpu.memory_space<vmem_shared>>) dst(%dma_wait3A_39 : memref<640x16xf32, #tpu.memory_space<hbm>>)
      tpu.yield
    }) : () -> ()
    return
  }
}

#map = affine_map<(d0, d1) -> (0, 0)>
module attributes {stable_mosaic.version = 14 : i64} {
  func.func @_prop_body(%arg0: i32, %arg1: i32, %arg2: memref<1280x128xi32, #tpu.memory_space<hbm>>, %arg3: memref<1280x128xi32, #tpu.memory_space<hbm>>, %arg4: memref<128x128xf32, #tpu.memory_space<hbm>>, %arg5: memref<10240x128xf32, #tpu.memory_space<hbm>>, %arg6: memref<10240x128xf32, #tpu.memory_space<hbm>>, %arg7: memref<10240x128xf32, #tpu.memory_space<hbm>>, %arg8: memref<10240x128xf32, #tpu.memory_space<hbm>>, %arg9: memref<81920x128xf32, #tpu.memory_space<hbm>>, %arg10: memref<40x128xi32, #tpu.memory_space<vmem>>, %arg11: memref<40x128xi32, #tpu.memory_space<vmem>>, %arg12: memref<128x128xf32, #tpu.memory_space<vmem>>, %arg13: memref<128x128xf32, #tpu.memory_space<vmem>>, %arg14: memref<10240x128xf32, #tpu.memory_space<vmem_shared>>, %arg15: memref<!tpu.dma_semaphore, #tpu.memory_space<semaphore_mem>>, %arg16: memref<!tpu.dma_semaphore, #tpu.memory_space<semaphore_mem>>) attributes {dimension_semantics = [#tpu.dimension_semantics<core_parallel>, #tpu.dimension_semantics<subcore_parallel>], iteration_bounds = array<i64: 2, 16>, scalar_prefetch = 0 : i64, scratch_operands = 7 : i64, tpu.core_type = #tpu.core_type<sc_vector_subcore>, window_params = [{transform_indices = #map}, {transform_indices = #map}, {transform_indices = #map}, {transform_indices = #map}, {transform_indices = #map}, {transform_indices = #map}, {transform_indices = #map}, {transform_indices = #map}]} {
    %mul3A = arith.constant 16 : i32
    %mul3A_0 = arith.muli %arg0, %mul3A : i32
    %add3A = arith.addi %mul3A_0, %arg1 : i32
    %mul3A_1 = arith.constant 40 : i32
    %mul3A_2 = arith.muli %add3A, %mul3A_1 : i32
    "tpu.region"() ({
      %run_scoped3A = tpu.sem_alloc : memref<!tpu.dma_semaphore, #tpu.memory_space<semaphore_mem>>
      %dma_start3A = arith.constant 0 : i32
      %dma_start3A_153 = tpu.memref_slice %arg2[%mul3A_2, %dma_start3A] : memref<1280x128xi32, #tpu.memory_space<hbm>> -> memref<40x128xi32, #tpu.memory_space<hbm>>
      %dma_start3A_154 = arith.constant 0 : i32
      %dma_start3A_155 = tpu.memref_slice %arg2[%mul3A_2, %dma_start3A_154] : memref<1280x128xi32, #tpu.memory_space<hbm>> -> memref<40x128xi32, #tpu.memory_space<hbm>>
      tpu.enqueue_dma source(%dma_start3A_155 : memref<40x128xi32, #tpu.memory_space<hbm>>) target(%arg10 : memref<40x128xi32, #tpu.memory_space<vmem>>) target_semaphore(%run_scoped3A : memref<!tpu.dma_semaphore, #tpu.memory_space<semaphore_mem>>)
      %dma_wait3A = arith.constant 0 : i32
      %dma_wait3A_156 = tpu.memref_slice %arg2[%mul3A_2, %dma_wait3A] : memref<1280x128xi32, #tpu.memory_space<hbm>> -> memref<40x128xi32, #tpu.memory_space<hbm>>
      %dma_wait3A_157 = arith.constant 0 : i32
      %dma_wait3A_158 = tpu.memref_slice %arg2[%mul3A_2, %dma_wait3A_157] : memref<1280x128xi32, #tpu.memory_space<hbm>> -> memref<40x128xi32, #tpu.memory_space<hbm>>
      tpu.wait_dma2 semaphore(%run_scoped3A : memref<!tpu.dma_semaphore, #tpu.memory_space<semaphore_mem>>) src(%dma_wait3A_158 : memref<40x128xi32, #tpu.memory_space<hbm>>) dst(%arg10 : memref<40x128xi32, #tpu.memory_space<vmem>>)
      tpu.yield
    }) : () -> ()
    "tpu.region"() ({
      %run_scoped3A = tpu.sem_alloc : memref<!tpu.dma_semaphore, #tpu.memory_space<semaphore_mem>>
      %dma_start3A = arith.constant 0 : i32
      %dma_start3A_153 = tpu.memref_slice %arg3[%mul3A_2, %dma_start3A] : memref<1280x128xi32, #tpu.memory_space<hbm>> -> memref<40x128xi32, #tpu.memory_space<hbm>>
      %dma_start3A_154 = arith.constant 0 : i32
      %dma_start3A_155 = tpu.memref_slice %arg3[%mul3A_2, %dma_start3A_154] : memref<1280x128xi32, #tpu.memory_space<hbm>> -> memref<40x128xi32, #tpu.memory_space<hbm>>
      tpu.enqueue_dma source(%dma_start3A_155 : memref<40x128xi32, #tpu.memory_space<hbm>>) target(%arg11 : memref<40x128xi32, #tpu.memory_space<vmem>>) target_semaphore(%run_scoped3A : memref<!tpu.dma_semaphore, #tpu.memory_space<semaphore_mem>>)
      %dma_wait3A = arith.constant 0 : i32
      %dma_wait3A_156 = tpu.memref_slice %arg3[%mul3A_2, %dma_wait3A] : memref<1280x128xi32, #tpu.memory_space<hbm>> -> memref<40x128xi32, #tpu.memory_space<hbm>>
      %dma_wait3A_157 = arith.constant 0 : i32
      %dma_wait3A_158 = tpu.memref_slice %arg3[%mul3A_2, %dma_wait3A_157] : memref<1280x128xi32, #tpu.memory_space<hbm>> -> memref<40x128xi32, #tpu.memory_space<hbm>>
      tpu.wait_dma2 semaphore(%run_scoped3A : memref<!tpu.dma_semaphore, #tpu.memory_space<semaphore_mem>>) src(%dma_wait3A_158 : memref<40x128xi32, #tpu.memory_space<hbm>>) dst(%arg11 : memref<40x128xi32, #tpu.memory_space<vmem>>)
      tpu.yield
    }) : () -> ()
    %mul3A_3 = arith.constant 640 : i32
    %mul3A_4 = arith.muli %arg1, %mul3A_3 : i32
    %add3A_5 = arith.constant 0 : i32
    %add3A_6 = arith.addi %mul3A_4, %add3A_5 : i32
    "tpu.region"() ({
      %run_scoped3A = tpu.sem_alloc : memref<!tpu.dma_semaphore, #tpu.memory_space<semaphore_mem>>
      %dma_start3A = arith.constant 0 : i32
      %dma_start3A_153 = tpu.memref_slice %arg14[%add3A_6, %dma_start3A] : memref<10240x128xf32, #tpu.memory_space<vmem_shared>> -> memref<128x128xf32, #tpu.memory_space<vmem_shared>>
      tpu.enqueue_dma source(%arg4 : memref<128x128xf32, #tpu.memory_space<hbm>>) target(%dma_start3A_153 : memref<128x128xf32, #tpu.memory_space<vmem_shared>>) target_semaphore(%run_scoped3A : memref<!tpu.dma_semaphore, #tpu.memory_space<semaphore_mem>>)
      %dma_wait3A = arith.constant 0 : i32
      %dma_wait3A_154 = tpu.memref_slice %arg14[%add3A_6, %dma_wait3A] : memref<10240x128xf32, #tpu.memory_space<vmem_shared>> -> memref<128x128xf32, #tpu.memory_space<vmem_shared>>
      tpu.wait_dma2 semaphore(%run_scoped3A : memref<!tpu.dma_semaphore, #tpu.memory_space<semaphore_mem>>) src(%arg4 : memref<128x128xf32, #tpu.memory_space<hbm>>) dst(%dma_wait3A_154 : memref<128x128xf32, #tpu.memory_space<vmem_shared>>)
      tpu.yield
    }) : () -> ()
    %mul3A_7 = arith.constant 640 : i32
    %mul3A_8 = arith.muli %arg1, %mul3A_7 : i32
    %add3A_9 = arith.constant 128 : i32
    %add3A_10 = arith.addi %mul3A_8, %add3A_9 : i32
    "tpu.region"() ({
      %run_scoped3A = tpu.sem_alloc : memref<!tpu.dma_semaphore, #tpu.memory_space<semaphore_mem>>
      %dma_start3A = arith.constant 0 : i32
      %dma_start3A_153 = tpu.memref_slice %arg14[%add3A_10, %dma_start3A] : memref<10240x128xf32, #tpu.memory_space<vmem_shared>> -> memref<128x128xf32, #tpu.memory_space<vmem_shared>>
      tpu.enqueue_dma source(%arg4 : memref<128x128xf32, #tpu.memory_space<hbm>>) target(%dma_start3A_153 : memref<128x128xf32, #tpu.memory_space<vmem_shared>>) target_semaphore(%run_scoped3A : memref<!tpu.dma_semaphore, #tpu.memory_space<semaphore_mem>>)
      %dma_wait3A = arith.constant 0 : i32
      %dma_wait3A_154 = tpu.memref_slice %arg14[%add3A_10, %dma_wait3A] : memref<10240x128xf32, #tpu.memory_space<vmem_shared>> -> memref<128x128xf32, #tpu.memory_space<vmem_shared>>
      tpu.wait_dma2 semaphore(%run_scoped3A : memref<!tpu.dma_semaphore, #tpu.memory_space<semaphore_mem>>) src(%arg4 : memref<128x128xf32, #tpu.memory_space<hbm>>) dst(%dma_wait3A_154 : memref<128x128xf32, #tpu.memory_space<vmem_shared>>)
      tpu.yield
    }) : () -> ()
    %mul3A_11 = arith.constant 640 : i32
    %mul3A_12 = arith.muli %arg1, %mul3A_11 : i32
    %add3A_13 = arith.constant 256 : i32
    %add3A_14 = arith.addi %mul3A_12, %add3A_13 : i32
    "tpu.region"() ({
      %run_scoped3A = tpu.sem_alloc : memref<!tpu.dma_semaphore, #tpu.memory_space<semaphore_mem>>
      %dma_start3A = arith.constant 0 : i32
      %dma_start3A_153 = tpu.memref_slice %arg14[%add3A_14, %dma_start3A] : memref<10240x128xf32, #tpu.memory_space<vmem_shared>> -> memref<128x128xf32, #tpu.memory_space<vmem_shared>>
      tpu.enqueue_dma source(%arg4 : memref<128x128xf32, #tpu.memory_space<hbm>>) target(%dma_start3A_153 : memref<128x128xf32, #tpu.memory_space<vmem_shared>>) target_semaphore(%run_scoped3A : memref<!tpu.dma_semaphore, #tpu.memory_space<semaphore_mem>>)
      %dma_wait3A = arith.constant 0 : i32
      %dma_wait3A_154 = tpu.memref_slice %arg14[%add3A_14, %dma_wait3A] : memref<10240x128xf32, #tpu.memory_space<vmem_shared>> -> memref<128x128xf32, #tpu.memory_space<vmem_shared>>
      tpu.wait_dma2 semaphore(%run_scoped3A : memref<!tpu.dma_semaphore, #tpu.memory_space<semaphore_mem>>) src(%arg4 : memref<128x128xf32, #tpu.memory_space<hbm>>) dst(%dma_wait3A_154 : memref<128x128xf32, #tpu.memory_space<vmem_shared>>)
      tpu.yield
    }) : () -> ()
    %mul3A_15 = arith.constant 640 : i32
    %mul3A_16 = arith.muli %arg1, %mul3A_15 : i32
    %add3A_17 = arith.constant 384 : i32
    %add3A_18 = arith.addi %mul3A_16, %add3A_17 : i32
    "tpu.region"() ({
      %run_scoped3A = tpu.sem_alloc : memref<!tpu.dma_semaphore, #tpu.memory_space<semaphore_mem>>
      %dma_start3A = arith.constant 0 : i32
      %dma_start3A_153 = tpu.memref_slice %arg14[%add3A_18, %dma_start3A] : memref<10240x128xf32, #tpu.memory_space<vmem_shared>> -> memref<128x128xf32, #tpu.memory_space<vmem_shared>>
      tpu.enqueue_dma source(%arg4 : memref<128x128xf32, #tpu.memory_space<hbm>>) target(%dma_start3A_153 : memref<128x128xf32, #tpu.memory_space<vmem_shared>>) target_semaphore(%run_scoped3A : memref<!tpu.dma_semaphore, #tpu.memory_space<semaphore_mem>>)
      %dma_wait3A = arith.constant 0 : i32
      %dma_wait3A_154 = tpu.memref_slice %arg14[%add3A_18, %dma_wait3A] : memref<10240x128xf32, #tpu.memory_space<vmem_shared>> -> memref<128x128xf32, #tpu.memory_space<vmem_shared>>
      tpu.wait_dma2 semaphore(%run_scoped3A : memref<!tpu.dma_semaphore, #tpu.memory_space<semaphore_mem>>) src(%arg4 : memref<128x128xf32, #tpu.memory_space<hbm>>) dst(%dma_wait3A_154 : memref<128x128xf32, #tpu.memory_space<vmem_shared>>)
      tpu.yield
    }) : () -> ()
    %mul3A_19 = arith.constant 640 : i32
    %mul3A_20 = arith.muli %arg1, %mul3A_19 : i32
    %add3A_21 = arith.constant 512 : i32
    %add3A_22 = arith.addi %mul3A_20, %add3A_21 : i32
    "tpu.region"() ({
      %run_scoped3A = tpu.sem_alloc : memref<!tpu.dma_semaphore, #tpu.memory_space<semaphore_mem>>
      %dma_start3A = arith.constant 0 : i32
      %dma_start3A_153 = tpu.memref_slice %arg14[%add3A_22, %dma_start3A] : memref<10240x128xf32, #tpu.memory_space<vmem_shared>> -> memref<128x128xf32, #tpu.memory_space<vmem_shared>>
      tpu.enqueue_dma source(%arg4 : memref<128x128xf32, #tpu.memory_space<hbm>>) target(%dma_start3A_153 : memref<128x128xf32, #tpu.memory_space<vmem_shared>>) target_semaphore(%run_scoped3A : memref<!tpu.dma_semaphore, #tpu.memory_space<semaphore_mem>>)
      %dma_wait3A = arith.constant 0 : i32
      %dma_wait3A_154 = tpu.memref_slice %arg14[%add3A_22, %dma_wait3A] : memref<10240x128xf32, #tpu.memory_space<vmem_shared>> -> memref<128x128xf32, #tpu.memory_space<vmem_shared>>
      tpu.wait_dma2 semaphore(%run_scoped3A : memref<!tpu.dma_semaphore, #tpu.memory_space<semaphore_mem>>) src(%arg4 : memref<128x128xf32, #tpu.memory_space<hbm>>) dst(%dma_wait3A_154 : memref<128x128xf32, #tpu.memory_space<vmem_shared>>)
      tpu.yield
    }) : () -> ()
    %barrier3A = arith.constant 0 : index
    tpu.barrier barrier_id(%barrier3A)
    %scan3A = arith.constant 0 : i32
    %scan3A_23 = arith.constant 0 : i32
    %scan3A_24 = arith.constant 40 : i32
    %scan3A_25 = arith.addi %scan3A_23, %scan3A_24 : i32
    %scan3A_26 = arith.constant 1 : i32
    scf.for %scan3A_153 = %scan3A_23 to %scan3A_25 step %scan3A_26  : i32 {
      %dma_start3A = arith.constant 0 : i32
      %dma_start3A_154 = tpu.memref_slice %arg10[%scan3A_153, %dma_start3A] : memref<40x128xi32, #tpu.memory_space<vmem>> -> memref<1x128xi32, #tpu.memory_space<vmem>>
      %dma_start3A_155 = tpu.memref_squeeze %dma_start3A_154 : memref<1x128xi32, #tpu.memory_space<vmem>> -> memref<128xi32, #tpu.memory_space<vmem>>
      %dma_start3A_156 = arith.constant 0 : i32
      %dma_start3A_157 = arith.constant 0 : i32
      %dma_start3A_158 = tpu.memref_slice %arg5[%dma_start3A_156, %dma_start3A_157] : memref<10240x128xf32, #tpu.memory_space<hbm>> -> memref<10240x128xf32, #tpu.memory_space<hbm>>
      tpu.enqueue_indirect_dma source(%dma_start3A_158 : memref<10240x128xf32, #tpu.memory_space<hbm>>) target(%arg12 : memref<128x128xf32, #tpu.memory_space<vmem>>) offsets(%dma_start3A_155 : memref<128xi32, #tpu.memory_space<vmem>>) semaphore(%arg15 : memref<!tpu.dma_semaphore, #tpu.memory_space<semaphore_mem>>)
      %dma_wait3A = arith.constant 0 : i32
      %dma_wait3A_159 = tpu.memref_slice %arg10[%scan3A_153, %dma_wait3A] : memref<40x128xi32, #tpu.memory_space<vmem>> -> memref<1x128xi32, #tpu.memory_space<vmem>>
      %dma_wait3A_160 = tpu.memref_squeeze %dma_wait3A_159 : memref<1x128xi32, #tpu.memory_space<vmem>> -> memref<128xi32, #tpu.memory_space<vmem>>
      %dma_wait3A_161 = arith.constant 0 : i32
      %dma_wait3A_162 = arith.constant 0 : i32
      %dma_wait3A_163 = tpu.memref_slice %arg5[%dma_wait3A_161, %dma_wait3A_162] : memref<10240x128xf32, #tpu.memory_space<hbm>> -> memref<10240x128xf32, #tpu.memory_space<hbm>>
      tpu.wait_indirect_dma semaphore(%arg15 : memref<!tpu.dma_semaphore, #tpu.memory_space<semaphore_mem>>) src(%dma_wait3A_163 : memref<10240x128xf32, #tpu.memory_space<hbm>>) dst(%arg12 : memref<128x128xf32, #tpu.memory_space<vmem>>)
      "tpu.region"() ({
        %run_scoped3A = tpu.sem_alloc : memref<!tpu.dma_semaphore, #tpu.memory_space<semaphore_mem>>
        %dma_start3A_164 = arith.constant 0 : i32
        %dma_start3A_165 = tpu.memref_slice %arg11[%scan3A_153, %dma_start3A_164] : memref<40x128xi32, #tpu.memory_space<vmem>> -> memref<1x128xi32, #tpu.memory_space<vmem>>
        %dma_start3A_166 = tpu.memref_squeeze %dma_start3A_165 : memref<1x128xi32, #tpu.memory_space<vmem>> -> memref<128xi32, #tpu.memory_space<vmem>>
        %dma_start3A_167 = arith.constant 0 : i32
        %dma_start3A_168 = arith.constant 0 : i32
        %dma_start3A_169 = tpu.memref_slice %arg14[%dma_start3A_167, %dma_start3A_168] : memref<10240x128xf32, #tpu.memory_space<vmem_shared>> -> memref<10240x128xf32, #tpu.memory_space<vmem_shared>>
        tpu.enqueue_indirect_dma source(%arg12 : memref<128x128xf32, #tpu.memory_space<vmem>>) target(%dma_start3A_169 : memref<10240x128xf32, #tpu.memory_space<vmem_shared>>) offsets(%dma_start3A_166 : memref<128xi32, #tpu.memory_space<vmem>>) semaphore(%run_scoped3A : memref<!tpu.dma_semaphore, #tpu.memory_space<semaphore_mem>>) {add = true}
        %dma_wait3A_170 = arith.constant 0 : i32
        %dma_wait3A_171 = tpu.memref_slice %arg11[%scan3A_153, %dma_wait3A_170] : memref<40x128xi32, #tpu.memory_space<vmem>> -> memref<1x128xi32, #tpu.memory_space<vmem>>
        %dma_wait3A_172 = tpu.memref_squeeze %dma_wait3A_171 : memref<1x128xi32, #tpu.memory_space<vmem>> -> memref<128xi32, #tpu.memory_space<vmem>>
        %dma_wait3A_173 = arith.constant 0 : i32
        %dma_wait3A_174 = arith.constant 0 : i32
        %dma_wait3A_175 = tpu.memref_slice %arg14[%dma_wait3A_173, %dma_wait3A_174] : memref<10240x128xf32, #tpu.memory_space<vmem_shared>> -> memref<10240x128xf32, #tpu.memory_space<vmem_shared>>
        tpu.wait_indirect_dma semaphore(%run_scoped3A : memref<!tpu.dma_semaphore, #tpu.memory_space<semaphore_mem>>) src(%arg12 : memref<128x128xf32, #tpu.memory_space<vmem>>) dst(%dma_wait3A_175 : memref<10240x128xf32, #tpu.memory_space<vmem_shared>>)
        tpu.yield
      }) : () -> ()
    }
    %scan3A_27 = arith.constant 40 : i32
    %barrier3A_28 = arith.constant 0 : index
    tpu.barrier barrier_id(%barrier3A_28)
    %mul3A_29 = arith.constant 10240 : i32
    %mul3A_30 = arith.muli %arg0, %mul3A_29 : i32
    %add3A_31 = arith.constant 0 : i32
    %add3A_32 = arith.addi %add3A_31, %mul3A_30 : i32
    %mul3A_33 = arith.constant 640 : i32
    %mul3A_34 = arith.muli %arg1, %mul3A_33 : i32
    %add3A_35 = arith.addi %add3A_32, %mul3A_34 : i32
    %mul3A_36 = arith.constant 640 : i32
    %mul3A_37 = arith.muli %arg1, %mul3A_36 : i32
    "tpu.region"() ({
      %run_scoped3A = tpu.sem_alloc : memref<!tpu.dma_semaphore, #tpu.memory_space<semaphore_mem>>
      %dma_start3A = arith.constant 0 : i32
      %dma_start3A_153 = tpu.memref_slice %arg9[%add3A_35, %dma_start3A] : memref<81920x128xf32, #tpu.memory_space<hbm>> -> memref<640x128xf32, #tpu.memory_space<hbm>>
      %dma_start3A_154 = arith.constant 0 : i32
      %dma_start3A_155 = tpu.memref_slice %arg14[%mul3A_37, %dma_start3A_154] : memref<10240x128xf32, #tpu.memory_space<vmem_shared>> -> memref<640x128xf32, #tpu.memory_space<vmem_shared>>
      tpu.enqueue_dma source(%dma_start3A_155 : memref<640x128xf32, #tpu.memory_space<vmem_shared>>) target(%dma_start3A_153 : memref<640x128xf32, #tpu.memory_space<hbm>>) target_semaphore(%run_scoped3A : memref<!tpu.dma_semaphore, #tpu.memory_space<semaphore_mem>>)
      %dma_wait3A = arith.constant 0 : i32
      %dma_wait3A_156 = tpu.memref_slice %arg9[%add3A_35, %dma_wait3A] : memref<81920x128xf32, #tpu.memory_space<hbm>> -> memref<640x128xf32, #tpu.memory_space<hbm>>
      %dma_wait3A_157 = arith.constant 0 : i32
      %dma_wait3A_158 = tpu.memref_slice %arg14[%mul3A_37, %dma_wait3A_157] : memref<10240x128xf32, #tpu.memory_space<vmem_shared>> -> memref<640x128xf32, #tpu.memory_space<vmem_shared>>
      tpu.wait_dma2 semaphore(%run_scoped3A : memref<!tpu.dma_semaphore, #tpu.memory_space<semaphore_mem>>) src(%dma_wait3A_158 : memref<640x128xf32, #tpu.memory_space<vmem_shared>>) dst(%dma_wait3A_156 : memref<640x128xf32, #tpu.memory_space<hbm>>)
      tpu.yield
    }) : () -> ()
    %barrier3A_38 = arith.constant 0 : index
    tpu.barrier barrier_id(%barrier3A_38)
    %mul3A_39 = arith.constant 640 : i32
    %mul3A_40 = arith.muli %arg1, %mul3A_39 : i32
    %add3A_41 = arith.constant 0 : i32
    %add3A_42 = arith.addi %mul3A_40, %add3A_41 : i32
    "tpu.region"() ({
      %run_scoped3A = tpu.sem_alloc : memref<!tpu.dma_semaphore, #tpu.memory_space<semaphore_mem>>
      %dma_start3A = arith.constant 0 : i32
      %dma_start3A_153 = tpu.memref_slice %arg14[%add3A_42, %dma_start3A] : memref<10240x128xf32, #tpu.memory_space<vmem_shared>> -> memref<128x128xf32, #tpu.memory_space<vmem_shared>>
      tpu.enqueue_dma source(%arg4 : memref<128x128xf32, #tpu.memory_space<hbm>>) target(%dma_start3A_153 : memref<128x128xf32, #tpu.memory_space<vmem_shared>>) target_semaphore(%run_scoped3A : memref<!tpu.dma_semaphore, #tpu.memory_space<semaphore_mem>>)
      %dma_wait3A = arith.constant 0 : i32
      %dma_wait3A_154 = tpu.memref_slice %arg14[%add3A_42, %dma_wait3A] : memref<10240x128xf32, #tpu.memory_space<vmem_shared>> -> memref<128x128xf32, #tpu.memory_space<vmem_shared>>
      tpu.wait_dma2 semaphore(%run_scoped3A : memref<!tpu.dma_semaphore, #tpu.memory_space<semaphore_mem>>) src(%arg4 : memref<128x128xf32, #tpu.memory_space<hbm>>) dst(%dma_wait3A_154 : memref<128x128xf32, #tpu.memory_space<vmem_shared>>)
      tpu.yield
    }) : () -> ()
    %mul3A_43 = arith.constant 640 : i32
    %mul3A_44 = arith.muli %arg1, %mul3A_43 : i32
    %add3A_45 = arith.constant 128 : i32
    %add3A_46 = arith.addi %mul3A_44, %add3A_45 : i32
    "tpu.region"() ({
      %run_scoped3A = tpu.sem_alloc : memref<!tpu.dma_semaphore, #tpu.memory_space<semaphore_mem>>
      %dma_start3A = arith.constant 0 : i32
      %dma_start3A_153 = tpu.memref_slice %arg14[%add3A_46, %dma_start3A] : memref<10240x128xf32, #tpu.memory_space<vmem_shared>> -> memref<128x128xf32, #tpu.memory_space<vmem_shared>>
      tpu.enqueue_dma source(%arg4 : memref<128x128xf32, #tpu.memory_space<hbm>>) target(%dma_start3A_153 : memref<128x128xf32, #tpu.memory_space<vmem_shared>>) target_semaphore(%run_scoped3A : memref<!tpu.dma_semaphore, #tpu.memory_space<semaphore_mem>>)
      %dma_wait3A = arith.constant 0 : i32
      %dma_wait3A_154 = tpu.memref_slice %arg14[%add3A_46, %dma_wait3A] : memref<10240x128xf32, #tpu.memory_space<vmem_shared>> -> memref<128x128xf32, #tpu.memory_space<vmem_shared>>
      tpu.wait_dma2 semaphore(%run_scoped3A : memref<!tpu.dma_semaphore, #tpu.memory_space<semaphore_mem>>) src(%arg4 : memref<128x128xf32, #tpu.memory_space<hbm>>) dst(%dma_wait3A_154 : memref<128x128xf32, #tpu.memory_space<vmem_shared>>)
      tpu.yield
    }) : () -> ()
    %mul3A_47 = arith.constant 640 : i32
    %mul3A_48 = arith.muli %arg1, %mul3A_47 : i32
    %add3A_49 = arith.constant 256 : i32
    %add3A_50 = arith.addi %mul3A_48, %add3A_49 : i32
    "tpu.region"() ({
      %run_scoped3A = tpu.sem_alloc : memref<!tpu.dma_semaphore, #tpu.memory_space<semaphore_mem>>
      %dma_start3A = arith.constant 0 : i32
      %dma_start3A_153 = tpu.memref_slice %arg14[%add3A_50, %dma_start3A] : memref<10240x128xf32, #tpu.memory_space<vmem_shared>> -> memref<128x128xf32, #tpu.memory_space<vmem_shared>>
      tpu.enqueue_dma source(%arg4 : memref<128x128xf32, #tpu.memory_space<hbm>>) target(%dma_start3A_153 : memref<128x128xf32, #tpu.memory_space<vmem_shared>>) target_semaphore(%run_scoped3A : memref<!tpu.dma_semaphore, #tpu.memory_space<semaphore_mem>>)
      %dma_wait3A = arith.constant 0 : i32
      %dma_wait3A_154 = tpu.memref_slice %arg14[%add3A_50, %dma_wait3A] : memref<10240x128xf32, #tpu.memory_space<vmem_shared>> -> memref<128x128xf32, #tpu.memory_space<vmem_shared>>
      tpu.wait_dma2 semaphore(%run_scoped3A : memref<!tpu.dma_semaphore, #tpu.memory_space<semaphore_mem>>) src(%arg4 : memref<128x128xf32, #tpu.memory_space<hbm>>) dst(%dma_wait3A_154 : memref<128x128xf32, #tpu.memory_space<vmem_shared>>)
      tpu.yield
    }) : () -> ()
    %mul3A_51 = arith.constant 640 : i32
    %mul3A_52 = arith.muli %arg1, %mul3A_51 : i32
    %add3A_53 = arith.constant 384 : i32
    %add3A_54 = arith.addi %mul3A_52, %add3A_53 : i32
    "tpu.region"() ({
      %run_scoped3A = tpu.sem_alloc : memref<!tpu.dma_semaphore, #tpu.memory_space<semaphore_mem>>
      %dma_start3A = arith.constant 0 : i32
      %dma_start3A_153 = tpu.memref_slice %arg14[%add3A_54, %dma_start3A] : memref<10240x128xf32, #tpu.memory_space<vmem_shared>> -> memref<128x128xf32, #tpu.memory_space<vmem_shared>>
      tpu.enqueue_dma source(%arg4 : memref<128x128xf32, #tpu.memory_space<hbm>>) target(%dma_start3A_153 : memref<128x128xf32, #tpu.memory_space<vmem_shared>>) target_semaphore(%run_scoped3A : memref<!tpu.dma_semaphore, #tpu.memory_space<semaphore_mem>>)
      %dma_wait3A = arith.constant 0 : i32
      %dma_wait3A_154 = tpu.memref_slice %arg14[%add3A_54, %dma_wait3A] : memref<10240x128xf32, #tpu.memory_space<vmem_shared>> -> memref<128x128xf32, #tpu.memory_space<vmem_shared>>
      tpu.wait_dma2 semaphore(%run_scoped3A : memref<!tpu.dma_semaphore, #tpu.memory_space<semaphore_mem>>) src(%arg4 : memref<128x128xf32, #tpu.memory_space<hbm>>) dst(%dma_wait3A_154 : memref<128x128xf32, #tpu.memory_space<vmem_shared>>)
      tpu.yield
    }) : () -> ()
    %mul3A_55 = arith.constant 640 : i32
    %mul3A_56 = arith.muli %arg1, %mul3A_55 : i32
    %add3A_57 = arith.constant 512 : i32
    %add3A_58 = arith.addi %mul3A_56, %add3A_57 : i32
    "tpu.region"() ({
      %run_scoped3A = tpu.sem_alloc : memref<!tpu.dma_semaphore, #tpu.memory_space<semaphore_mem>>
      %dma_start3A = arith.constant 0 : i32
      %dma_start3A_153 = tpu.memref_slice %arg14[%add3A_58, %dma_start3A] : memref<10240x128xf32, #tpu.memory_space<vmem_shared>> -> memref<128x128xf32, #tpu.memory_space<vmem_shared>>
      tpu.enqueue_dma source(%arg4 : memref<128x128xf32, #tpu.memory_space<hbm>>) target(%dma_start3A_153 : memref<128x128xf32, #tpu.memory_space<vmem_shared>>) target_semaphore(%run_scoped3A : memref<!tpu.dma_semaphore, #tpu.memory_space<semaphore_mem>>)
      %dma_wait3A = arith.constant 0 : i32
      %dma_wait3A_154 = tpu.memref_slice %arg14[%add3A_58, %dma_wait3A] : memref<10240x128xf32, #tpu.memory_space<vmem_shared>> -> memref<128x128xf32, #tpu.memory_space<vmem_shared>>
      tpu.wait_dma2 semaphore(%run_scoped3A : memref<!tpu.dma_semaphore, #tpu.memory_space<semaphore_mem>>) src(%arg4 : memref<128x128xf32, #tpu.memory_space<hbm>>) dst(%dma_wait3A_154 : memref<128x128xf32, #tpu.memory_space<vmem_shared>>)
      tpu.yield
    }) : () -> ()
    %barrier3A_59 = arith.constant 0 : index
    tpu.barrier barrier_id(%barrier3A_59)
    %scan3A_60 = arith.constant 0 : i32
    %scan3A_61 = arith.constant 0 : i32
    %scan3A_62 = arith.constant 40 : i32
    %scan3A_63 = arith.addi %scan3A_61, %scan3A_62 : i32
    %scan3A_64 = arith.constant 1 : i32
    scf.for %scan3A_153 = %scan3A_61 to %scan3A_63 step %scan3A_64  : i32 {
      %dma_start3A = arith.constant 0 : i32
      %dma_start3A_154 = tpu.memref_slice %arg10[%scan3A_153, %dma_start3A] : memref<40x128xi32, #tpu.memory_space<vmem>> -> memref<1x128xi32, #tpu.memory_space<vmem>>
      %dma_start3A_155 = tpu.memref_squeeze %dma_start3A_154 : memref<1x128xi32, #tpu.memory_space<vmem>> -> memref<128xi32, #tpu.memory_space<vmem>>
      %dma_start3A_156 = arith.constant 0 : i32
      %dma_start3A_157 = arith.constant 0 : i32
      %dma_start3A_158 = tpu.memref_slice %arg6[%dma_start3A_156, %dma_start3A_157] : memref<10240x128xf32, #tpu.memory_space<hbm>> -> memref<10240x128xf32, #tpu.memory_space<hbm>>
      tpu.enqueue_indirect_dma source(%dma_start3A_158 : memref<10240x128xf32, #tpu.memory_space<hbm>>) target(%arg12 : memref<128x128xf32, #tpu.memory_space<vmem>>) offsets(%dma_start3A_155 : memref<128xi32, #tpu.memory_space<vmem>>) semaphore(%arg15 : memref<!tpu.dma_semaphore, #tpu.memory_space<semaphore_mem>>)
      %dma_wait3A = arith.constant 0 : i32
      %dma_wait3A_159 = tpu.memref_slice %arg10[%scan3A_153, %dma_wait3A] : memref<40x128xi32, #tpu.memory_space<vmem>> -> memref<1x128xi32, #tpu.memory_space<vmem>>
      %dma_wait3A_160 = tpu.memref_squeeze %dma_wait3A_159 : memref<1x128xi32, #tpu.memory_space<vmem>> -> memref<128xi32, #tpu.memory_space<vmem>>
      %dma_wait3A_161 = arith.constant 0 : i32
      %dma_wait3A_162 = arith.constant 0 : i32
      %dma_wait3A_163 = tpu.memref_slice %arg6[%dma_wait3A_161, %dma_wait3A_162] : memref<10240x128xf32, #tpu.memory_space<hbm>> -> memref<10240x128xf32, #tpu.memory_space<hbm>>
      tpu.wait_indirect_dma semaphore(%arg15 : memref<!tpu.dma_semaphore, #tpu.memory_space<semaphore_mem>>) src(%dma_wait3A_163 : memref<10240x128xf32, #tpu.memory_space<hbm>>) dst(%arg12 : memref<128x128xf32, #tpu.memory_space<vmem>>)
      "tpu.region"() ({
        %run_scoped3A = tpu.sem_alloc : memref<!tpu.dma_semaphore, #tpu.memory_space<semaphore_mem>>
        %dma_start3A_164 = arith.constant 0 : i32
        %dma_start3A_165 = tpu.memref_slice %arg11[%scan3A_153, %dma_start3A_164] : memref<40x128xi32, #tpu.memory_space<vmem>> -> memref<1x128xi32, #tpu.memory_space<vmem>>
        %dma_start3A_166 = tpu.memref_squeeze %dma_start3A_165 : memref<1x128xi32, #tpu.memory_space<vmem>> -> memref<128xi32, #tpu.memory_space<vmem>>
        %dma_start3A_167 = arith.constant 0 : i32
        %dma_start3A_168 = arith.constant 0 : i32
        %dma_start3A_169 = tpu.memref_slice %arg14[%dma_start3A_167, %dma_start3A_168] : memref<10240x128xf32, #tpu.memory_space<vmem_shared>> -> memref<10240x128xf32, #tpu.memory_space<vmem_shared>>
        tpu.enqueue_indirect_dma source(%arg12 : memref<128x128xf32, #tpu.memory_space<vmem>>) target(%dma_start3A_169 : memref<10240x128xf32, #tpu.memory_space<vmem_shared>>) offsets(%dma_start3A_166 : memref<128xi32, #tpu.memory_space<vmem>>) semaphore(%run_scoped3A : memref<!tpu.dma_semaphore, #tpu.memory_space<semaphore_mem>>) {add = true}
        %dma_wait3A_170 = arith.constant 0 : i32
        %dma_wait3A_171 = tpu.memref_slice %arg11[%scan3A_153, %dma_wait3A_170] : memref<40x128xi32, #tpu.memory_space<vmem>> -> memref<1x128xi32, #tpu.memory_space<vmem>>
        %dma_wait3A_172 = tpu.memref_squeeze %dma_wait3A_171 : memref<1x128xi32, #tpu.memory_space<vmem>> -> memref<128xi32, #tpu.memory_space<vmem>>
        %dma_wait3A_173 = arith.constant 0 : i32
        %dma_wait3A_174 = arith.constant 0 : i32
        %dma_wait3A_175 = tpu.memref_slice %arg14[%dma_wait3A_173, %dma_wait3A_174] : memref<10240x128xf32, #tpu.memory_space<vmem_shared>> -> memref<10240x128xf32, #tpu.memory_space<vmem_shared>>
        tpu.wait_indirect_dma semaphore(%run_scoped3A : memref<!tpu.dma_semaphore, #tpu.memory_space<semaphore_mem>>) src(%arg12 : memref<128x128xf32, #tpu.memory_space<vmem>>) dst(%dma_wait3A_175 : memref<10240x128xf32, #tpu.memory_space<vmem_shared>>)
        tpu.yield
      }) : () -> ()
    }
    %scan3A_65 = arith.constant 40 : i32
    %barrier3A_66 = arith.constant 0 : index
    tpu.barrier barrier_id(%barrier3A_66)
    %mul3A_67 = arith.constant 10240 : i32
    %mul3A_68 = arith.muli %arg0, %mul3A_67 : i32
    %add3A_69 = arith.constant 20480 : i32
    %add3A_70 = arith.addi %add3A_69, %mul3A_68 : i32
    %mul3A_71 = arith.constant 640 : i32
    %mul3A_72 = arith.muli %arg1, %mul3A_71 : i32
    %add3A_73 = arith.addi %add3A_70, %mul3A_72 : i32
    %mul3A_74 = arith.constant 640 : i32
    %mul3A_75 = arith.muli %arg1, %mul3A_74 : i32
    "tpu.region"() ({
      %run_scoped3A = tpu.sem_alloc : memref<!tpu.dma_semaphore, #tpu.memory_space<semaphore_mem>>
      %dma_start3A = arith.constant 0 : i32
      %dma_start3A_153 = tpu.memref_slice %arg9[%add3A_73, %dma_start3A] : memref<81920x128xf32, #tpu.memory_space<hbm>> -> memref<640x128xf32, #tpu.memory_space<hbm>>
      %dma_start3A_154 = arith.constant 0 : i32
      %dma_start3A_155 = tpu.memref_slice %arg14[%mul3A_75, %dma_start3A_154] : memref<10240x128xf32, #tpu.memory_space<vmem_shared>> -> memref<640x128xf32, #tpu.memory_space<vmem_shared>>
      tpu.enqueue_dma source(%dma_start3A_155 : memref<640x128xf32, #tpu.memory_space<vmem_shared>>) target(%dma_start3A_153 : memref<640x128xf32, #tpu.memory_space<hbm>>) target_semaphore(%run_scoped3A : memref<!tpu.dma_semaphore, #tpu.memory_space<semaphore_mem>>)
      %dma_wait3A = arith.constant 0 : i32
      %dma_wait3A_156 = tpu.memref_slice %arg9[%add3A_73, %dma_wait3A] : memref<81920x128xf32, #tpu.memory_space<hbm>> -> memref<640x128xf32, #tpu.memory_space<hbm>>
      %dma_wait3A_157 = arith.constant 0 : i32
      %dma_wait3A_158 = tpu.memref_slice %arg14[%mul3A_75, %dma_wait3A_157] : memref<10240x128xf32, #tpu.memory_space<vmem_shared>> -> memref<640x128xf32, #tpu.memory_space<vmem_shared>>
      tpu.wait_dma2 semaphore(%run_scoped3A : memref<!tpu.dma_semaphore, #tpu.memory_space<semaphore_mem>>) src(%dma_wait3A_158 : memref<640x128xf32, #tpu.memory_space<vmem_shared>>) dst(%dma_wait3A_156 : memref<640x128xf32, #tpu.memory_space<hbm>>)
      tpu.yield
    }) : () -> ()
    %barrier3A_76 = arith.constant 0 : index
    tpu.barrier barrier_id(%barrier3A_76)
    %mul3A_77 = arith.constant 640 : i32
    %mul3A_78 = arith.muli %arg1, %mul3A_77 : i32
    %add3A_79 = arith.constant 0 : i32
    %add3A_80 = arith.addi %mul3A_78, %add3A_79 : i32
    "tpu.region"() ({
      %run_scoped3A = tpu.sem_alloc : memref<!tpu.dma_semaphore, #tpu.memory_space<semaphore_mem>>
      %dma_start3A = arith.constant 0 : i32
      %dma_start3A_153 = tpu.memref_slice %arg14[%add3A_80, %dma_start3A] : memref<10240x128xf32, #tpu.memory_space<vmem_shared>> -> memref<128x128xf32, #tpu.memory_space<vmem_shared>>
      tpu.enqueue_dma source(%arg4 : memref<128x128xf32, #tpu.memory_space<hbm>>) target(%dma_start3A_153 : memref<128x128xf32, #tpu.memory_space<vmem_shared>>) target_semaphore(%run_scoped3A : memref<!tpu.dma_semaphore, #tpu.memory_space<semaphore_mem>>)
      %dma_wait3A = arith.constant 0 : i32
      %dma_wait3A_154 = tpu.memref_slice %arg14[%add3A_80, %dma_wait3A] : memref<10240x128xf32, #tpu.memory_space<vmem_shared>> -> memref<128x128xf32, #tpu.memory_space<vmem_shared>>
      tpu.wait_dma2 semaphore(%run_scoped3A : memref<!tpu.dma_semaphore, #tpu.memory_space<semaphore_mem>>) src(%arg4 : memref<128x128xf32, #tpu.memory_space<hbm>>) dst(%dma_wait3A_154 : memref<128x128xf32, #tpu.memory_space<vmem_shared>>)
      tpu.yield
    }) : () -> ()
    %mul3A_81 = arith.constant 640 : i32
    %mul3A_82 = arith.muli %arg1, %mul3A_81 : i32
    %add3A_83 = arith.constant 128 : i32
    %add3A_84 = arith.addi %mul3A_82, %add3A_83 : i32
    "tpu.region"() ({
      %run_scoped3A = tpu.sem_alloc : memref<!tpu.dma_semaphore, #tpu.memory_space<semaphore_mem>>
      %dma_start3A = arith.constant 0 : i32
      %dma_start3A_153 = tpu.memref_slice %arg14[%add3A_84, %dma_start3A] : memref<10240x128xf32, #tpu.memory_space<vmem_shared>> -> memref<128x128xf32, #tpu.memory_space<vmem_shared>>
      tpu.enqueue_dma source(%arg4 : memref<128x128xf32, #tpu.memory_space<hbm>>) target(%dma_start3A_153 : memref<128x128xf32, #tpu.memory_space<vmem_shared>>) target_semaphore(%run_scoped3A : memref<!tpu.dma_semaphore, #tpu.memory_space<semaphore_mem>>)
      %dma_wait3A = arith.constant 0 : i32
      %dma_wait3A_154 = tpu.memref_slice %arg14[%add3A_84, %dma_wait3A] : memref<10240x128xf32, #tpu.memory_space<vmem_shared>> -> memref<128x128xf32, #tpu.memory_space<vmem_shared>>
      tpu.wait_dma2 semaphore(%run_scoped3A : memref<!tpu.dma_semaphore, #tpu.memory_space<semaphore_mem>>) src(%arg4 : memref<128x128xf32, #tpu.memory_space<hbm>>) dst(%dma_wait3A_154 : memref<128x128xf32, #tpu.memory_space<vmem_shared>>)
      tpu.yield
    }) : () -> ()
    %mul3A_85 = arith.constant 640 : i32
    %mul3A_86 = arith.muli %arg1, %mul3A_85 : i32
    %add3A_87 = arith.constant 256 : i32
    %add3A_88 = arith.addi %mul3A_86, %add3A_87 : i32
    "tpu.region"() ({
      %run_scoped3A = tpu.sem_alloc : memref<!tpu.dma_semaphore, #tpu.memory_space<semaphore_mem>>
      %dma_start3A = arith.constant 0 : i32
      %dma_start3A_153 = tpu.memref_slice %arg14[%add3A_88, %dma_start3A] : memref<10240x128xf32, #tpu.memory_space<vmem_shared>> -> memref<128x128xf32, #tpu.memory_space<vmem_shared>>
      tpu.enqueue_dma source(%arg4 : memref<128x128xf32, #tpu.memory_space<hbm>>) target(%dma_start3A_153 : memref<128x128xf32, #tpu.memory_space<vmem_shared>>) target_semaphore(%run_scoped3A : memref<!tpu.dma_semaphore, #tpu.memory_space<semaphore_mem>>)
      %dma_wait3A = arith.constant 0 : i32
      %dma_wait3A_154 = tpu.memref_slice %arg14[%add3A_88, %dma_wait3A] : memref<10240x128xf32, #tpu.memory_space<vmem_shared>> -> memref<128x128xf32, #tpu.memory_space<vmem_shared>>
      tpu.wait_dma2 semaphore(%run_scoped3A : memref<!tpu.dma_semaphore, #tpu.memory_space<semaphore_mem>>) src(%arg4 : memref<128x128xf32, #tpu.memory_space<hbm>>) dst(%dma_wait3A_154 : memref<128x128xf32, #tpu.memory_space<vmem_shared>>)
      tpu.yield
    }) : () -> ()
    %mul3A_89 = arith.constant 640 : i32
    %mul3A_90 = arith.muli %arg1, %mul3A_89 : i32
    %add3A_91 = arith.constant 384 : i32
    %add3A_92 = arith.addi %mul3A_90, %add3A_91 : i32
    "tpu.region"() ({
      %run_scoped3A = tpu.sem_alloc : memref<!tpu.dma_semaphore, #tpu.memory_space<semaphore_mem>>
      %dma_start3A = arith.constant 0 : i32
      %dma_start3A_153 = tpu.memref_slice %arg14[%add3A_92, %dma_start3A] : memref<10240x128xf32, #tpu.memory_space<vmem_shared>> -> memref<128x128xf32, #tpu.memory_space<vmem_shared>>
      tpu.enqueue_dma source(%arg4 : memref<128x128xf32, #tpu.memory_space<hbm>>) target(%dma_start3A_153 : memref<128x128xf32, #tpu.memory_space<vmem_shared>>) target_semaphore(%run_scoped3A : memref<!tpu.dma_semaphore, #tpu.memory_space<semaphore_mem>>)
      %dma_wait3A = arith.constant 0 : i32
      %dma_wait3A_154 = tpu.memref_slice %arg14[%add3A_92, %dma_wait3A] : memref<10240x128xf32, #tpu.memory_space<vmem_shared>> -> memref<128x128xf32, #tpu.memory_space<vmem_shared>>
      tpu.wait_dma2 semaphore(%run_scoped3A : memref<!tpu.dma_semaphore, #tpu.memory_space<semaphore_mem>>) src(%arg4 : memref<128x128xf32, #tpu.memory_space<hbm>>) dst(%dma_wait3A_154 : memref<128x128xf32, #tpu.memory_space<vmem_shared>>)
      tpu.yield
    }) : () -> ()
    %mul3A_93 = arith.constant 640 : i32
    %mul3A_94 = arith.muli %arg1, %mul3A_93 : i32
    %add3A_95 = arith.constant 512 : i32
    %add3A_96 = arith.addi %mul3A_94, %add3A_95 : i32
    "tpu.region"() ({
      %run_scoped3A = tpu.sem_alloc : memref<!tpu.dma_semaphore, #tpu.memory_space<semaphore_mem>>
      %dma_start3A = arith.constant 0 : i32
      %dma_start3A_153 = tpu.memref_slice %arg14[%add3A_96, %dma_start3A] : memref<10240x128xf32, #tpu.memory_space<vmem_shared>> -> memref<128x128xf32, #tpu.memory_space<vmem_shared>>
      tpu.enqueue_dma source(%arg4 : memref<128x128xf32, #tpu.memory_space<hbm>>) target(%dma_start3A_153 : memref<128x128xf32, #tpu.memory_space<vmem_shared>>) target_semaphore(%run_scoped3A : memref<!tpu.dma_semaphore, #tpu.memory_space<semaphore_mem>>)
      %dma_wait3A = arith.constant 0 : i32
      %dma_wait3A_154 = tpu.memref_slice %arg14[%add3A_96, %dma_wait3A] : memref<10240x128xf32, #tpu.memory_space<vmem_shared>> -> memref<128x128xf32, #tpu.memory_space<vmem_shared>>
      tpu.wait_dma2 semaphore(%run_scoped3A : memref<!tpu.dma_semaphore, #tpu.memory_space<semaphore_mem>>) src(%arg4 : memref<128x128xf32, #tpu.memory_space<hbm>>) dst(%dma_wait3A_154 : memref<128x128xf32, #tpu.memory_space<vmem_shared>>)
      tpu.yield
    }) : () -> ()
    %barrier3A_97 = arith.constant 0 : index
    tpu.barrier barrier_id(%barrier3A_97)
    %scan3A_98 = arith.constant 0 : i32
    %scan3A_99 = arith.constant 0 : i32
    %scan3A_100 = arith.constant 40 : i32
    %scan3A_101 = arith.addi %scan3A_99, %scan3A_100 : i32
    %scan3A_102 = arith.constant 1 : i32
    scf.for %scan3A_153 = %scan3A_99 to %scan3A_101 step %scan3A_102  : i32 {
      %dma_start3A = arith.constant 0 : i32
      %dma_start3A_154 = tpu.memref_slice %arg10[%scan3A_153, %dma_start3A] : memref<40x128xi32, #tpu.memory_space<vmem>> -> memref<1x128xi32, #tpu.memory_space<vmem>>
      %dma_start3A_155 = tpu.memref_squeeze %dma_start3A_154 : memref<1x128xi32, #tpu.memory_space<vmem>> -> memref<128xi32, #tpu.memory_space<vmem>>
      %dma_start3A_156 = arith.constant 0 : i32
      %dma_start3A_157 = arith.constant 0 : i32
      %dma_start3A_158 = tpu.memref_slice %arg7[%dma_start3A_156, %dma_start3A_157] : memref<10240x128xf32, #tpu.memory_space<hbm>> -> memref<10240x128xf32, #tpu.memory_space<hbm>>
      tpu.enqueue_indirect_dma source(%dma_start3A_158 : memref<10240x128xf32, #tpu.memory_space<hbm>>) target(%arg12 : memref<128x128xf32, #tpu.memory_space<vmem>>) offsets(%dma_start3A_155 : memref<128xi32, #tpu.memory_space<vmem>>) semaphore(%arg15 : memref<!tpu.dma_semaphore, #tpu.memory_space<semaphore_mem>>)
      %dma_wait3A = arith.constant 0 : i32
      %dma_wait3A_159 = tpu.memref_slice %arg10[%scan3A_153, %dma_wait3A] : memref<40x128xi32, #tpu.memory_space<vmem>> -> memref<1x128xi32, #tpu.memory_space<vmem>>
      %dma_wait3A_160 = tpu.memref_squeeze %dma_wait3A_159 : memref<1x128xi32, #tpu.memory_space<vmem>> -> memref<128xi32, #tpu.memory_space<vmem>>
      %dma_wait3A_161 = arith.constant 0 : i32
      %dma_wait3A_162 = arith.constant 0 : i32
      %dma_wait3A_163 = tpu.memref_slice %arg7[%dma_wait3A_161, %dma_wait3A_162] : memref<10240x128xf32, #tpu.memory_space<hbm>> -> memref<10240x128xf32, #tpu.memory_space<hbm>>
      tpu.wait_indirect_dma semaphore(%arg15 : memref<!tpu.dma_semaphore, #tpu.memory_space<semaphore_mem>>) src(%dma_wait3A_163 : memref<10240x128xf32, #tpu.memory_space<hbm>>) dst(%arg12 : memref<128x128xf32, #tpu.memory_space<vmem>>)
      "tpu.region"() ({
        %run_scoped3A = tpu.sem_alloc : memref<!tpu.dma_semaphore, #tpu.memory_space<semaphore_mem>>
        %dma_start3A_164 = arith.constant 0 : i32
        %dma_start3A_165 = tpu.memref_slice %arg11[%scan3A_153, %dma_start3A_164] : memref<40x128xi32, #tpu.memory_space<vmem>> -> memref<1x128xi32, #tpu.memory_space<vmem>>
        %dma_start3A_166 = tpu.memref_squeeze %dma_start3A_165 : memref<1x128xi32, #tpu.memory_space<vmem>> -> memref<128xi32, #tpu.memory_space<vmem>>
        %dma_start3A_167 = arith.constant 0 : i32
        %dma_start3A_168 = arith.constant 0 : i32
        %dma_start3A_169 = tpu.memref_slice %arg14[%dma_start3A_167, %dma_start3A_168] : memref<10240x128xf32, #tpu.memory_space<vmem_shared>> -> memref<10240x128xf32, #tpu.memory_space<vmem_shared>>
        tpu.enqueue_indirect_dma source(%arg12 : memref<128x128xf32, #tpu.memory_space<vmem>>) target(%dma_start3A_169 : memref<10240x128xf32, #tpu.memory_space<vmem_shared>>) offsets(%dma_start3A_166 : memref<128xi32, #tpu.memory_space<vmem>>) semaphore(%run_scoped3A : memref<!tpu.dma_semaphore, #tpu.memory_space<semaphore_mem>>) {add = true}
        %dma_wait3A_170 = arith.constant 0 : i32
        %dma_wait3A_171 = tpu.memref_slice %arg11[%scan3A_153, %dma_wait3A_170] : memref<40x128xi32, #tpu.memory_space<vmem>> -> memref<1x128xi32, #tpu.memory_space<vmem>>
        %dma_wait3A_172 = tpu.memref_squeeze %dma_wait3A_171 : memref<1x128xi32, #tpu.memory_space<vmem>> -> memref<128xi32, #tpu.memory_space<vmem>>
        %dma_wait3A_173 = arith.constant 0 : i32
        %dma_wait3A_174 = arith.constant 0 : i32
        %dma_wait3A_175 = tpu.memref_slice %arg14[%dma_wait3A_173, %dma_wait3A_174] : memref<10240x128xf32, #tpu.memory_space<vmem_shared>> -> memref<10240x128xf32, #tpu.memory_space<vmem_shared>>
        tpu.wait_indirect_dma semaphore(%run_scoped3A : memref<!tpu.dma_semaphore, #tpu.memory_space<semaphore_mem>>) src(%arg12 : memref<128x128xf32, #tpu.memory_space<vmem>>) dst(%dma_wait3A_175 : memref<10240x128xf32, #tpu.memory_space<vmem_shared>>)
        tpu.yield
      }) : () -> ()
    }
    %scan3A_103 = arith.constant 40 : i32
    %barrier3A_104 = arith.constant 0 : index
    tpu.barrier barrier_id(%barrier3A_104)
    %mul3A_105 = arith.constant 10240 : i32
    %mul3A_106 = arith.muli %arg0, %mul3A_105 : i32
    %add3A_107 = arith.constant 40960 : i32
    %add3A_108 = arith.addi %add3A_107, %mul3A_106 : i32
    %mul3A_109 = arith.constant 640 : i32
    %mul3A_110 = arith.muli %arg1, %mul3A_109 : i32
    %add3A_111 = arith.addi %add3A_108, %mul3A_110 : i32
    %mul3A_112 = arith.constant 640 : i32
    %mul3A_113 = arith.muli %arg1, %mul3A_112 : i32
    "tpu.region"() ({
      %run_scoped3A = tpu.sem_alloc : memref<!tpu.dma_semaphore, #tpu.memory_space<semaphore_mem>>
      %dma_start3A = arith.constant 0 : i32
      %dma_start3A_153 = tpu.memref_slice %arg9[%add3A_111, %dma_start3A] : memref<81920x128xf32, #tpu.memory_space<hbm>> -> memref<640x128xf32, #tpu.memory_space<hbm>>
      %dma_start3A_154 = arith.constant 0 : i32
      %dma_start3A_155 = tpu.memref_slice %arg14[%mul3A_113, %dma_start3A_154] : memref<10240x128xf32, #tpu.memory_space<vmem_shared>> -> memref<640x128xf32, #tpu.memory_space<vmem_shared>>
      tpu.enqueue_dma source(%dma_start3A_155 : memref<640x128xf32, #tpu.memory_space<vmem_shared>>) target(%dma_start3A_153 : memref<640x128xf32, #tpu.memory_space<hbm>>) target_semaphore(%run_scoped3A : memref<!tpu.dma_semaphore, #tpu.memory_space<semaphore_mem>>)
      %dma_wait3A = arith.constant 0 : i32
      %dma_wait3A_156 = tpu.memref_slice %arg9[%add3A_111, %dma_wait3A] : memref<81920x128xf32, #tpu.memory_space<hbm>> -> memref<640x128xf32, #tpu.memory_space<hbm>>
      %dma_wait3A_157 = arith.constant 0 : i32
      %dma_wait3A_158 = tpu.memref_slice %arg14[%mul3A_113, %dma_wait3A_157] : memref<10240x128xf32, #tpu.memory_space<vmem_shared>> -> memref<640x128xf32, #tpu.memory_space<vmem_shared>>
      tpu.wait_dma2 semaphore(%run_scoped3A : memref<!tpu.dma_semaphore, #tpu.memory_space<semaphore_mem>>) src(%dma_wait3A_158 : memref<640x128xf32, #tpu.memory_space<vmem_shared>>) dst(%dma_wait3A_156 : memref<640x128xf32, #tpu.memory_space<hbm>>)
      tpu.yield
    }) : () -> ()
    %barrier3A_114 = arith.constant 0 : index
    tpu.barrier barrier_id(%barrier3A_114)
    %mul3A_115 = arith.constant 640 : i32
    %mul3A_116 = arith.muli %arg1, %mul3A_115 : i32
    %add3A_117 = arith.constant 0 : i32
    %add3A_118 = arith.addi %mul3A_116, %add3A_117 : i32
    "tpu.region"() ({
      %run_scoped3A = tpu.sem_alloc : memref<!tpu.dma_semaphore, #tpu.memory_space<semaphore_mem>>
      %dma_start3A = arith.constant 0 : i32
      %dma_start3A_153 = tpu.memref_slice %arg14[%add3A_118, %dma_start3A] : memref<10240x128xf32, #tpu.memory_space<vmem_shared>> -> memref<128x128xf32, #tpu.memory_space<vmem_shared>>
      tpu.enqueue_dma source(%arg4 : memref<128x128xf32, #tpu.memory_space<hbm>>) target(%dma_start3A_153 : memref<128x128xf32, #tpu.memory_space<vmem_shared>>) target_semaphore(%run_scoped3A : memref<!tpu.dma_semaphore, #tpu.memory_space<semaphore_mem>>)
      %dma_wait3A = arith.constant 0 : i32
      %dma_wait3A_154 = tpu.memref_slice %arg14[%add3A_118, %dma_wait3A] : memref<10240x128xf32, #tpu.memory_space<vmem_shared>> -> memref<128x128xf32, #tpu.memory_space<vmem_shared>>
      tpu.wait_dma2 semaphore(%run_scoped3A : memref<!tpu.dma_semaphore, #tpu.memory_space<semaphore_mem>>) src(%arg4 : memref<128x128xf32, #tpu.memory_space<hbm>>) dst(%dma_wait3A_154 : memref<128x128xf32, #tpu.memory_space<vmem_shared>>)
      tpu.yield
    }) : () -> ()
    %mul3A_119 = arith.constant 640 : i32
    %mul3A_120 = arith.muli %arg1, %mul3A_119 : i32
    %add3A_121 = arith.constant 128 : i32
    %add3A_122 = arith.addi %mul3A_120, %add3A_121 : i32
    "tpu.region"() ({
      %run_scoped3A = tpu.sem_alloc : memref<!tpu.dma_semaphore, #tpu.memory_space<semaphore_mem>>
      %dma_start3A = arith.constant 0 : i32
      %dma_start3A_153 = tpu.memref_slice %arg14[%add3A_122, %dma_start3A] : memref<10240x128xf32, #tpu.memory_space<vmem_shared>> -> memref<128x128xf32, #tpu.memory_space<vmem_shared>>
      tpu.enqueue_dma source(%arg4 : memref<128x128xf32, #tpu.memory_space<hbm>>) target(%dma_start3A_153 : memref<128x128xf32, #tpu.memory_space<vmem_shared>>) target_semaphore(%run_scoped3A : memref<!tpu.dma_semaphore, #tpu.memory_space<semaphore_mem>>)
      %dma_wait3A = arith.constant 0 : i32
      %dma_wait3A_154 = tpu.memref_slice %arg14[%add3A_122, %dma_wait3A] : memref<10240x128xf32, #tpu.memory_space<vmem_shared>> -> memref<128x128xf32, #tpu.memory_space<vmem_shared>>
      tpu.wait_dma2 semaphore(%run_scoped3A : memref<!tpu.dma_semaphore, #tpu.memory_space<semaphore_mem>>) src(%arg4 : memref<128x128xf32, #tpu.memory_space<hbm>>) dst(%dma_wait3A_154 : memref<128x128xf32, #tpu.memory_space<vmem_shared>>)
      tpu.yield
    }) : () -> ()
    %mul3A_123 = arith.constant 640 : i32
    %mul3A_124 = arith.muli %arg1, %mul3A_123 : i32
    %add3A_125 = arith.constant 256 : i32
    %add3A_126 = arith.addi %mul3A_124, %add3A_125 : i32
    "tpu.region"() ({
      %run_scoped3A = tpu.sem_alloc : memref<!tpu.dma_semaphore, #tpu.memory_space<semaphore_mem>>
      %dma_start3A = arith.constant 0 : i32
      %dma_start3A_153 = tpu.memref_slice %arg14[%add3A_126, %dma_start3A] : memref<10240x128xf32, #tpu.memory_space<vmem_shared>> -> memref<128x128xf32, #tpu.memory_space<vmem_shared>>
      tpu.enqueue_dma source(%arg4 : memref<128x128xf32, #tpu.memory_space<hbm>>) target(%dma_start3A_153 : memref<128x128xf32, #tpu.memory_space<vmem_shared>>) target_semaphore(%run_scoped3A : memref<!tpu.dma_semaphore, #tpu.memory_space<semaphore_mem>>)
      %dma_wait3A = arith.constant 0 : i32
      %dma_wait3A_154 = tpu.memref_slice %arg14[%add3A_126, %dma_wait3A] : memref<10240x128xf32, #tpu.memory_space<vmem_shared>> -> memref<128x128xf32, #tpu.memory_space<vmem_shared>>
      tpu.wait_dma2 semaphore(%run_scoped3A : memref<!tpu.dma_semaphore, #tpu.memory_space<semaphore_mem>>) src(%arg4 : memref<128x128xf32, #tpu.memory_space<hbm>>) dst(%dma_wait3A_154 : memref<128x128xf32, #tpu.memory_space<vmem_shared>>)
      tpu.yield
    }) : () -> ()
    %mul3A_127 = arith.constant 640 : i32
    %mul3A_128 = arith.muli %arg1, %mul3A_127 : i32
    %add3A_129 = arith.constant 384 : i32
    %add3A_130 = arith.addi %mul3A_128, %add3A_129 : i32
    "tpu.region"() ({
      %run_scoped3A = tpu.sem_alloc : memref<!tpu.dma_semaphore, #tpu.memory_space<semaphore_mem>>
      %dma_start3A = arith.constant 0 : i32
      %dma_start3A_153 = tpu.memref_slice %arg14[%add3A_130, %dma_start3A] : memref<10240x128xf32, #tpu.memory_space<vmem_shared>> -> memref<128x128xf32, #tpu.memory_space<vmem_shared>>
      tpu.enqueue_dma source(%arg4 : memref<128x128xf32, #tpu.memory_space<hbm>>) target(%dma_start3A_153 : memref<128x128xf32, #tpu.memory_space<vmem_shared>>) target_semaphore(%run_scoped3A : memref<!tpu.dma_semaphore, #tpu.memory_space<semaphore_mem>>)
      %dma_wait3A = arith.constant 0 : i32
      %dma_wait3A_154 = tpu.memref_slice %arg14[%add3A_130, %dma_wait3A] : memref<10240x128xf32, #tpu.memory_space<vmem_shared>> -> memref<128x128xf32, #tpu.memory_space<vmem_shared>>
      tpu.wait_dma2 semaphore(%run_scoped3A : memref<!tpu.dma_semaphore, #tpu.memory_space<semaphore_mem>>) src(%arg4 : memref<128x128xf32, #tpu.memory_space<hbm>>) dst(%dma_wait3A_154 : memref<128x128xf32, #tpu.memory_space<vmem_shared>>)
      tpu.yield
    }) : () -> ()
    %mul3A_131 = arith.constant 640 : i32
    %mul3A_132 = arith.muli %arg1, %mul3A_131 : i32
    %add3A_133 = arith.constant 512 : i32
    %add3A_134 = arith.addi %mul3A_132, %add3A_133 : i32
    "tpu.region"() ({
      %run_scoped3A = tpu.sem_alloc : memref<!tpu.dma_semaphore, #tpu.memory_space<semaphore_mem>>
      %dma_start3A = arith.constant 0 : i32
      %dma_start3A_153 = tpu.memref_slice %arg14[%add3A_134, %dma_start3A] : memref<10240x128xf32, #tpu.memory_space<vmem_shared>> -> memref<128x128xf32, #tpu.memory_space<vmem_shared>>
      tpu.enqueue_dma source(%arg4 : memref<128x128xf32, #tpu.memory_space<hbm>>) target(%dma_start3A_153 : memref<128x128xf32, #tpu.memory_space<vmem_shared>>) target_semaphore(%run_scoped3A : memref<!tpu.dma_semaphore, #tpu.memory_space<semaphore_mem>>)
      %dma_wait3A = arith.constant 0 : i32
      %dma_wait3A_154 = tpu.memref_slice %arg14[%add3A_134, %dma_wait3A] : memref<10240x128xf32, #tpu.memory_space<vmem_shared>> -> memref<128x128xf32, #tpu.memory_space<vmem_shared>>
      tpu.wait_dma2 semaphore(%run_scoped3A : memref<!tpu.dma_semaphore, #tpu.memory_space<semaphore_mem>>) src(%arg4 : memref<128x128xf32, #tpu.memory_space<hbm>>) dst(%dma_wait3A_154 : memref<128x128xf32, #tpu.memory_space<vmem_shared>>)
      tpu.yield
    }) : () -> ()
    %barrier3A_135 = arith.constant 0 : index
    tpu.barrier barrier_id(%barrier3A_135)
    %scan3A_136 = arith.constant 0 : i32
    %scan3A_137 = arith.constant 0 : i32
    %scan3A_138 = arith.constant 40 : i32
    %scan3A_139 = arith.addi %scan3A_137, %scan3A_138 : i32
    %scan3A_140 = arith.constant 1 : i32
    scf.for %scan3A_153 = %scan3A_137 to %scan3A_139 step %scan3A_140  : i32 {
      %dma_start3A = arith.constant 0 : i32
      %dma_start3A_154 = tpu.memref_slice %arg10[%scan3A_153, %dma_start3A] : memref<40x128xi32, #tpu.memory_space<vmem>> -> memref<1x128xi32, #tpu.memory_space<vmem>>
      %dma_start3A_155 = tpu.memref_squeeze %dma_start3A_154 : memref<1x128xi32, #tpu.memory_space<vmem>> -> memref<128xi32, #tpu.memory_space<vmem>>
      %dma_start3A_156 = arith.constant 0 : i32
      %dma_start3A_157 = arith.constant 0 : i32
      %dma_start3A_158 = tpu.memref_slice %arg8[%dma_start3A_156, %dma_start3A_157] : memref<10240x128xf32, #tpu.memory_space<hbm>> -> memref<10240x128xf32, #tpu.memory_space<hbm>>
      tpu.enqueue_indirect_dma source(%dma_start3A_158 : memref<10240x128xf32, #tpu.memory_space<hbm>>) target(%arg12 : memref<128x128xf32, #tpu.memory_space<vmem>>) offsets(%dma_start3A_155 : memref<128xi32, #tpu.memory_space<vmem>>) semaphore(%arg15 : memref<!tpu.dma_semaphore, #tpu.memory_space<semaphore_mem>>)
      %dma_wait3A = arith.constant 0 : i32
      %dma_wait3A_159 = tpu.memref_slice %arg10[%scan3A_153, %dma_wait3A] : memref<40x128xi32, #tpu.memory_space<vmem>> -> memref<1x128xi32, #tpu.memory_space<vmem>>
      %dma_wait3A_160 = tpu.memref_squeeze %dma_wait3A_159 : memref<1x128xi32, #tpu.memory_space<vmem>> -> memref<128xi32, #tpu.memory_space<vmem>>
      %dma_wait3A_161 = arith.constant 0 : i32
      %dma_wait3A_162 = arith.constant 0 : i32
      %dma_wait3A_163 = tpu.memref_slice %arg8[%dma_wait3A_161, %dma_wait3A_162] : memref<10240x128xf32, #tpu.memory_space<hbm>> -> memref<10240x128xf32, #tpu.memory_space<hbm>>
      tpu.wait_indirect_dma semaphore(%arg15 : memref<!tpu.dma_semaphore, #tpu.memory_space<semaphore_mem>>) src(%dma_wait3A_163 : memref<10240x128xf32, #tpu.memory_space<hbm>>) dst(%arg12 : memref<128x128xf32, #tpu.memory_space<vmem>>)
      "tpu.region"() ({
        %run_scoped3A = tpu.sem_alloc : memref<!tpu.dma_semaphore, #tpu.memory_space<semaphore_mem>>
        %dma_start3A_164 = arith.constant 0 : i32
        %dma_start3A_165 = tpu.memref_slice %arg11[%scan3A_153, %dma_start3A_164] : memref<40x128xi32, #tpu.memory_space<vmem>> -> memref<1x128xi32, #tpu.memory_space<vmem>>
        %dma_start3A_166 = tpu.memref_squeeze %dma_start3A_165 : memref<1x128xi32, #tpu.memory_space<vmem>> -> memref<128xi32, #tpu.memory_space<vmem>>
        %dma_start3A_167 = arith.constant 0 : i32
        %dma_start3A_168 = arith.constant 0 : i32
        %dma_start3A_169 = tpu.memref_slice %arg14[%dma_start3A_167, %dma_start3A_168] : memref<10240x128xf32, #tpu.memory_space<vmem_shared>> -> memref<10240x128xf32, #tpu.memory_space<vmem_shared>>
        tpu.enqueue_indirect_dma source(%arg12 : memref<128x128xf32, #tpu.memory_space<vmem>>) target(%dma_start3A_169 : memref<10240x128xf32, #tpu.memory_space<vmem_shared>>) offsets(%dma_start3A_166 : memref<128xi32, #tpu.memory_space<vmem>>) semaphore(%run_scoped3A : memref<!tpu.dma_semaphore, #tpu.memory_space<semaphore_mem>>) {add = true}
        %dma_wait3A_170 = arith.constant 0 : i32
        %dma_wait3A_171 = tpu.memref_slice %arg11[%scan3A_153, %dma_wait3A_170] : memref<40x128xi32, #tpu.memory_space<vmem>> -> memref<1x128xi32, #tpu.memory_space<vmem>>
        %dma_wait3A_172 = tpu.memref_squeeze %dma_wait3A_171 : memref<1x128xi32, #tpu.memory_space<vmem>> -> memref<128xi32, #tpu.memory_space<vmem>>
        %dma_wait3A_173 = arith.constant 0 : i32
        %dma_wait3A_174 = arith.constant 0 : i32
        %dma_wait3A_175 = tpu.memref_slice %arg14[%dma_wait3A_173, %dma_wait3A_174] : memref<10240x128xf32, #tpu.memory_space<vmem_shared>> -> memref<10240x128xf32, #tpu.memory_space<vmem_shared>>
        tpu.wait_indirect_dma semaphore(%run_scoped3A : memref<!tpu.dma_semaphore, #tpu.memory_space<semaphore_mem>>) src(%arg12 : memref<128x128xf32, #tpu.memory_space<vmem>>) dst(%dma_wait3A_175 : memref<10240x128xf32, #tpu.memory_space<vmem_shared>>)
        tpu.yield
      }) : () -> ()
    }
    %scan3A_141 = arith.constant 40 : i32
    %barrier3A_142 = arith.constant 0 : index
    tpu.barrier barrier_id(%barrier3A_142)
    %mul3A_143 = arith.constant 10240 : i32
    %mul3A_144 = arith.muli %arg0, %mul3A_143 : i32
    %add3A_145 = arith.constant 61440 : i32
    %add3A_146 = arith.addi %add3A_145, %mul3A_144 : i32
    %mul3A_147 = arith.constant 640 : i32
    %mul3A_148 = arith.muli %arg1, %mul3A_147 : i32
    %add3A_149 = arith.addi %add3A_146, %mul3A_148 : i32
    %mul3A_150 = arith.constant 640 : i32
    %mul3A_151 = arith.muli %arg1, %mul3A_150 : i32
    "tpu.region"() ({
      %run_scoped3A = tpu.sem_alloc : memref<!tpu.dma_semaphore, #tpu.memory_space<semaphore_mem>>
      %dma_start3A = arith.constant 0 : i32
      %dma_start3A_153 = tpu.memref_slice %arg9[%add3A_149, %dma_start3A] : memref<81920x128xf32, #tpu.memory_space<hbm>> -> memref<640x128xf32, #tpu.memory_space<hbm>>
      %dma_start3A_154 = arith.constant 0 : i32
      %dma_start3A_155 = tpu.memref_slice %arg14[%mul3A_151, %dma_start3A_154] : memref<10240x128xf32, #tpu.memory_space<vmem_shared>> -> memref<640x128xf32, #tpu.memory_space<vmem_shared>>
      tpu.enqueue_dma source(%dma_start3A_155 : memref<640x128xf32, #tpu.memory_space<vmem_shared>>) target(%dma_start3A_153 : memref<640x128xf32, #tpu.memory_space<hbm>>) target_semaphore(%run_scoped3A : memref<!tpu.dma_semaphore, #tpu.memory_space<semaphore_mem>>)
      %dma_wait3A = arith.constant 0 : i32
      %dma_wait3A_156 = tpu.memref_slice %arg9[%add3A_149, %dma_wait3A] : memref<81920x128xf32, #tpu.memory_space<hbm>> -> memref<640x128xf32, #tpu.memory_space<hbm>>
      %dma_wait3A_157 = arith.constant 0 : i32
      %dma_wait3A_158 = tpu.memref_slice %arg14[%mul3A_151, %dma_wait3A_157] : memref<10240x128xf32, #tpu.memory_space<vmem_shared>> -> memref<640x128xf32, #tpu.memory_space<vmem_shared>>
      tpu.wait_dma2 semaphore(%run_scoped3A : memref<!tpu.dma_semaphore, #tpu.memory_space<semaphore_mem>>) src(%dma_wait3A_158 : memref<640x128xf32, #tpu.memory_space<vmem_shared>>) dst(%dma_wait3A_156 : memref<640x128xf32, #tpu.memory_space<hbm>>)
      tpu.yield
    }) : () -> ()
    %barrier3A_152 = arith.constant 0 : index
    tpu.barrier barrier_id(%barrier3A_152)
    return
  }
}

module attributes {stable_mosaic.version = 14 : i64} {
  func.func @_mm1_body(%arg0: i32, %arg1: i32, %arg2: memref<512x256xf32, #tpu.memory_space<vmem>>, %arg3: memref<256x128xf32, #tpu.memory_space<vmem>>, %arg4: memref<1x512x128xf32, #tpu.memory_space<vmem>>) attributes {dimension_semantics = [#tpu.dimension_semantics<arbitrary>, #tpu.dimension_semantics<arbitrary>], iteration_bounds = array<i64: 20, 4>, scalar_prefetch = 0 : i64, scratch_operands = 0 : i64, tpu.core_type = #tpu.core_type<tc>, window_params = [{transform_indices = @transform_0, window_bounds = array<i64: 512, 256>}, {transform_indices = @transform_1, window_bounds = array<i64: 256, 128>}, {transform_indices = @transform_2, window_bounds = array<i64: 1, 512, 128>}]} {
    %get3A = arith.constant 0 : index
    %get3A_0 = arith.constant 0 : index
    %get3A_1 = vector.load %arg2[%get3A, %get3A_0] : memref<512x256xf32, #tpu.memory_space<vmem>>, vector<512x256xf32>
    %get3A_2 = arith.constant 0 : index
    %get3A_3 = arith.constant 0 : index
    %get3A_4 = vector.load %arg3[%get3A_2, %get3A_3] : memref<256x128xf32, #tpu.memory_space<vmem>>, vector<256x128xf32>
    %dot_general3A = arith.constant dense<0.000000e+00> : vector<512x128xf32>
    %dot_general3A_5 = tpu.matmul %get3A_1, %get3A_4, %dot_general3A {dimension_numbers = #tpu.dot_dimension_numbers<[1], [0], [0], [1], [0, 0, 1, 1], [], []>, transpose_lhs_hint = false} : vector<512x256xf32>, vector<256x128xf32>, vector<512x128xf32> -> vector<512x128xf32>
    %swap3A = arith.constant 0 : index
    %swap3A_6 = arith.constant 0 : index
    %swap3A_7 = arith.constant 0 : index
    %swap3A_8 = vector.load %arg4[%swap3A, %swap3A_6, %swap3A_7] : memref<1x512x128xf32, #tpu.memory_space<vmem>>, vector<1x512x128xf32>
    %swap3A_9 = vector.shape_cast %swap3A_8 : vector<1x512x128xf32> to vector<512x128xf32>
    %swap3A_10 = vector.shape_cast %dot_general3A_5 : vector<512x128xf32> to vector<1x512x128xf32>
    tpu.vector_store %arg4[%swap3A, %swap3A_6, %swap3A_7], %swap3A_10 {strides = array<i32>} : memref<1x512x128xf32, #tpu.memory_space<vmem>>, vector<1x512x128xf32>,
    return
  }
  func.func @transform_0(%arg0: i32, %arg1: i32) -> (i32, i32) {
    %c0_i32 = arith.constant 0 : i32
    %c0_i32_0 = arith.constant 0 : i32
    return %arg0, %c0_i32 : i32, i32
  }
  func.func @transform_1(%arg0: i32, %arg1: i32) -> (i32, i32) {
    %c0_i32 = arith.constant 0 : i32
    %c0_i32_0 = arith.constant 0 : i32
    return %c0_i32, %arg1 : i32, i32
  }
  func.func @transform_2(%arg0: i32, %arg1: i32) -> (i32, i32, i32) {
    %c0_i32 = arith.constant 0 : i32
    %c0_i32_0 = arith.constant 0 : i32
    return %arg1, %arg0, %c0_i32 : i32, i32, i32
  }
}

module attributes {stable_mosaic.version = 14 : i64} {
  func.func @_k2_body(%arg0: i32, %arg1: memref<2x512x16xf32, #tpu.memory_space<vmem>>, %arg2: memref<512x256xf32, #tpu.memory_space<vmem>>, %arg3: memref<1x1x512xf32, #tpu.memory_space<vmem>>, %arg4: memref<512x256xf32, #tpu.memory_space<vmem>>) attributes {dimension_semantics = [#tpu.dimension_semantics<arbitrary>], iteration_bounds = array<i64: 20>, scalar_prefetch = 0 : i64, scratch_operands = 0 : i64, tpu.core_type = #tpu.core_type<tc>, window_params = [{transform_indices = @transform_0, window_bounds = array<i64: 2, 512, 16>}, {transform_indices = @transform_1, window_bounds = array<i64: 512, 256>}, {transform_indices = @transform_2, window_bounds = array<i64: 1, 1, 512>}, {transform_indices = @transform_3, window_bounds = array<i64: 512, 256>}]} {
    %get3A = arith.constant 0 : index
    %get3A_0 = arith.constant 0 : index
    %get3A_1 = arith.constant 0 : index
    %get3A_2 = vector.load %arg1[%get3A, %get3A_0, %get3A_1] : memref<2x512x16xf32, #tpu.memory_space<vmem>>, vector<2x512x16xf32>
    %reduce_sum3A = arith.constant dense<0.000000e+00> : vector<512xf32>
    %reduce_sum3A_3 = vector.multi_reduction <add>, %get3A_2, %reduce_sum3A [0, 2] : vector<2x512x16xf32> to vector<512xf32>
    %add3A = arith.constant 1.000000e+00 : f32
    %add3A_4 = vector.broadcast %add3A : f32 to vector<512xf32>
    %add3A_5 = arith.addf %reduce_sum3A_3, %add3A_4 : vector<512xf32>
    %rsqrt3A = math.rsqrt %add3A_5 : vector<512xf32>
    %broadcast_in_dim3A = vector.shape_cast %rsqrt3A : vector<512xf32> to vector<1x1x512xf32>
    %swap3A = arith.constant 0 : index
    %swap3A_6 = arith.constant 0 : index
    %swap3A_7 = arith.constant 0 : index
    %swap3A_8 = vector.load %arg3[%swap3A, %swap3A_6, %swap3A_7] : memref<1x1x512xf32, #tpu.memory_space<vmem>>, vector<1x1x512xf32>
    tpu.vector_store %arg3[%swap3A, %swap3A_6, %swap3A_7], %broadcast_in_dim3A {strides = array<i32>} : memref<1x1x512xf32, #tpu.memory_space<vmem>>, vector<1x1x512xf32>,
    %broadcast_in_dim3A_9 = vector.shape_cast %rsqrt3A : vector<512xf32> to vector<512x1xf32>
    %get3A_10 = arith.constant 0 : index
    %get3A_11 = arith.constant 0 : index
    %get3A_12 = vector.load %arg2[%get3A_10, %get3A_11] : memref<512x256xf32, #tpu.memory_space<vmem>>, vector<512x256xf32>
    %mul3A = vector.broadcast %broadcast_in_dim3A_9 : vector<512x1xf32> to vector<512x256xf32>
    %mul3A_13 = arith.mulf %mul3A, %get3A_12 : vector<512x256xf32>
    %swap3A_14 = arith.constant 0 : index
    %swap3A_15 = arith.constant 0 : index
    %swap3A_16 = vector.load %arg4[%swap3A_14, %swap3A_15] : memref<512x256xf32, #tpu.memory_space<vmem>>, vector<512x256xf32>
    tpu.vector_store %arg4[%swap3A_14, %swap3A_15], %mul3A_13 {strides = array<i32>} : memref<512x256xf32, #tpu.memory_space<vmem>>, vector<512x256xf32>,
    return
  }
  func.func @transform_0(%arg0: i32) -> (i32, i32, i32) {
    %c0_i32 = arith.constant 0 : i32
    %c0_i32_0 = arith.constant 0 : i32
    %c0_i32_1 = arith.constant 0 : i32
    return %c0_i32, %arg0, %c0_i32_0 : i32, i32, i32
  }
  func.func @transform_1(%arg0: i32) -> (i32, i32) {
    %c0_i32 = arith.constant 0 : i32
    %c0_i32_0 = arith.constant 0 : i32
    return %arg0, %c0_i32 : i32, i32
  }
  func.func @transform_2(%arg0: i32) -> (i32, i32, i32) {
    %c0_i32 = arith.constant 0 : i32
    %c0_i32_0 = arith.constant 0 : i32
    %c0_i32_1 = arith.constant 0 : i32
    return %arg0, %c0_i32, %c0_i32_0 : i32, i32, i32
  }
  func.func @transform_3(%arg0: i32) -> (i32, i32) {
    %c0_i32 = arith.constant 0 : i32
    %c0_i32_0 = arith.constant 0 : i32
    return %arg0, %c0_i32 : i32, i32
  }
}

module attributes {stable_mosaic.version = 14 : i64} {
  func.func @_k5a_body(%arg0: i32, %arg1: i32, %arg2: memref<1x2x512x128xf32, #tpu.memory_space<vmem>>, %arg3: memref<1x512x128xf32, #tpu.memory_space<vmem>>, %arg4: memref<1x1x512xf32, #tpu.memory_space<vmem>>, %arg5: memref<1x1x128xf32, #tpu.memory_space<vmem>>, %arg6: memref<1x512x128xf32, #tpu.memory_space<vmem>>) attributes {dimension_semantics = [#tpu.dimension_semantics<arbitrary>, #tpu.dimension_semantics<arbitrary>], iteration_bounds = array<i64: 4, 20>, scalar_prefetch = 0 : i64, scratch_operands = 0 : i64, tpu.core_type = #tpu.core_type<tc>, window_params = [{transform_indices = @transform_0, window_bounds = array<i64: 1, 2, 512, 128>}, {transform_indices = @transform_1, window_bounds = array<i64: 1, 512, 128>}, {transform_indices = @transform_2, window_bounds = array<i64: 1, 1, 512>}, {transform_indices = @transform_3, window_bounds = array<i64: 1, 1, 128>}, {transform_indices = @transform_4, window_bounds = array<i64: 1, 512, 128>}]} {
    %get3A = arith.constant 0 : index
    %get3A_0 = arith.constant 0 : index
    %get3A_1 = arith.constant 0 : index
    %get3A_2 = arith.constant 0 : index
    %get3A_3 = vector.load %arg2[%get3A, %get3A_0, %get3A_1, %get3A_2] : memref<1x2x512x128xf32, #tpu.memory_space<vmem>>, vector<1x1x512x128xf32>
    %get3A_4 = vector.shape_cast %get3A_3 : vector<1x1x512x128xf32> to vector<512x128xf32>
    %get3A_5 = arith.constant 0 : index
    %get3A_6 = arith.constant 1 : index
    %get3A_7 = arith.constant 0 : index
    %get3A_8 = arith.constant 0 : index
    %get3A_9 = vector.load %arg2[%get3A_5, %get3A_6, %get3A_7, %get3A_8] : memref<1x2x512x128xf32, #tpu.memory_space<vmem>>, vector<1x1x512x128xf32>
    %get3A_10 = vector.shape_cast %get3A_9 : vector<1x1x512x128xf32> to vector<512x128xf32>
    %add3A = arith.addf %get3A_4, %get3A_10 : vector<512x128xf32>
    %get3A_11 = arith.constant 0 : index
    %get3A_12 = arith.constant 0 : index
    %get3A_13 = arith.constant 0 : index
    %get3A_14 = vector.load %arg3[%get3A_11, %get3A_12, %get3A_13] : memref<1x512x128xf32, #tpu.memory_space<vmem>>, vector<1x512x128xf32>
    %get3A_15 = vector.shape_cast %get3A_14 : vector<1x512x128xf32> to vector<512x128xf32>
    %add3A_16 = arith.addf %add3A, %get3A_15 : vector<512x128xf32>
    %get3A_17 = arith.constant 0 : index
    %get3A_18 = arith.constant 0 : index
    %get3A_19 = arith.constant 0 : index
    %get3A_20 = vector.load %arg4[%get3A_17, %get3A_18, %get3A_19] : memref<1x1x512xf32, #tpu.memory_space<vmem>>, vector<1x1x512xf32>
    %get3A_21 = vector.shape_cast %get3A_20 : vector<1x1x512xf32> to vector<512xf32>
    %broadcast_in_dim3A = vector.shape_cast %get3A_21 : vector<512xf32> to vector<512x1xf32>
    %mul3A = vector.broadcast %broadcast_in_dim3A : vector<512x1xf32> to vector<512x128xf32>
    %mul3A_22 = arith.mulf %mul3A, %add3A_16 : vector<512x128xf32>
    %get3A_23 = arith.constant 0 : index
    %get3A_24 = arith.constant 0 : index
    %get3A_25 = arith.constant 0 : index
    %get3A_26 = vector.load %arg5[%get3A_23, %get3A_24, %get3A_25] : memref<1x1x128xf32, #tpu.memory_space<vmem>>, vector<1x1x128xf32>
    %get3A_27 = vector.shape_cast %get3A_26 : vector<1x1x128xf32> to vector<1x128xf32>
    %add3A_28 = vector.broadcast %get3A_27 : vector<1x128xf32> to vector<512x128xf32>
    %add3A_29 = arith.addf %mul3A_22, %add3A_28 : vector<512x128xf32>
    %max3A = arith.constant 0.000000e+00 : f32
    %max3A_30 = vector.broadcast %max3A : f32 to vector<512x128xf32>
    %max3A_31 = arith.maximumf %add3A_29, %max3A_30 : vector<512x128xf32>
    %broadcast_in_dim3A_32 = vector.shape_cast %get3A_21 : vector<512xf32> to vector<512x1xf32>
    %mul3A_33 = vector.broadcast %broadcast_in_dim3A_32 : vector<512x1xf32> to vector<512x128xf32>
    %mul3A_34 = arith.mulf %mul3A_33, %max3A_31 : vector<512x128xf32>
    %swap3A = arith.constant 0 : index
    %swap3A_35 = arith.constant 0 : index
    %swap3A_36 = arith.constant 0 : index
    %swap3A_37 = vector.load %arg6[%swap3A, %swap3A_35, %swap3A_36] : memref<1x512x128xf32, #tpu.memory_space<vmem>>, vector<1x512x128xf32>
    %swap3A_38 = vector.shape_cast %swap3A_37 : vector<1x512x128xf32> to vector<512x128xf32>
    %swap3A_39 = vector.shape_cast %mul3A_34 : vector<512x128xf32> to vector<1x512x128xf32>
    tpu.vector_store %arg6[%swap3A, %swap3A_35, %swap3A_36], %swap3A_39 {strides = array<i32>} : memref<1x512x128xf32, #tpu.memory_space<vmem>>, vector<1x512x128xf32>,
    return
  }
  func.func @transform_0(%arg0: i32, %arg1: i32) -> (i32, i32, i32, i32) {
    %c0_i32 = arith.constant 0 : i32
    %c0_i32_0 = arith.constant 0 : i32
    %c0_i32_1 = arith.constant 0 : i32
    return %arg0, %c0_i32, %arg1, %c0_i32_0 : i32, i32, i32, i32
  }
  func.func @transform_1(%arg0: i32, %arg1: i32) -> (i32, i32, i32) {
    %c0_i32 = arith.constant 0 : i32
    %c0_i32_0 = arith.constant 0 : i32
    return %arg0, %arg1, %c0_i32 : i32, i32, i32
  }
  func.func @transform_2(%arg0: i32, %arg1: i32) -> (i32, i32, i32) {
    %c0_i32 = arith.constant 0 : i32
    %c0_i32_0 = arith.constant 0 : i32
    %c0_i32_1 = arith.constant 0 : i32
    return %arg1, %c0_i32, %c0_i32_0 : i32, i32, i32
  }
  func.func @transform_3(%arg0: i32, %arg1: i32) -> (i32, i32, i32) {
    %c0_i32 = arith.constant 0 : i32
    %c0_i32_0 = arith.constant 0 : i32
    %c0_i32_1 = arith.constant 0 : i32
    return %arg0, %c0_i32, %c0_i32_0 : i32, i32, i32
  }
  func.func @transform_4(%arg0: i32, %arg1: i32) -> (i32, i32, i32) {
    %c0_i32 = arith.constant 0 : i32
    %c0_i32_0 = arith.constant 0 : i32
    return %arg0, %arg1, %c0_i32 : i32, i32, i32
  }
}

module attributes {stable_mosaic.version = 14 : i64} {
  func.func @_mm2_body(%arg0: i32, %arg1: i32, %arg2: i32, %arg3: memref<1x512x128xf32, #tpu.memory_space<vmem>>, %arg4: memref<128x128xf32, #tpu.memory_space<vmem>>, %arg5: memref<1x512x128xf32, #tpu.memory_space<vmem>>) attributes {dimension_semantics = [#tpu.dimension_semantics<arbitrary>, #tpu.dimension_semantics<arbitrary>, #tpu.dimension_semantics<arbitrary>], iteration_bounds = array<i64: 20, 4, 4>, scalar_prefetch = 0 : i64, scratch_operands = 0 : i64, tpu.core_type = #tpu.core_type<tc>, window_params = [{transform_indices = @transform_0, window_bounds = array<i64: 1, 512, 128>}, {transform_indices = @transform_1, window_bounds = array<i64: 128, 128>}, {transform_indices = @transform_2, window_bounds = array<i64: 1, 512, 128>}]} {
    %eq3A = arith.constant 0 : i32
    %eq3A_0 = arith.cmpi eq, %arg2, %eq3A : i32
    %convert_element_type3A = arith.extui %eq3A_0 : i1 to i32
    %cond3A = arith.constant 0 : i32
    %cond3A_1 = arith.cmpi ne, %convert_element_type3A, %cond3A : i32
    scf.if %cond3A_1 {
      %broadcast_in_dim3A = arith.constant 0.000000e+00 : f32
      %broadcast_in_dim3A_20 = vector.broadcast %broadcast_in_dim3A : f32 to vector<1x512x128xf32>
      %swap3A_21 = arith.constant 0 : index
      %swap3A_22 = arith.constant 0 : index
      %swap3A_23 = arith.constant 0 : index
      %swap3A_24 = vector.load %arg5[%swap3A_21, %swap3A_22, %swap3A_23] : memref<1x512x128xf32, #tpu.memory_space<vmem>>, vector<1x512x128xf32>
      tpu.vector_store %arg5[%swap3A_21, %swap3A_22, %swap3A_23], %broadcast_in_dim3A_20 {strides = array<i32>} : memref<1x512x128xf32, #tpu.memory_space<vmem>>, vector<1x512x128xf32>,
    } else {
    }
    %get3A = arith.constant 0 : index
    %get3A_2 = arith.constant 0 : index
    %get3A_3 = arith.constant 0 : index
    %get3A_4 = vector.load %arg5[%get3A, %get3A_2, %get3A_3] : memref<1x512x128xf32, #tpu.memory_space<vmem>>, vector<1x512x128xf32>
    %get3A_5 = vector.shape_cast %get3A_4 : vector<1x512x128xf32> to vector<512x128xf32>
    %get3A_6 = arith.constant 0 : index
    %get3A_7 = arith.constant 0 : index
    %get3A_8 = arith.constant 0 : index
    %get3A_9 = vector.load %arg3[%get3A_6, %get3A_7, %get3A_8] : memref<1x512x128xf32, #tpu.memory_space<vmem>>, vector<1x512x128xf32>
    %get3A_10 = vector.shape_cast %get3A_9 : vector<1x512x128xf32> to vector<512x128xf32>
    %get3A_11 = arith.constant 0 : index
    %get3A_12 = arith.constant 0 : index
    %get3A_13 = vector.load %arg4[%get3A_11, %get3A_12] : memref<128x128xf32, #tpu.memory_space<vmem>>, vector<128x128xf32>
    %dot_general3A = arith.constant dense<0.000000e+00> : vector<512x128xf32>
    %dot_general3A_14 = tpu.matmul %get3A_10, %get3A_13, %dot_general3A {dimension_numbers = #tpu.dot_dimension_numbers<[1], [0], [0], [1], [0, 0, 1, 1], [], []>, transpose_lhs_hint = false} : vector<512x128xf32>, vector<128x128xf32>, vector<512x128xf32> -> vector<512x128xf32>
    %add3A = arith.addf %get3A_5, %dot_general3A_14 : vector<512x128xf32>
    %swap3A = arith.constant 0 : index
    %swap3A_15 = arith.constant 0 : index
    %swap3A_16 = arith.constant 0 : index
    %swap3A_17 = vector.load %arg5[%swap3A, %swap3A_15, %swap3A_16] : memref<1x512x128xf32, #tpu.memory_space<vmem>>, vector<1x512x128xf32>
    %swap3A_18 = vector.shape_cast %swap3A_17 : vector<1x512x128xf32> to vector<512x128xf32>
    %swap3A_19 = vector.shape_cast %add3A : vector<512x128xf32> to vector<1x512x128xf32>
    tpu.vector_store %arg5[%swap3A, %swap3A_15, %swap3A_16], %swap3A_19 {strides = array<i32>} : memref<1x512x128xf32, #tpu.memory_space<vmem>>, vector<1x512x128xf32>,
    return
  }
  func.func @transform_0(%arg0: i32, %arg1: i32, %arg2: i32) -> (i32, i32, i32) {
    %c0_i32 = arith.constant 0 : i32
    %c0_i32_0 = arith.constant 0 : i32
    return %arg2, %arg0, %c0_i32 : i32, i32, i32
  }
  func.func @transform_1(%arg0: i32, %arg1: i32, %arg2: i32) -> (i32, i32) {
    %c0_i32 = arith.constant 0 : i32
    return %arg2, %arg1 : i32, i32
  }
  func.func @transform_2(%arg0: i32, %arg1: i32, %arg2: i32) -> (i32, i32, i32) {
    %c0_i32 = arith.constant 0 : i32
    %c0_i32_0 = arith.constant 0 : i32
    return %arg1, %arg0, %c0_i32 : i32, i32, i32
  }
}

module attributes {stable_mosaic.version = 14 : i64} {
  func.func @_k7a_body(%arg0: i32, %arg1: i32, %arg2: memref<1x2x512x128xf32, #tpu.memory_space<vmem>>, %arg3: memref<1x512x128xf32, #tpu.memory_space<vmem>>, %arg4: memref<1x1x512xf32, #tpu.memory_space<vmem>>, %arg5: memref<1x1x128xf32, #tpu.memory_space<vmem>>, %arg6: memref<1x1x512xi32, #tpu.memory_space<vmem>>, %arg7: memref<128x128xf32, #tpu.memory_space<vmem>>, %arg8: memref<128x128xf32, #tpu.memory_space<vmem>>) attributes {dimension_semantics = [#tpu.dimension_semantics<arbitrary>, #tpu.dimension_semantics<arbitrary>], iteration_bounds = array<i64: 4, 20>, scalar_prefetch = 0 : i64, scratch_operands = 0 : i64, tpu.core_type = #tpu.core_type<tc>, window_params = [{transform_indices = @transform_0, window_bounds = array<i64: 1, 2, 512, 128>}, {transform_indices = @transform_1, window_bounds = array<i64: 1, 512, 128>}, {transform_indices = @transform_2, window_bounds = array<i64: 1, 1, 512>}, {transform_indices = @transform_3, window_bounds = array<i64: 1, 1, 128>}, {transform_indices = @transform_4, window_bounds = array<i64: 1, 1, 512>}, {transform_indices = @transform_5, window_bounds = array<i64: 128, 128>}, {pipeline_mode = #tpu.pipeline_mode<synchronous>, transform_indices = @transform_6, window_bounds = array<i64: 128, 128>}]} {
    %get3A = arith.constant 0 : index
    %get3A_0 = arith.constant 0 : index
    %get3A_1 = arith.constant 0 : index
    %get3A_2 = arith.constant 0 : index
    %get3A_3 = vector.load %arg2[%get3A, %get3A_0, %get3A_1, %get3A_2] : memref<1x2x512x128xf32, #tpu.memory_space<vmem>>, vector<1x1x512x128xf32>
    %get3A_4 = vector.shape_cast %get3A_3 : vector<1x1x512x128xf32> to vector<512x128xf32>
    %get3A_5 = arith.constant 0 : index
    %get3A_6 = arith.constant 1 : index
    %get3A_7 = arith.constant 0 : index
    %get3A_8 = arith.constant 0 : index
    %get3A_9 = vector.load %arg2[%get3A_5, %get3A_6, %get3A_7, %get3A_8] : memref<1x2x512x128xf32, #tpu.memory_space<vmem>>, vector<1x1x512x128xf32>
    %get3A_10 = vector.shape_cast %get3A_9 : vector<1x1x512x128xf32> to vector<512x128xf32>
    %add3A = arith.addf %get3A_4, %get3A_10 : vector<512x128xf32>
    %get3A_11 = arith.constant 0 : index
    %get3A_12 = arith.constant 0 : index
    %get3A_13 = arith.constant 0 : index
    %get3A_14 = vector.load %arg3[%get3A_11, %get3A_12, %get3A_13] : memref<1x512x128xf32, #tpu.memory_space<vmem>>, vector<1x512x128xf32>
    %get3A_15 = vector.shape_cast %get3A_14 : vector<1x512x128xf32> to vector<512x128xf32>
    %add3A_16 = arith.addf %add3A, %get3A_15 : vector<512x128xf32>
    %get3A_17 = arith.constant 0 : index
    %get3A_18 = arith.constant 0 : index
    %get3A_19 = arith.constant 0 : index
    %get3A_20 = vector.load %arg4[%get3A_17, %get3A_18, %get3A_19] : memref<1x1x512xf32, #tpu.memory_space<vmem>>, vector<1x1x512xf32>
    %get3A_21 = vector.shape_cast %get3A_20 : vector<1x1x512xf32> to vector<512xf32>
    %broadcast_in_dim3A = vector.shape_cast %get3A_21 : vector<512xf32> to vector<512x1xf32>
    %mul3A = vector.broadcast %broadcast_in_dim3A : vector<512x1xf32> to vector<512x128xf32>
    %mul3A_22 = arith.mulf %mul3A, %add3A_16 : vector<512x128xf32>
    %get3A_23 = arith.constant 0 : index
    %get3A_24 = arith.constant 0 : index
    %get3A_25 = arith.constant 0 : index
    %get3A_26 = vector.load %arg5[%get3A_23, %get3A_24, %get3A_25] : memref<1x1x128xf32, #tpu.memory_space<vmem>>, vector<1x1x128xf32>
    %get3A_27 = vector.shape_cast %get3A_26 : vector<1x1x128xf32> to vector<1x128xf32>
    %add3A_28 = vector.broadcast %get3A_27 : vector<1x128xf32> to vector<512x128xf32>
    %add3A_29 = arith.addf %mul3A_22, %add3A_28 : vector<512x128xf32>
    %max3A = arith.constant 0.000000e+00 : f32
    %max3A_30 = vector.broadcast %max3A : f32 to vector<512x128xf32>
    %max3A_31 = arith.maximumf %add3A_29, %max3A_30 : vector<512x128xf32>
    %iota3A = tpu.iota {dimensions = array<i32: 0>} : vector<128x512xi32>
    %get3A_32 = arith.constant 0 : index
    %get3A_33 = arith.constant 0 : index
    %get3A_34 = arith.constant 0 : index
    %get3A_35 = vector.load %arg6[%get3A_32, %get3A_33, %get3A_34] : memref<1x1x512xi32, #tpu.memory_space<vmem>>, vector<1x1x512xi32>
    %get3A_36 = vector.shape_cast %get3A_35 : vector<1x1x512xi32> to vector<512xi32>
    %broadcast_in_dim3A_37 = vector.shape_cast %get3A_36 : vector<512xi32> to vector<1x512xi32>
    %eq3A = vector.broadcast %broadcast_in_dim3A_37 : vector<1x512xi32> to vector<128x512xi32>
    %eq3A_38 = arith.cmpi eq, %iota3A, %eq3A : vector<128x512xi32>
    %convert_element_type3A = arith.extui %eq3A_38 : vector<128x512xi1> to vector<128x512xi32>
    %convert_element_type3A_39 = arith.sitofp %convert_element_type3A : vector<128x512xi32> to vector<128x512xf32>
    %eq3A_40 = arith.constant 0 : i32
    %eq3A_41 = arith.cmpi eq, %arg1, %eq3A_40 : i32
    %convert_element_type3A_42 = arith.extui %eq3A_41 : i1 to i32
    %cond3A = arith.constant 0 : i32
    %cond3A_43 = arith.cmpi ne, %convert_element_type3A_42, %cond3A : i32
    scf.if %cond3A_43 {
      %broadcast_in_dim3A_63 = arith.constant 0.000000e+00 : f32
      %broadcast_in_dim3A_64 = vector.broadcast %broadcast_in_dim3A_63 : f32 to vector<128x128xf32>
      %swap3A_65 = arith.constant 0 : index
      %swap3A_66 = arith.constant 0 : index
      %swap3A_67 = vector.load %arg7[%swap3A_65, %swap3A_66] : memref<128x128xf32, #tpu.memory_space<vmem>>, vector<128x128xf32>
      tpu.vector_store %arg7[%swap3A_65, %swap3A_66], %broadcast_in_dim3A_64 {strides = array<i32>} : memref<128x128xf32, #tpu.memory_space<vmem>>, vector<128x128xf32>,
    } else {
    }
    %get3A_44 = arith.constant 0 : index
    %get3A_45 = arith.constant 0 : index
    %get3A_46 = vector.load %arg7[%get3A_44, %get3A_45] : memref<128x128xf32, #tpu.memory_space<vmem>>, vector<128x128xf32>
    %dot_general3A = arith.constant dense<0.000000e+00> : vector<128x128xf32>
    %dot_general3A_47 = tpu.matmul %convert_element_type3A_39, %max3A_31, %dot_general3A {dimension_numbers = #tpu.dot_dimension_numbers<[1], [0], [0], [1], [0, 0, 1, 1], [], []>, transpose_lhs_hint = false} : vector<128x512xf32>, vector<512x128xf32>, vector<128x128xf32> -> vector<128x128xf32>
    %add3A_48 = arith.addf %get3A_46, %dot_general3A_47 : vector<128x128xf32>
    %swap3A = arith.constant 0 : index
    %swap3A_49 = arith.constant 0 : index
    %swap3A_50 = vector.load %arg7[%swap3A, %swap3A_49] : memref<128x128xf32, #tpu.memory_space<vmem>>, vector<128x128xf32>
    tpu.vector_store %arg7[%swap3A, %swap3A_49], %add3A_48 {strides = array<i32>} : memref<128x128xf32, #tpu.memory_space<vmem>>, vector<128x128xf32>,
    %eq3A_51 = arith.constant 0 : i32
    %eq3A_52 = arith.cmpi eq, %arg1, %eq3A_51 : i32
    %eq3A_53 = arith.constant 0 : i32
    %eq3A_54 = arith.cmpi eq, %arg0, %eq3A_53 : i32
    %and3A = arith.andi %eq3A_52, %eq3A_54 : i1
    %convert_element_type3A_55 = arith.extui %and3A : i1 to i32
    %cond3A_56 = arith.constant 0 : i32
    %cond3A_57 = arith.cmpi ne, %convert_element_type3A_55, %cond3A_56 : i32
    scf.if %cond3A_57 {
      %broadcast_in_dim3A_63 = arith.constant 0.000000e+00 : f32
      %broadcast_in_dim3A_64 = vector.broadcast %broadcast_in_dim3A_63 : f32 to vector<128x128xf32>
      %swap3A_65 = arith.constant 0 : index
      %swap3A_66 = arith.constant 0 : index
      %swap3A_67 = vector.load %arg8[%swap3A_65, %swap3A_66] : memref<128x128xf32, #tpu.memory_space<vmem>>, vector<128x128xf32>
      tpu.vector_store %arg8[%swap3A_65, %swap3A_66], %broadcast_in_dim3A_64 {strides = array<i32>} : memref<128x128xf32, #tpu.memory_space<vmem>>, vector<128x128xf32>,
    } else {
    }
    %eq3A_58 = arith.constant 0 : i32
    %eq3A_59 = arith.cmpi eq, %arg0, %eq3A_58 : i32
    %convert_element_type3A_60 = arith.extui %eq3A_59 : i1 to i32
    %cond3A_61 = arith.constant 0 : i32
    %cond3A_62 = arith.cmpi ne, %convert_element_type3A_60, %cond3A_61 : i32
    scf.if %cond3A_62 {
      %get3A_63 = arith.constant 0 : index
      %get3A_64 = arith.constant 0 : index
      %get3A_65 = vector.load %arg8[%get3A_63, %get3A_64] : memref<128x128xf32, #tpu.memory_space<vmem>>, vector<128x128xf32>
      %reduce_sum3A = arith.constant dense<0.000000e+00> : vector<128xf32>
      %reduce_sum3A_66 = vector.multi_reduction <add>, %convert_element_type3A_39, %reduce_sum3A [1] : vector<128x512xf32> to vector<128xf32>
      %broadcast_in_dim3A_67 = vector.shape_cast %reduce_sum3A_66 : vector<128xf32> to vector<128x1xf32>
      %add3A_68 = vector.broadcast %broadcast_in_dim3A_67 : vector<128x1xf32> to vector<128x128xf32>
      %add3A_69 = arith.addf %get3A_65, %add3A_68 : vector<128x128xf32>
      %swap3A_70 = arith.constant 0 : index
      %swap3A_71 = arith.constant 0 : index
      %swap3A_72 = vector.load %arg8[%swap3A_70, %swap3A_71] : memref<128x128xf32, #tpu.memory_space<vmem>>, vector<128x128xf32>
      tpu.vector_store %arg8[%swap3A_70, %swap3A_71], %add3A_69 {strides = array<i32>} : memref<128x128xf32, #tpu.memory_space<vmem>>, vector<128x128xf32>,
    } else {
    }
    return
  }
  func.func @transform_0(%arg0: i32, %arg1: i32) -> (i32, i32, i32, i32) {
    %c0_i32 = arith.constant 0 : i32
    %c0_i32_0 = arith.constant 0 : i32
    %c0_i32_1 = arith.constant 0 : i32
    return %arg0, %c0_i32, %arg1, %c0_i32_0 : i32, i32, i32, i32
  }
  func.func @transform_1(%arg0: i32, %arg1: i32) -> (i32, i32, i32) {
    %c0_i32 = arith.constant 0 : i32
    %c0_i32_0 = arith.constant 0 : i32
    return %arg0, %arg1, %c0_i32 : i32, i32, i32
  }
  func.func @transform_2(%arg0: i32, %arg1: i32) -> (i32, i32, i32) {
    %c0_i32 = arith.constant 0 : i32
    %c0_i32_0 = arith.constant 0 : i32
    %c0_i32_1 = arith.constant 0 : i32
    return %arg1, %c0_i32, %c0_i32_0 : i32, i32, i32
  }
  func.func @transform_3(%arg0: i32, %arg1: i32) -> (i32, i32, i32) {
    %c0_i32 = arith.constant 0 : i32
    %c0_i32_0 = arith.constant 0 : i32
    %c0_i32_1 = arith.constant 0 : i32
    return %arg0, %c0_i32, %c0_i32_0 : i32, i32, i32
  }
  func.func @transform_4(%arg0: i32, %arg1: i32) -> (i32, i32, i32) {
    %c0_i32 = arith.constant 0 : i32
    %c0_i32_0 = arith.constant 0 : i32
    %c0_i32_1 = arith.constant 0 : i32
    return %arg1, %c0_i32, %c0_i32_0 : i32, i32, i32
  }
  func.func @transform_5(%arg0: i32, %arg1: i32) -> (i32, i32) {
    %c0_i32 = arith.constant 0 : i32
    %c0_i32_0 = arith.constant 0 : i32
    return %c0_i32, %arg0 : i32, i32
  }
  func.func @transform_6(%arg0: i32, %arg1: i32) -> (i32, i32) {
    %c0_i32 = arith.constant 0 : i32
    %c0_i32_0 = arith.constant 0 : i32
    %c0_i32_1 = arith.constant 0 : i32
    return %c0_i32, %c0_i32_0 : i32, i32
  }
}

module attributes {stable_mosaic.version = 14 : i64} {
  func.func @_k7b_body(%arg0: memref<128x512xf32, #tpu.memory_space<vmem>>, %arg1: memref<128x128xf32, #tpu.memory_space<vmem>>, %arg2: memref<512x256xf32, #tpu.memory_space<vmem>>, %arg3: memref<1x256xf32, #tpu.memory_space<vmem>>, %arg4: memref<128x256xf32, #tpu.memory_space<vmem>>) attributes {dimension_semantics = [], scalar_prefetch = 0 : i64, scratch_operands = 0 : i64, tpu.core_type = #tpu.core_type<tc>} {
    %get3A = arith.constant 0 : index
    %get3A_0 = arith.constant 0 : index
    %get3A_1 = vector.load %arg0[%get3A, %get3A_0] : memref<128x512xf32, #tpu.memory_space<vmem>>, vector<128x512xf32>
    %get3A_2 = arith.constant 0 : index
    %get3A_3 = arith.constant 0 : index
    %get3A_4 = vector.load %arg1[%get3A_2, %get3A_3] : memref<128x128xf32, #tpu.memory_space<vmem>>, vector<128x1xf32>
    %max3A = arith.constant 1.000000e+00 : f32
    %max3A_5 = vector.broadcast %max3A : f32 to vector<128x1xf32>
    %max3A_6 = arith.maximumf %get3A_4, %max3A_5 : vector<128x1xf32>
    %div3A = vector.broadcast %max3A_6 : vector<128x1xf32> to vector<128x512xf32>
    %div3A_7 = arith.divf %get3A_1, %div3A : vector<128x512xf32>
    %get3A_8 = arith.constant 0 : index
    %get3A_9 = arith.constant 0 : index
    %get3A_10 = vector.load %arg2[%get3A_8, %get3A_9] : memref<512x256xf32, #tpu.memory_space<vmem>>, vector<512x256xf32>
    %dot_general3A = arith.constant dense<0.000000e+00> : vector<128x256xf32>
    %dot_general3A_11 = tpu.matmul %div3A_7, %get3A_10, %dot_general3A {dimension_numbers = #tpu.dot_dimension_numbers<[1], [0], [0], [1], [0, 0, 1, 1], [], []>, transpose_lhs_hint = false} : vector<128x512xf32>, vector<512x256xf32>, vector<128x256xf32> -> vector<128x256xf32>
    %get3A_12 = arith.constant 0 : index
    %get3A_13 = arith.constant 0 : index
    %get3A_14 = vector.load %arg3[%get3A_12, %get3A_13] : memref<1x256xf32, #tpu.memory_space<vmem>>, vector<1x256xf32>
    %add3A = vector.broadcast %get3A_14 : vector<1x256xf32> to vector<128x256xf32>
    %add3A_15 = arith.addf %dot_general3A_11, %add3A : vector<128x256xf32>
    %swap3A = arith.constant 0 : index
    %swap3A_16 = arith.constant 0 : index
    %swap3A_17 = vector.load %arg4[%swap3A, %swap3A_16] : memref<128x256xf32, #tpu.memory_space<vmem>>, vector<128x256xf32>
    tpu.vector_store %arg4[%swap3A, %swap3A_16], %add3A_15 {strides = array<i32>} : memref<128x256xf32, #tpu.memory_space<vmem>>, vector<128x256xf32>,
    return
  }
}

</mosaic_0001>

<sc_bundles>
// kernel: kernel.11.cloned.1.call-start
scs
__scs_entry_jumppad:
0x0: {  	(pc) =	sbr.rel $0x88, $3  }
0x1: {  	(tag) =	ssettag $0x0;
	lr =	simm.s32 $0x1  }
0x2: {  	[smem:$0x3F98] =	sst lr;
	_ =	strace $0xD0000000  }
0x3: {  	_ = 	snop  }
0x4: {  	_ = 	snop  }
0x5: {  	_ = 	snop  }
0x6: {  	_ = 	snop  }
0x7: {  	_ = 	snop  }
__scs_overlays_trampoline_lowered:
0x8: {  	[smem:$0x3FA7] =	sst s0  }
0x9: {  	[smem:$0x3FA8] =	sst s1  }
0xa: {  	[smem:$0x3FA9] =	sst s2  }
0xb: {  	[smem:$0x3FAA] =	sst s3  }
0xc: {  	[smem:$0x3FAB] =	sst s4  }
0xd: {  	[smem:$0x3FAC] =	sst s5  }
0xe: {  	[smem:$0x3FAD] =	sst s6  }
0xf: {  	[smem:$0x3FAE] =	sst s7  }
0x10: {  	[smem:$0x3FAF] =	sst s8  }
0x11: {  	[smem:$0x3FB0] =	sst s9;
	s0 =	simm.s32 @!p0 $0x0  }
0x12: {  	s1 =	sld [smem:$0x3F96];
	s0 =	simm.s32 @p0 $0x1  }
0x13: {  	[smem:$0x3FB1] =	sst s0;
	s0 =	simm.s32 @!p1 $0x0  }
0x14: {  	s2 =	sld [smem:$0x3F95];
	s0 =	simm.s32 @p1 $0x1  }
0x15: {  	[smem:$0x3FB2] =	sst s0;
	s0 =	simm.s32 @!p2 $0x0  }
0x16: {  	s3 =	sld [smem:$0x3FDB];
	s0 =	simm.s32 @p2 $0x1  }
0x17: {  	s4 =	simm.s32 $0x1BF5;
	[smem:$0x3FB4] =	sst s0  }
0x18: {  	s0 =	sld [smem:$0x3F97];
	_ =	swait.ge [sflag:s4], $0x0  }
0x19: {  	s7 =	sld [smem:$0x3F98]  }
0x1a: {  	s8 =	sadd.s32 $0xFFFFE003, lr  }
0x1b: {  	s9 =	sadd.s32 $0xFFFFFEF7, lr;
	s5 =	simm.s32 $0xFFFFFFFF;
	p2 =	slt.u32 s8, $0xFFFFF086  }
0x1c: {  	p1 =	slt.u32 s9, $0xF7A;
	s5 =	simm.s32 @!p2 $0x0  }
0x1d: {  	s5 =	simm.s32 @p1 $0x1;
	p0 =	seq.s32 s7, s2  }
0x1e: {  	s7 =	smul.u32 @!p0 $0xF7A, s2;
	p2 =	seq.s32 @!p0 s5, $0x0  }
0x1f: {  	s9 =	smul.u32 $0xF7A, s1;
	s8 =	simm.s32 @!p0 $0x1BF5;
	p2 =	por !p2, p0  }
0x20: {  	[sflag:s8] =	ssyncset.s32 @!p0 $0xFFFFF086;
	s6 =	sadd.s32 @!p0 s3, s7;
	s7 =	simm.s32 @!p0 $0x108  }
0x21: {  	s3 =	sadd.s32 s3, s9;
	s6 =	sadd.s32 @!p0 $0x88, s6;
	s7 =	simm.s32 @p2 $0x1082  }
0x22: {  	[simem:s7], [sflag:s8] =	dma.local @!p0 [hbm:s6], $0xF7A  }
0x23: {  	s9 =	sor.u32 $0xD0000000, s2;
	s6 =	simm.s32 $0x108;
	_ =	swait.ge @!p0 [sflag:s8], $0x0  }
0x24: {  	s3 =	sadd.s32 $0x88, s3;
	s6 =	simm.s32 @!p1 $0x1082;
	[sflag:s4] =	ssyncset.s32 $0xFFFFF086  }
0x25: {  	[simem:s6], [sflag:s4] =	dma.local [hbm:s3], $0xF7A  }
0x26: {  	[smem:$0x3F98] =	sst s1;
	(tag) =	ssettag s2;
	_ =	strace s9  }
0x27: {  	s1 =	sld [smem:$0x3FA8]  }
0x28: {  	s2 =	sld [smem:$0x3FA9]  }
0x29: {  	s4 =	sld [smem:$0x3FAB]  }
0x2a: {  	p0 =	seq.s32 s5, $0x0;
	s5 =	sld [smem:$0x3FAC]  }
0x2b: {  	s6 =	sld [smem:$0x3FAD]  }
0x2c: {  	s7 =	sld [smem:$0x3FAE]  }
0x2d: {  	s3 =	simm.s32 $0x108;
	s8 =	sld [smem:$0x3FAF]  }
0x2e: {  	s3 =	simm.s32 @!p0 $0x1082;
	s9 =	sld [smem:$0x3FB0]  }
0x2f: {  	lr =	sadd.s32 s0, s3;
	s0 =	sld [smem:$0x3FA7]  }
0x30: {  	s3 =	sld [smem:$0x3FAA]  }
0x31: {  	[smem:$0x3FB3] =	sst s10  }
0x32: {  	s10 =	sld [smem:$0x3FB1];
	_ =	sdelay $0x3  }
0x33: {  	p0 =	seq.s32 s10, $0x1;
	s10 =	sld [smem:$0x3FB3];
	_ =	sdelay $0x3  }
0x34: {  	[smem:$0x3FB3] =	sst s10  }
0x35: {  	s10 =	sld [smem:$0x3FB2];
	_ =	sdelay $0x3  }
0x36: {  	p1 =	seq.s32 s10, $0x1;
	s10 =	sld [smem:$0x3FB3];
	_ =	sdelay $0x3  }
0x37: {  	[smem:$0x3FB3] =	sst s10  }
0x38: {  	s10 =	sld [smem:$0x3FB4]  }
0x39: {  	_ = 	snop;
	(pc) =	sbr.ind lr, $3  }
0x3a: {  	_ = 	snop  }
0x3b: {  	_ = 	snop  }
0x3c: {  	p2 =	seq.s32 s10, $0x1;
	s10 =	sld [smem:$0x3FB3]  }
0x3d: {  	_ =	shalt  }
0x3e: {  	_ =	shalt  }
0x3f: {  	_ =	shalt  }
0x40: {  	_ =	shalt  }
0x41: {  	_ =	shalt  }
0x42: {  	_ =	shalt  }
0x43: {  	_ =	shalt  }
0x44: {  	_ =	shalt  }
0x45: {  	_ =	shalt  }
0x46: {  	_ =	shalt  }
0x47: {  	_ =	shalt  }
0x48: {  	_ =	shalt  }
0x49: {  	_ =	shalt  }
0x4a: {  	_ =	shalt  }
0x4b: {  	_ =	shalt  }
0x4c: {  	_ =	shalt  }
0x4d: {  	_ =	shalt  }
0x4e: {  	_ =	shalt  }
0x4f: {  	_ =	shalt  }
0x50: {  	_ =	shalt  }
0x51: {  	_ =	shalt  }
0x52: {  	_ =	shalt  }
0x53: {  	_ =	shalt  }
0x54: {  	_ =	shalt  }
0x55: {  	_ =	shalt  }
0x56: {  	_ =	shalt  }
0x57: {  	_ =	shalt  }
0x58: {  	_ =	shalt  }
0x59: {  	_ =	shalt  }
0x5a: {  	_ =	shalt  }
0x5b: {  	_ =	shalt  }
0x5c: {  	_ =	shalt  }
0x5d: {  	_ =	shalt  }
0x5e: {  	_ =	shalt  }
0x5f: {  	_ =	shalt  }
0x60: {  	_ =	shalt  }
0x61: {  	_ =	shalt  }
0x62: {  	_ =	shalt  }
0x63: {  	_ =	shalt  }
0x64: {  	_ =	shalt  }
0x65: {  	_ =	shalt  }
0x66: {  	_ =	shalt  }
0x67: {  	_ =	shalt  }
0x68: {  	_ =	shalt  }
0x69: {  	_ =	shalt  }
0x6a: {  	_ =	shalt  }
0x6b: {  	_ =	shalt  }
0x6c: {  	_ =	shalt  }
0x6d: {  	_ =	shalt  }
0x6e: {  	_ =	shalt  }
0x6f: {  	_ =	shalt  }
0x70: {  	_ =	shalt  }
0x71: {  	_ =	shalt  }
0x72: {  	_ =	shalt  }
0x73: {  	_ =	shalt  }
0x74: {  	_ =	shalt  }
0x75: {  	_ =	shalt  }
0x76: {  	_ =	shalt  }
0x77: {  	_ =	shalt  }
0x78: {  	_ =	shalt  }
0x79: {  	_ =	shalt  }
0x7a: {  	_ =	shalt  }
0x7b: {  	_ =	shalt  }
0x7c: {  	_ =	shalt  }
0x7d: {  	_ =	shalt  }
0x7e: {  	_ =	shalt  }
0x7f: {  	_ =	shalt  }
0x80: {  	_ =	shalt  }
0x81: {  	_ =	shalt  }
0x82: {  	_ =	shalt  }
0x83: {  	_ =	shalt  }
0x84: {  	_ =	shalt  }
0x85: {  	_ =	shalt  }
0x86: {  	_ =	shalt  }
0x87: {  	_ =	shalt  }
.Lfunc_end0:
.L_simem_size_0:
called_computation_lowered:
.L_overlay_start_0:
0x88: {  	s2 =	sld [smem:$0x3FD9]  }
0x89: {  	s3 =	sld [smem:$0x3FFE];
	_ =	sdelay $0x1  }
0x8a: {  	s1 =	srdreg.scid  }
0x8b: {  	s0 =	sand.u32 $0x1, s1  }
0x8c: {  	s17 =	sshll.u32 s0, $0xA;
	s2 =	sadd.s32 s3, s2  }
0x8d: {  	s2 =	sadd.s32 s2, s17  }
0x8e: {  	[smem:$0x3FBF] =	sst s2  }
0x8f: {  	_ = 	snop  }
0x90: {  	s2 =	sld [smem:$0x3FD0];
	(tm) =	ssettm $0x1  }
0x91: {  	s18 =	sld [smem:$0x3FFB];
	_ =	sdelay $0x3  }
0x92: {  	_ =	strace s18  }
0x93: {  	s3 =	sld [smem:$0x3FFC];
	_ =	sdelay $0x3  }
0x94: {  	_ =	strace s3  }
0x95: {  	s3 =	sld [smem:$0x3FFD];
	_ =	sdelay $0x3  }
0x96: {  	_ =	strace s3  }
0x97: {  	_ =	strace $0x8FFFFFFF  }
0x98: {  	s19 =	sld [smem:$0x3FDB];
	_ =	sdelay $0x1  }
0x99: {  	s4 =	simm.s32 $_scs_section_size  }
0x9a: {  	s5 =	simm.s32 $_size__tile_overlayer_lowered;
	s6 =	simm.s32 $_tile_overlayer_lowered  }
0x9b: {  	s22 =	simm.s32 $0x1BFF;
	s21 =	sshll.u32 s6, $0x1;
	s3 =	sadd.s32 s4, s19  }
0x9c: {  	s7 =	simm.s32 $0x0;
	s20 =	sshll.u32 s5, $0x1;
	s5 =	sadd.s32 s21, s3  }
0x9d: {  	[timem:s7], [sflag:s22] =	dma.local [hbm:s5], s20  }
0x9e: {  	_ =	swait.ge [sflag:s22], s20  }
0x9f: {  	s4 =	ssub.s32 $0x0, s20;
	[sflag:s22] =	ssyncset.done $0x0  }
0xa0: {  	[sflag:s22] =	ssyncadd.s32 s4;
	_ =	sdelay $0x1  }
0xa1: {  	s23 =	simm.s32 $0x1B8B  }
0xa2: {  	_ =	swait.ge [sflag:s23], $0x1  }
0xa3: {  	[sflag:s23] =	ssyncset.done $0x0  }
0xa4: {  	s25 =	simm.s32 $0x1B8E;
	s24 =	sld [smem:$0x3FFE];
	[sflag:s23] =	ssyncadd.s32 $0xFFFFFFFF  }
0xa5: {  	s26 =	simm.s32 $execute0_lowered;
	[smem:$0x3FD2] =	sst s25  }
0xa6: {  	s5 =	sshll.u32 s26, $0x1;
	_ =	strace $0x80000046;
	[dreg:$0x1] =	wrdreg $0xFFFFFFFF  }
0xa7: {  	s28 =	simm.s32 $_size_execute0_lowered;
	s3 =	sadd.s32 s3, s5;
	[dreg:$0x0] =	wrdreg $0x0  }
0xa8: {  	s5 =	sshll.u32 s28, $0x1;
	[dreg:$0x2] =	wrdreg s3  }
0xa9: {  	[dreg:$0x3] =	wrdreg s5  }
0xaa: {  	[dreg:$0x4] =	wrdreg $0xC0  }
0xab: {  	_ =	task [dreg:s7], $0x5FFFF  }
0xac: {  	[dreg:$0x1] =	wrdreg $0xFFFFFFFF  }
0xad: {  	[dreg:$0x0] =	wrdreg $0x60  }
0xae: {  	[dreg:$0x2] =	wrdreg s24  }
0xaf: {  	[dreg:$0x3] =	wrdreg s2  }
0xb0: {  	[dreg:$0x4] =	wrdreg $0x54000  }
0xb1: {  	[dreg:$0x5] =	wrdreg $0x9  }
0xb2: {  	_ =	task.clear_ibuf [dreg:s7], $0x6FFFF;
	_ =	strace $0x90000046  }
0xb3: {  	s29 =	simm.s32 $0x9;
	_ =	strace $0x80000048  }
0xb4: {  	_ =	swait.ge [sflag:s29], $0x1  }
0xb5: {  	[sflag:s29] =	ssyncadd.s32 $0xFFFFFFFF  }
0xb6: {  	_ =	strace $0x90000048  }
0xb7: {  	_ =	sfence  }
0xb8: {  	s30 =	sld [smem:$0x0];
	_ =	sdelay $0x2  }
0xb9: {  	s31 =	sshll.u32 s1, $0xD;
	s1 =	sshrl.u32 s1, $0x2  }
0xba: {  	s3 =	sand.u32 $0x4000, s31;
	s1 =	sadd.s32 s1, s30  }
0xbb: {  	s0 =	sor.u32 s3, s0;
	s1 =	sshll.u32 s1, $0x11  }
0xbc: {  	s0 =	sor.u32 s1, s0  }
0xbd: {  	s0 =	sadd.s32 $0x8F2B, s0  }
0xbe: {  	[sflag:s0] =	ssyncadd.remote.s32 $0x1  }
0xbf: {  	_ =	sfence.sel $0xFFFF  }
0xc0: {  	[dreg:$0x0] =	wrdreg $0xFFFFFFFF;
	(pc) =	sbr.abs _section_cstart, $3  }
0xc1: {  	[dreg:$0x1] =	wrdreg $0xFFFFFFFF  }
0xc2: {  	_ =	task.clear_ibuf [dreg:s7], $0x2FFFF;
	_ =	strace $0x9FFFFFFF  }
0xc3: {  	(tm) =	ssettm $0x7FFFFFFF  }
tec
execute0_lowered:
.L_overlay_start_1:
0x0: {  	(tag) =	ssettag $0x1  }
0x1: {  	s7 =	rddreg [dreg:$0x0]  }
0x2: {  	s2 =	rddreg [dreg:$0x1]  }
0x3: {  	s0 =	srdreg.scid;
	s3 =	rddreg [dreg:$0x2]  }
0x4: {  	s4 =	simm.s32 $0x0;
	s6 =	sand.u32 $0x1, s0;
	s0 =	stileid.u32  }
0x5: {  	s17 =	simm.s32 $0x80;
	s18 =	simm.s32 $0x0;
	s8 =	smul.u32 $0x2800, s0  }
0x6: {  	[smem:$0x7FF] =	sst s4;
	s1 =	sshll.u32 s6, $0x4;
	s9 =	smul.u32 $0x28000, s6  }
0x7: {  	s10 =	smul.u32 $0x50000, s0;
	s6 =	ssub.s32 $0x2, s6;
	s1 =	sor.u32 s0, s1  }
0x8: {  	s31 =	sshll.u32 s0, $0x6;
	s29 =	sshrl.u32 s6, $0x1;
	s5 =	smul.u32 $0x280, s1  }
0x9: {  	s1 =	rddreg [dreg:$0x3];
	_ =	strace $0x80000047;
	s8 =	sadd.s32 s8, s9  }
0xa: {  	s10 =	sshrl.u32 s10, $0x2;
	s30 =	ssub.s32 s6, s29;
	s9 =	simm.s32 $0x4000  }
0xb: {  	s12 =	sadd.s32 s10, s3;
	s10 =	simm.s32 $0x1;
	s11 =	sadd.s32 s5, s7  }
0xc: {  	s5 =	sadd.s32 $0xE200, s7;
	s7 =	sadd.s32 s8, s7;
	s13 =	sadd.s32 $0x4000, s12  }
0xd: {  	s14 =	sadd.s32 $0x8000, s12;
	s15 =	sadd.s32 $0xC000, s12;
	s16 =	sadd.s32 $0x10000, s12  }
0xe: {  	s8 =	smax.u32 s30, $0x1;
	s12 =	sshrl.u32 s12, $0x3;
	s6 =	sadd.s32 $0x4200, s11  }
0xf: {  	s7 =	sadd.s32 $0xEA00, s7;
	s11 =	sor.u32 $0x1C01, s31;
	s13 =	sshrl.u32 s13, $0x3  }
0x10: {  	s14 =	sshrl.u32 s14, $0x3;
	s15 =	sshrl.u32 s15, $0x3;
	s16 =	sshrl.u32 s16, $0x3  }
.LBB2_1:
0x11: {  	[tilespmem:s9], [sflag:$0x1] =	stream.linear.gather [hbm4b:s6+s4], $0x1400, $0x38;
	[tilespmem:$0x7C00] =	vst v63  }
0x12: {  	_ =	swait.ge [sflag:s10], $0x1400  }
0x13: {  	[sflag:s10] =	ssyncset.done $0x0  }
0x14: {  	[sflag:s10] =	ssyncadd.s32 $0xFFFFEC00  }
0x15: {  	[spmem:s12], [sflag:s11] =	dma.local [hbm:s2], $0x800  }
0x16: {  	_ =	swait.ge [sflag:s10], $0x800  }
0x17: {  	[sflag:s10] =	ssyncset.done $0x0  }
0x18: {  	[sflag:s10] =	ssyncadd.s32 $0xFFFFF800  }
0x19: {  	[spmem:s13], [sflag:s11] =	dma.local [hbm:s2], $0x800  }
0x1a: {  	_ =	swait.ge [sflag:s10], $0x800  }
0x1b: {  	[sflag:s10] =	ssyncset.done $0x0  }
0x1c: {  	[sflag:s10] =	ssyncadd.s32 $0xFFFFF800  }
0x1d: {  	[spmem:s14], [sflag:s11] =	dma.local [hbm:s2], $0x800  }
0x1e: {  	_ =	swait.ge [sflag:s10], $0x800  }
0x1f: {  	[sflag:s10] =	ssyncset.done $0x0  }
0x20: {  	[sflag:s10] =	ssyncadd.s32 $0xFFFFF800  }
0x21: {  	[spmem:s15], [sflag:s11] =	dma.local [hbm:s2], $0x800  }
0x22: {  	_ =	swait.ge [sflag:s10], $0x800  }
0x23: {  	[sflag:s10] =	ssyncset.done $0x0  }
0x24: {  	[sflag:s10] =	ssyncadd.s32 $0xFFFFF800  }
0x25: {  	[spmem:s16], [sflag:s11] =	dma.local [hbm:s2], $0x800  }
0x26: {  	_ =	swait.ge [sflag:s10], $0x800  }
0x27: {  	[sflag:s10] =	ssyncset.done $0x0  }
0x28: {  	[sflag:s10] =	ssyncadd.s32 $0xFFFFF800  }
0x29: {  	[tilespmem:s4], [sflag:$0x1] =	stream.linear.gather [hbm4b:s5+s4], $0x4000, $0x38;
	[tilespmem:$0x7C00] =	vst v63  }
0x2a: {  	_ =	swait.ge [sflag:s10], $0x4000  }
0x2b: {  	[sflag:s10] =	ssyncset.done $0x0  }
0x2c: {  	[sflag:s10] =	ssyncadd.s32 $0xFFFFC000  }
0x2d: {  	s19 =	simm.s32 $0x4000;
	[bflag:$0x0] =	sbarrier.arrive $0xFFFF  }
0x2e: {  	[spmem:s3] =	stream.indirect.scatter.add.f32 [tilespmem:s4], [sflag:$0x1], $0x10, s19, s17, $0xb8;
	[tilespmem:$0x7C00] =	vst v63  }
0x2f: {  	s19 =	simm.s32 $0x200;
	_ =	swait.ge [sflag:s10], $0x800  }
.LBB2_2:
0x30: {  	s20 =	sshra.s32 s19, $0x2;
	[sflag:s10] =	ssyncset.done $0x0;
	p0 =	sne.s32 s19, $0x4E00  }
.Ltmp0:
0x31: {  	s20 =	sadd.s32 $0x4000, s20;
	[sflag:s10] =	ssyncadd.s32 $0xFFFFF800;
	(pc) =	sbr.rel @p0 .LBB2_2-.Ltmp0, $3  }
0x32: {  	[spmem:s3] =	stream.indirect.scatter.add.f32 [tilespmem:s4], [sflag:$0x1], $0x10, s20, s17, $0xb8;
	[tilespmem:$0x7C00] =	vst v63  }
0x33: {  	s19 =	sadd.s32 $0x200, s19;
	_ =	sdelay $0x1  }
0x34: {  	_ =	swait.ge [sflag:s10], $0x800  }
0x35: {  	[sflag:s10] =	ssyncset.done $0x0;
	s18 =	sadd.s32 $0x1, s18  }
0x36: {  	[sflag:s10] =	ssyncadd.s32 $0xFFFFF800;
	p0 =	sne.s32 s18, s8  }
.Ltmp1:
0x37: {  	[bflag:$0x0] =	sbarrier.arrive $0xFFFF;
	(pc) =	sbr.rel @p0 .LBB2_1-.Ltmp1, $4  }
0x38: {  	[hbm:s7], [sflag:s11] =	dma.local [spmem:s12], $0x2800  }
0x39: {  	_ =	swait.ge [sflag:s10], $0x2800  }
0x3a: {  	[sflag:s10] =	ssyncset.done $0x0  }
0x3b: {  	[sflag:s10] =	ssyncadd.s32 $0xFFFFD800  }
0x3c: {  	_ =	sfence.sel $0x180000  }
0x3d: {  	[bflag:$0x0] =	sbarrier.arrive $0xFFFF  }
0x3e: {  	p0 =	sne.s32 s0, $0x0;
	_ =	strace $0x90000047  }
0x3f: {  	s0 =	sadd.s32 @!p0 $0x100000, s1;
	[bflag:$0x2] =	sbarrier.arrive $0xFFFF  }
0x40: {  	[sflag:s0] =	ssyncadd.tile.s32 @!p0 $0x1;
	_ =	shalt  }
.Lfunc_end2:
_tile_overlayer_lowered:
.L_overlay_start_2:
0x41: {  	(tag) =	ssettag $0x2  }
0x42: {  	s0 =	rddreg [dreg:$0x0];
	s2 =	stileid.u32  }
0x43: {  	s1 =	rddreg [dreg:$0x1];
	p0 =	sne.s32 s2, $0x0  }
0x44: {  	s3 =	rddreg [dreg:$0x2];
	[bflag:$0x3] =	sbarrier.arrive $0xFFFF;
	s2 =	simm.s32 @!p0 $0x1C01  }
0x45: {  	[timem:s3], [sflag:s2] =	dma.local @!p0 [hbm:s0], s1  }
0x46: {  	s0 =	simm.s32 @!p0 $0x1  }
0x47: {  	_ =	swait.ge @!p0 [sflag:s0], s1  }
0x48: {  	s1 =	ssub.s32 @!p0 $0x0, s1;
	[sflag:s0] =	ssyncset.done @!p0 $0x0  }
0x49: {  	[sflag:s0] =	ssyncadd.s32 @!p0 s1  }
0x4a: {  	[bflag:$0x3] =	sbarrier.arrive $0xFFFF  }
0x4b: {  	_ =	shalt  }

// kernel: kernel.14.cloned.1.call-start
scs
__scs_entry_jumppad:
0x0: {  	(pc) =	sbr.rel $0x88, $3  }
0x1: {  	(tag) =	ssettag $0x0;
	lr =	simm.s32 $0x1  }
0x2: {  	[smem:$0x3F98] =	sst lr;
	_ =	strace $0xD0000000  }
0x3: {  	_ = 	snop  }
0x4: {  	_ = 	snop  }
0x5: {  	_ = 	snop  }
0x6: {  	_ = 	snop  }
0x7: {  	_ = 	snop  }
__scs_overlays_trampoline_lowered:
0x8: {  	[smem:$0x3FA7] =	sst s0  }
0x9: {  	[smem:$0x3FA8] =	sst s1  }
0xa: {  	[smem:$0x3FA9] =	sst s2  }
0xb: {  	[smem:$0x3FAA] =	sst s3  }
0xc: {  	[smem:$0x3FAB] =	sst s4  }
0xd: {  	[smem:$0x3FAC] =	sst s5  }
0xe: {  	[smem:$0x3FAD] =	sst s6  }
0xf: {  	[smem:$0x3FAE] =	sst s7  }
0x10: {  	[smem:$0x3FAF] =	sst s8  }
0x11: {  	[smem:$0x3FB0] =	sst s9;
	s0 =	simm.s32 @!p0 $0x0  }
0x12: {  	s1 =	sld [smem:$0x3F96];
	s0 =	simm.s32 @p0 $0x1  }
0x13: {  	[smem:$0x3FB1] =	sst s0;
	s0 =	simm.s32 @!p1 $0x0  }
0x14: {  	s2 =	sld [smem:$0x3F95];
	s0 =	simm.s32 @p1 $0x1  }
0x15: {  	[smem:$0x3FB2] =	sst s0;
	s0 =	simm.s32 @!p2 $0x0  }
0x16: {  	s3 =	sld [smem:$0x3FDB];
	s0 =	simm.s32 @p2 $0x1  }
0x17: {  	s4 =	simm.s32 $0x1BF5;
	[smem:$0x3FB4] =	sst s0  }
0x18: {  	s0 =	sld [smem:$0x3F97];
	_ =	swait.ge [sflag:s4], $0x0  }
0x19: {  	s7 =	sld [smem:$0x3F98]  }
0x1a: {  	s8 =	sadd.s32 $0xFFFFE003, lr  }
0x1b: {  	s9 =	sadd.s32 $0xFFFFFEF7, lr;
	s5 =	simm.s32 $0xFFFFFFFF;
	p2 =	slt.u32 s8, $0xFFFFF086  }
0x1c: {  	p1 =	slt.u32 s9, $0xF7A;
	s5 =	simm.s32 @!p2 $0x0  }
0x1d: {  	s5 =	simm.s32 @p1 $0x1;
	p0 =	seq.s32 s7, s2  }
0x1e: {  	s7 =	smul.u32 @!p0 $0xF7A, s2;
	p2 =	seq.s32 @!p0 s5, $0x0  }
0x1f: {  	s9 =	smul.u32 $0xF7A, s1;
	s8 =	simm.s32 @!p0 $0x1BF5;
	p2 =	por !p2, p0  }
0x20: {  	[sflag:s8] =	ssyncset.s32 @!p0 $0xFFFFF086;
	s6 =	sadd.s32 @!p0 s3, s7;
	s7 =	simm.s32 @!p0 $0x108  }
0x21: {  	s3 =	sadd.s32 s3, s9;
	s6 =	sadd.s32 @!p0 $0x88, s6;
	s7 =	simm.s32 @p2 $0x1082  }
0x22: {  	[simem:s7], [sflag:s8] =	dma.local @!p0 [hbm:s6], $0xF7A  }
0x23: {  	s9 =	sor.u32 $0xD0000000, s2;
	s6 =	simm.s32 $0x108;
	_ =	swait.ge @!p0 [sflag:s8], $0x0  }
0x24: {  	s3 =	sadd.s32 $0x88, s3;
	s6 =	simm.s32 @!p1 $0x1082;
	[sflag:s4] =	ssyncset.s32 $0xFFFFF086  }
0x25: {  	[simem:s6], [sflag:s4] =	dma.local [hbm:s3], $0xF7A  }
0x26: {  	[smem:$0x3F98] =	sst s1;
	(tag) =	ssettag s2;
	_ =	strace s9  }
0x27: {  	s1 =	sld [smem:$0x3FA8]  }
0x28: {  	s2 =	sld [smem:$0x3FA9]  }
0x29: {  	s4 =	sld [smem:$0x3FAB]  }
0x2a: {  	p0 =	seq.s32 s5, $0x0;
	s5 =	sld [smem:$0x3FAC]  }
0x2b: {  	s6 =	sld [smem:$0x3FAD]  }
0x2c: {  	s7 =	sld [smem:$0x3FAE]  }
0x2d: {  	s3 =	simm.s32 $0x108;
	s8 =	sld [smem:$0x3FAF]  }
0x2e: {  	s3 =	simm.s32 @!p0 $0x1082;
	s9 =	sld [smem:$0x3FB0]  }
0x2f: {  	lr =	sadd.s32 s0, s3;
	s0 =	sld [smem:$0x3FA7]  }
0x30: {  	s3 =	sld [smem:$0x3FAA]  }
0x31: {  	[smem:$0x3FB3] =	sst s10  }
0x32: {  	s10 =	sld [smem:$0x3FB1];
	_ =	sdelay $0x3  }
0x33: {  	p0 =	seq.s32 s10, $0x1;
	s10 =	sld [smem:$0x3FB3];
	_ =	sdelay $0x3  }
0x34: {  	[smem:$0x3FB3] =	sst s10  }
0x35: {  	s10 =	sld [smem:$0x3FB2];
	_ =	sdelay $0x3  }
0x36: {  	p1 =	seq.s32 s10, $0x1;
	s10 =	sld [smem:$0x3FB3];
	_ =	sdelay $0x3  }
0x37: {  	[smem:$0x3FB3] =	sst s10  }
0x38: {  	s10 =	sld [smem:$0x3FB4]  }
0x39: {  	_ = 	snop;
	(pc) =	sbr.ind lr, $3  }
0x3a: {  	_ = 	snop  }
0x3b: {  	_ = 	snop  }
0x3c: {  	p2 =	seq.s32 s10, $0x1;
	s10 =	sld [smem:$0x3FB3]  }
0x3d: {  	_ =	shalt  }
0x3e: {  	_ =	shalt  }
0x3f: {  	_ =	shalt  }
0x40: {  	_ =	shalt  }
0x41: {  	_ =	shalt  }
0x42: {  	_ =	shalt  }
0x43: {  	_ =	shalt  }
0x44: {  	_ =	shalt  }
0x45: {  	_ =	shalt  }
0x46: {  	_ =	shalt  }
0x47: {  	_ =	shalt  }
0x48: {  	_ =	shalt  }
0x49: {  	_ =	shalt  }
0x4a: {  	_ =	shalt  }
0x4b: {  	_ =	shalt  }
0x4c: {  	_ =	shalt  }
0x4d: {  	_ =	shalt  }
0x4e: {  	_ =	shalt  }
0x4f: {  	_ =	shalt  }
0x50: {  	_ =	shalt  }
0x51: {  	_ =	shalt  }
0x52: {  	_ =	shalt  }
0x53: {  	_ =	shalt  }
0x54: {  	_ =	shalt  }
0x55: {  	_ =	shalt  }
0x56: {  	_ =	shalt  }
0x57: {  	_ =	shalt  }
0x58: {  	_ =	shalt  }
0x59: {  	_ =	shalt  }
0x5a: {  	_ =	shalt  }
0x5b: {  	_ =	shalt  }
0x5c: {  	_ =	shalt  }
0x5d: {  	_ =	shalt  }
0x5e: {  	_ =	shalt  }
0x5f: {  	_ =	shalt  }
0x60: {  	_ =	shalt  }
0x61: {  	_ =	shalt  }
0x62: {  	_ =	shalt  }
0x63: {  	_ =	shalt  }
0x64: {  	_ =	shalt  }
0x65: {  	_ =	shalt  }
0x66: {  	_ =	shalt  }
0x67: {  	_ =	shalt  }
0x68: {  	_ =	shalt  }
0x69: {  	_ =	shalt  }
0x6a: {  	_ =	shalt  }
0x6b: {  	_ =	shalt  }
0x6c: {  	_ =	shalt  }
0x6d: {  	_ =	shalt  }
0x6e: {  	_ =	shalt  }
0x6f: {  	_ =	shalt  }
0x70: {  	_ =	shalt  }
0x71: {  	_ =	shalt  }
0x72: {  	_ =	shalt  }
0x73: {  	_ =	shalt  }
0x74: {  	_ =	shalt  }
0x75: {  	_ =	shalt  }
0x76: {  	_ =	shalt  }
0x77: {  	_ =	shalt  }
0x78: {  	_ =	shalt  }
0x79: {  	_ =	shalt  }
0x7a: {  	_ =	shalt  }
0x7b: {  	_ =	shalt  }
0x7c: {  	_ =	shalt  }
0x7d: {  	_ =	shalt  }
0x7e: {  	_ =	shalt  }
0x7f: {  	_ =	shalt  }
0x80: {  	_ =	shalt  }
0x81: {  	_ =	shalt  }
0x82: {  	_ =	shalt  }
0x83: {  	_ =	shalt  }
0x84: {  	_ =	shalt  }
0x85: {  	_ =	shalt  }
0x86: {  	_ =	shalt  }
0x87: {  	_ =	shalt  }
.Lfunc_end0:
.L_simem_size_0:
called_computation.1_lowered:
.L_overlay_start_0:
0x88: {  	s2 =	sld [smem:$0x3FD9]  }
0x89: {  	s3 =	sld [smem:$0x3FFE];
	_ =	sdelay $0x1  }
0x8a: {  	s1 =	srdreg.scid  }
0x8b: {  	s0 =	sand.u32 $0x1, s1  }
0x8c: {  	s17 =	sshll.u32 s0, $0xA;
	s2 =	sadd.s32 s3, s2  }
0x8d: {  	s2 =	sadd.s32 s2, s17  }
0x8e: {  	[smem:$0x3FBF] =	sst s2  }
0x8f: {  	_ = 	snop  }
0x90: {  	s2 =	sld [smem:$0x3FD0];
	(tm) =	ssettm $0x1  }
0x91: {  	s18 =	sld [smem:$0x3FFB];
	_ =	sdelay $0x3  }
0x92: {  	_ =	strace s18  }
0x93: {  	s3 =	sld [smem:$0x3FFC];
	_ =	sdelay $0x3  }
0x94: {  	_ =	strace s3  }
0x95: {  	s3 =	sld [smem:$0x3FFD];
	_ =	sdelay $0x3  }
0x96: {  	_ =	strace s3  }
0x97: {  	_ =	strace $0x8FFFFFFF  }
0x98: {  	s19 =	sld [smem:$0x3FDB];
	_ =	sdelay $0x1  }
0x99: {  	s4 =	simm.s32 $_scs_section_size  }
0x9a: {  	s5 =	simm.s32 $_size__tile_overlayer_lowered;
	s6 =	simm.s32 $_tile_overlayer_lowered  }
0x9b: {  	s22 =	simm.s32 $0x1BFF;
	s21 =	sshll.u32 s6, $0x1;
	s3 =	sadd.s32 s4, s19  }
0x9c: {  	s7 =	simm.s32 $0x0;
	s20 =	sshll.u32 s5, $0x1;
	s5 =	sadd.s32 s21, s3  }
0x9d: {  	[timem:s7], [sflag:s22] =	dma.local [hbm:s5], s20  }
0x9e: {  	_ =	swait.ge [sflag:s22], s20  }
0x9f: {  	s4 =	ssub.s32 $0x0, s20;
	[sflag:s22] =	ssyncset.done $0x0  }
0xa0: {  	[sflag:s22] =	ssyncadd.s32 s4;
	_ =	sdelay $0x1  }
0xa1: {  	s23 =	simm.s32 $0x1B8B  }
0xa2: {  	_ =	swait.ge [sflag:s23], $0x1  }
0xa3: {  	[sflag:s23] =	ssyncset.done $0x0  }
0xa4: {  	s25 =	simm.s32 $0x1B8E;
	s24 =	sld [smem:$0x3FFE];
	[sflag:s23] =	ssyncadd.s32 $0xFFFFFFFF  }
0xa5: {  	s26 =	simm.s32 $execute0_lowered;
	[smem:$0x3FD2] =	sst s25  }
0xa6: {  	s5 =	sshll.u32 s26, $0x1;
	_ =	strace $0x80000049;
	[dreg:$0x1] =	wrdreg $0xFFFFFFFF  }
0xa7: {  	s28 =	simm.s32 $_size_execute0_lowered;
	s3 =	sadd.s32 s3, s5;
	[dreg:$0x0] =	wrdreg $0x0  }
0xa8: {  	s5 =	sshll.u32 s28, $0x1;
	[dreg:$0x2] =	wrdreg s3  }
0xa9: {  	[dreg:$0x3] =	wrdreg s5  }
0xaa: {  	[dreg:$0x4] =	wrdreg $0xC0  }
0xab: {  	_ =	task [dreg:s7], $0x5FFFF  }
0xac: {  	[dreg:$0x1] =	wrdreg $0xFFFFFFFF  }
0xad: {  	[dreg:$0x0] =	wrdreg $0x60  }
0xae: {  	[dreg:$0x2] =	wrdreg s24  }
0xaf: {  	[dreg:$0x3] =	wrdreg s2  }
0xb0: {  	[dreg:$0x4] =	wrdreg $0x68000  }
0xb1: {  	[dreg:$0x5] =	wrdreg $0x9  }
0xb2: {  	_ =	task.clear_ibuf [dreg:s7], $0x6FFFF;
	_ =	strace $0x90000049  }
0xb3: {  	s29 =	simm.s32 $0x9;
	_ =	strace $0x8000004B  }
0xb4: {  	_ =	swait.ge [sflag:s29], $0x1  }
0xb5: {  	[sflag:s29] =	ssyncadd.s32 $0xFFFFFFFF  }
0xb6: {  	_ =	strace $0x9000004B  }
0xb7: {  	_ =	sfence  }
0xb8: {  	s30 =	sld [smem:$0x0];
	_ =	sdelay $0x2  }
0xb9: {  	s31 =	sshll.u32 s1, $0xD;
	s1 =	sshrl.u32 s1, $0x2  }
0xba: {  	s3 =	sand.u32 $0x4000, s31;
	s1 =	sadd.s32 s1, s30  }
0xbb: {  	s0 =	sor.u32 s3, s0;
	s1 =	sshll.u32 s1, $0x11  }
0xbc: {  	s0 =	sor.u32 s1, s0  }
0xbd: {  	s0 =	sadd.s32 $0x8F2B, s0  }
0xbe: {  	[sflag:s0] =	ssyncadd.remote.s32 $0x1  }
0xbf: {  	_ =	sfence.sel $0xFFFF  }
0xc0: {  	[dreg:$0x0] =	wrdreg $0xFFFFFFFF;
	(pc) =	sbr.abs _section_cstart, $3  }
0xc1: {  	[dreg:$0x1] =	wrdreg $0xFFFFFFFF  }
0xc2: {  	_ =	task.clear_ibuf [dreg:s7], $0x2FFFF;
	_ =	strace $0x9FFFFFFF  }
0xc3: {  	(tm) =	ssettm $0x7FFFFFFF  }
tec
execute0_lowered:
.L_overlay_start_1:
0x0: {  	(tag) =	ssettag $0x1  }
0x1: {  	s0 =	srdreg.scid  }
0x2: {  	s1 =	rddreg [dreg:$0x0];
	s19 =	stileid.u32  }
0x3: {  	s2 =	rddreg [dreg:$0x1];
	s30 =	simm.s32 $0x0;
	s24 =	simm.s32 $0x80  }
0x4: {  	s25 =	simm.s32 $0x2800;
	s26 =	simm.s32 $0x1;
	s28 =	simm.s32 $0x0  }
0x5: {  	s0 =	sand.u32 $0x1, s0;
	s7 =	smul.u32 $0x280, s19;
	[smem:$0x7FF] =	sst s30  }
0x6: {  	s6 =	sadd.s32 $0xFE200, s1;
	s11 =	smul.u32 $0x50000, s19;
	s31 =	sshll.u32 s19, $0x6  }
0x7: {  	s3 =	sshll.u32 s0, $0x4;
	s8 =	smul.u32 $0x2800, s0;
	s0 =	ssub.s32 $0x2, s0  }
0x8: {  	s21 =	sor.u32 $0x1C02, s31;
	s4 =	sor.u32 s19, s3;
	s3 =	rddreg [dreg:$0x2]  }
0x9: {  	_ =	strace $0x8000004A;
	s11 =	sshrl.u32 s11, $0x2;
	s15 =	sshrl.u32 s0, $0x1  }
0xa: {  	s19 =	simm.s32 $0x2;
	s5 =	smul.u32 $0x280, s4;
	s9 =	sadd.s32 s7, s8  }
0xb: {  	s7 =	sadd.s32 $0xD6200, s1;
	s8 =	sadd.s32 $0xAE200, s1;
	s22 =	sadd.s32 s11, s3  }
0xc: {  	s0 =	ssub.s32 s0, s15;
	s9 =	sshll.u32 s9, $0x4;
	s23 =	sadd.s32 $0x4000, s22  }
0xd: {  	s11 =	sadd.s32 $0x8000, s22;
	s12 =	sadd.s32 $0xC000, s22;
	s13 =	sadd.s32 $0x10000, s22  }
0xe: {  	s18 =	smax.u32 s0, $0x1;
	s10 =	sadd.s32 s5, s1;
	s5 =	sadd.s32 $0x126200, s1  }
0xf: {  	s1 =	sadd.s32 s9, s1;
	s9 =	sadd.s32 $0x9200, s10;
	s10 =	sadd.s32 $0x4200, s10  }
0x10: {  	s22 =	sshrl.u32 s22, $0x3;
	s14 =	sadd.s32 $0x14E200, s1;
	s15 =	sadd.s32 $0x19E200, s1  }
0x11: {  	s23 =	sshrl.u32 s23, $0x3;
	s16 =	sadd.s32 $0x1EE200, s1;
	s17 =	sadd.s32 $0x23E200, s1  }
.LBB2_1:
0x12: {  	s0 =	simm.s32 $0x0  }
0x13: {  	[tilespmem:s0], [sflag:$0x2] =	stream.linear.gather [hbm4b:s9+s0], $0x1400, $0x38;
	[tilespmem:$0x1A800] =	vst v63  }
0x14: {  	_ =	swait.ge [sflag:s19], $0x1400  }
0x15: {  	[sflag:s19] =	ssyncset.done $0x0  }
0x16: {  	s1 =	simm.s32 $0x1400;
	[sflag:s19] =	ssyncadd.s32 $0xFFFFEC00  }
0x17: {  	[tilespmem:s1], [sflag:$0x2] =	stream.linear.gather [hbm4b:s10+s0], $0x1400, $0x38;
	[tilespmem:$0x1A800] =	vst v63  }
0x18: {  	_ =	swait.ge [sflag:s19], $0x1400  }
0x19: {  	[sflag:s19] =	ssyncset.done $0x0  }
0x1a: {  	[sflag:s19] =	ssyncadd.s32 $0xFFFFEC00  }
0x1b: {  	[spmem:s22], [sflag:s21] =	dma.local [hbm:s2], $0x800  }
0x1c: {  	_ =	swait.ge [sflag:s19], $0x800  }
0x1d: {  	[sflag:s19] =	ssyncset.done $0x0  }
0x1e: {  	[sflag:s19] =	ssyncadd.s32 $0xFFFFF800  }
0x1f: {  	[spmem:s23], [sflag:s21] =	dma.local [hbm:s2], $0x800  }
0x20: {  	_ =	swait.ge [sflag:s19], $0x800  }
0x21: {  	[sflag:s19] =	ssyncset.done $0x0  }
0x22: {  	s29 =	sshrl.u32 s11, $0x3;
	[sflag:s19] =	ssyncadd.s32 $0xFFFFF800  }
0x23: {  	[spmem:s29], [sflag:s21] =	dma.local [hbm:s2], $0x800  }
0x24: {  	_ =	swait.ge [sflag:s19], $0x800  }
0x25: {  	[sflag:s19] =	ssyncset.done $0x0  }
0x26: {  	s30 =	sshrl.u32 s12, $0x3;
	[sflag:s19] =	ssyncadd.s32 $0xFFFFF800  }
0x27: {  	[spmem:s30], [sflag:s21] =	dma.local [hbm:s2], $0x800  }
0x28: {  	_ =	swait.ge [sflag:s19], $0x800  }
0x29: {  	[sflag:s19] =	ssyncset.done $0x0  }
0x2a: {  	s31 =	sshrl.u32 s13, $0x3;
	[sflag:s19] =	ssyncadd.s32 $0xFFFFF800  }
0x2b: {  	[spmem:s31], [sflag:s21] =	dma.local [hbm:s2], $0x800  }
0x2c: {  	_ =	swait.ge [sflag:s19], $0x800  }
0x2d: {  	[sflag:s19] =	ssyncset.done $0x0  }
0x2e: {  	[sflag:s19] =	ssyncadd.s32 $0xFFFFF800  }
0x2f: {  	s4 =	simm.s32 $0x0;
	[bflag:$0x0] =	sbarrier.arrive $0xFFFF  }
0x30: {  	[tilespmem:s25], [sflag:$0x1] =	stream.indirect.gather [hbm4b:s5+s24], $0x80, s4, s24, $0xb8;
	[tilespmem:$0x1A800] =	vst v63  }
0x31: {  	_ =	swait.ge [sflag:s26], $0x4000  }
0x32: {  	[sflag:s26] =	ssyncset.done $0x0  }
0x33: {  	s20 =	simm.s32 $0x1400;
	[sflag:s26] =	ssyncadd.s32 $0xFFFFC000  }
0x34: {  	[spmem:s3] =	stream.indirect.scatter.add.f32 [tilespmem:s25], [sflag:$0x2], $0x80, s20, s24, $0xb8;
	[tilespmem:$0x1A800] =	vst v63  }
0x35: {  	_ =	swait.ge [sflag:s19], $0x4000  }
0x36: {  	s1 =	simm.s32 $0x200;
	s0 =	simm.s32 $0x400;
	[sflag:s19] =	ssyncset.done $0x0  }
.LBB2_2:
0x37: {  	s20 =	sshra.s32 s1, $0x2  }
0x38: {  	[sflag:s19] =	ssyncadd.s32 $0xFFFFC000;
	s1 =	smov.u32 s0;
	s4 =	sadd.s32 $0x200, s0  }
0x39: {  	[tilespmem:s25], [sflag:$0x1] =	stream.indirect.gather [hbm4b:s5+s24], $0x80, s20, s24, $0xb8;
	[tilespmem:$0x1A800] =	vst v63  }
0x3a: {  	p0 =	sne.s32 s0, $0x4E00;
	_ =	swait.ge [sflag:s26], $0x4000  }
.Ltmp0:
0x3b: {  	[sflag:s26] =	ssyncset.done $0x0;
	(pc) =	sbr.rel @p0 .LBB2_2-.Ltmp0, $4  }
0x3c: {  	s0 =	sadd.s32 $0x1400, s20;
	[sflag:s26] =	ssyncadd.s32 $0xFFFFC000  }
0x3d: {  	[spmem:s3] =	stream.indirect.scatter.add.f32 [tilespmem:s25], [sflag:$0x2], $0x80, s0, s24, $0xb8;
	[tilespmem:$0x1A800] =	vst v63  }
0x3e: {  	_ =	swait.ge [sflag:s19], $0x4000  }
0x3f: {  	s0 =	smov.u32 s4;
	[sflag:s19] =	ssyncset.done $0x0  }
0x40: {  	s0 =	sshra.s32 s1, $0x2;
	[sflag:s19] =	ssyncadd.s32 $0xFFFFC000  }
0x41: {  	[tilespmem:s25], [sflag:$0x1] =	stream.indirect.gather [hbm4b:s5+s24], $0x80, s0, s24, $0xb8;
	[tilespmem:$0x1A800] =	vst v63  }
0x42: {  	_ =	swait.ge [sflag:s26], $0x4000  }
0x43: {  	[sflag:s26] =	ssyncset.done $0x0  }
0x44: {  	s0 =	sadd.s32 $0x1400, s0;
	[sflag:s26] =	ssyncadd.s32 $0xFFFFC000  }
0x45: {  	[spmem:s3] =	stream.indirect.scatter.add.f32 [tilespmem:s25], [sflag:$0x2], $0x80, s0, s24, $0xb8;
	[tilespmem:$0x1A800] =	vst v63  }
0x46: {  	_ =	swait.ge [sflag:s19], $0x4000  }
0x47: {  	[sflag:s19] =	ssyncset.done $0x0  }
0x48: {  	[sflag:s19] =	ssyncadd.s32 $0xFFFFC000  }
0x49: {  	[bflag:$0x0] =	sbarrier.arrive $0xFFFF  }
0x4a: {  	[hbm:s14], [sflag:s21] =	dma.local [spmem:s22], $0x2800  }
0x4b: {  	_ =	swait.ge [sflag:s19], $0x2800  }
0x4c: {  	[sflag:s19] =	ssyncset.done $0x0  }
0x4d: {  	[sflag:s19] =	ssyncadd.s32 $0xFFFFD800  }
0x4e: {  	[bflag:$0x0] =	sbarrier.arrive $0xFFFF  }
0x4f: {  	[spmem:s22], [sflag:s21] =	dma.local [hbm:s2], $0x800  }
0x50: {  	_ =	swait.ge [sflag:s19], $0x800  }
0x51: {  	[sflag:s19] =	ssyncset.done $0x0  }
0x52: {  	[sflag:s19] =	ssyncadd.s32 $0xFFFFF800  }
0x53: {  	[spmem:s23], [sflag:s21] =	dma.local [hbm:s2], $0x800  }
0x54: {  	_ =	swait.ge [sflag:s19], $0x800  }
0x55: {  	[sflag:s19] =	ssyncset.done $0x0  }
0x56: {  	[sflag:s19] =	ssyncadd.s32 $0xFFFFF800  }
0x57: {  	[spmem:s29], [sflag:s21] =	dma.local [hbm:s2], $0x800  }
0x58: {  	_ =	swait.ge [sflag:s19], $0x800  }
0x59: {  	[sflag:s19] =	ssyncset.done $0x0  }
0x5a: {  	[sflag:s19] =	ssyncadd.s32 $0xFFFFF800  }
0x5b: {  	[spmem:s30], [sflag:s21] =	dma.local [hbm:s2], $0x800  }
0x5c: {  	_ =	swait.ge [sflag:s19], $0x800  }
0x5d: {  	[sflag:s19] =	ssyncset.done $0x0  }
0x5e: {  	[sflag:s19] =	ssyncadd.s32 $0xFFFFF800  }
0x5f: {  	[spmem:s31], [sflag:s21] =	dma.local [hbm:s2], $0x800  }
0x60: {  	_ =	swait.ge [sflag:s19], $0x800  }
0x61: {  	[sflag:s19] =	ssyncset.done $0x0  }
0x62: {  	[sflag:s19] =	ssyncadd.s32 $0xFFFFF800  }
0x63: {  	s4 =	simm.s32 $0x0;
	[bflag:$0x0] =	sbarrier.arrive $0xFFFF  }
0x64: {  	[tilespmem:s25], [sflag:$0x1] =	stream.indirect.gather [hbm4b:s6+s24], $0x80, s4, s24, $0xb8;
	[tilespmem:$0x1A800] =	vst v63  }
0x65: {  	_ =	swait.ge [sflag:s26], $0x4000  }
0x66: {  	[sflag:s26] =	ssyncset.done $0x0  }
0x67: {  	s20 =	simm.s32 $0x1400;
	[sflag:s26] =	ssyncadd.s32 $0xFFFFC000  }
0x68: {  	[spmem:s3] =	stream.indirect.scatter.add.f32 [tilespmem:s25], [sflag:$0x2], $0x80, s20, s24, $0xb8;
	[tilespmem:$0x1A800] =	vst v63  }
0x69: {  	_ =	swait.ge [sflag:s19], $0x4000  }
0x6a: {  	s1 =	simm.s32 $0x200;
	s0 =	simm.s32 $0x400;
	[sflag:s19] =	ssyncset.done $0x0  }
.LBB2_4:
0x6b: {  	s4 =	sshra.s32 s1, $0x2  }
0x6c: {  	[sflag:s19] =	ssyncadd.s32 $0xFFFFC000;
	s1 =	smov.u32 s0;
	s20 =	sadd.s32 $0x200, s0  }
0x6d: {  	[tilespmem:s25], [sflag:$0x1] =	stream.indirect.gather [hbm4b:s6+s24], $0x80, s4, s24, $0xb8;
	[tilespmem:$0x1A800] =	vst v63  }
0x6e: {  	p0 =	sne.s32 s0, $0x4E00;
	_ =	swait.ge [sflag:s26], $0x4000  }
.Ltmp1:
0x6f: {  	[sflag:s26] =	ssyncset.done $0x0;
	(pc) =	sbr.rel @p0 .LBB2_4-.Ltmp1, $4  }
0x70: {  	s0 =	sadd.s32 $0x1400, s4;
	[sflag:s26] =	ssyncadd.s32 $0xFFFFC000  }
0x71: {  	[spmem:s3] =	stream.indirect.scatter.add.f32 [tilespmem:s25], [sflag:$0x2], $0x80, s0, s24, $0xb8;
	[tilespmem:$0x1A800] =	vst v63  }
0x72: {  	_ =	swait.ge [sflag:s19], $0x4000  }
0x73: {  	s0 =	smov.u32 s20;
	[sflag:s19] =	ssyncset.done $0x0  }
0x74: {  	s0 =	sshra.s32 s1, $0x2;
	[sflag:s19] =	ssyncadd.s32 $0xFFFFC000  }
0x75: {  	[tilespmem:s25], [sflag:$0x1] =	stream.indirect.gather [hbm4b:s6+s24], $0x80, s0, s24, $0xb8;
	[tilespmem:$0x1A800] =	vst v63  }
0x76: {  	_ =	swait.ge [sflag:s26], $0x4000  }
0x77: {  	[sflag:s26] =	ssyncset.done $0x0  }
0x78: {  	s0 =	sadd.s32 $0x1400, s0;
	[sflag:s26] =	ssyncadd.s32 $0xFFFFC000  }
0x79: {  	[spmem:s3] =	stream.indirect.scatter.add.f32 [tilespmem:s25], [sflag:$0x2], $0x80, s0, s24, $0xb8;
	[tilespmem:$0x1A800] =	vst v63  }
0x7a: {  	_ =	swait.ge [sflag:s19], $0x4000  }
0x7b: {  	[sflag:s19] =	ssyncset.done $0x0  }
0x7c: {  	[sflag:s19] =	ssyncadd.s32 $0xFFFFC000  }
0x7d: {  	[bflag:$0x0] =	sbarrier.arrive $0xFFFF  }
0x7e: {  	[hbm:s15], [sflag:s21] =	dma.local [spmem:s22], $0x2800  }
0x7f: {  	_ =	swait.ge [sflag:s19], $0x2800  }
0x80: {  	[sflag:s19] =	ssyncset.done $0x0  }
0x81: {  	[sflag:s19] =	ssyncadd.s32 $0xFFFFD800  }
0x82: {  	[bflag:$0x0] =	sbarrier.arrive $0xFFFF  }
0x83: {  	[spmem:s22], [sflag:s21] =	dma.local [hbm:s2], $0x800  }
0x84: {  	_ =	swait.ge [sflag:s19], $0x800  }
0x85: {  	[sflag:s19] =	ssyncset.done $0x0  }
0x86: {  	[sflag:s19] =	ssyncadd.s32 $0xFFFFF800  }
0x87: {  	[spmem:s23], [sflag:s21] =	dma.local [hbm:s2], $0x800  }
0x88: {  	_ =	swait.ge [sflag:s19], $0x800  }
0x89: {  	[sflag:s19] =	ssyncset.done $0x0  }
0x8a: {  	[sflag:s19] =	ssyncadd.s32 $0xFFFFF800  }
0x8b: {  	[spmem:s29], [sflag:s21] =	dma.local [hbm:s2], $0x800  }
0x8c: {  	_ =	swait.ge [sflag:s19], $0x800  }
0x8d: {  	[sflag:s19] =	ssyncset.done $0x0  }
0x8e: {  	[sflag:s19] =	ssyncadd.s32 $0xFFFFF800  }
0x8f: {  	[spmem:s30], [sflag:s21] =	dma.local [hbm:s2], $0x800  }
0x90: {  	_ =	swait.ge [sflag:s19], $0x800  }
0x91: {  	[sflag:s19] =	ssyncset.done $0x0  }
0x92: {  	[sflag:s19] =	ssyncadd.s32 $0xFFFFF800  }
0x93: {  	[spmem:s31], [sflag:s21] =	dma.local [hbm:s2], $0x800  }
0x94: {  	_ =	swait.ge [sflag:s19], $0x800  }
0x95: {  	[sflag:s19] =	ssyncset.done $0x0  }
0x96: {  	[sflag:s19] =	ssyncadd.s32 $0xFFFFF800  }
0x97: {  	s4 =	simm.s32 $0x0;
	[bflag:$0x0] =	sbarrier.arrive $0xFFFF  }
0x98: {  	[tilespmem:s25], [sflag:$0x1] =	stream.indirect.gather [hbm4b:s7+s24], $0x80, s4, s24, $0xb8;
	[tilespmem:$0x1A800] =	vst v63  }
0x99: {  	_ =	swait.ge [sflag:s26], $0x4000  }
0x9a: {  	[sflag:s26] =	ssyncset.done $0x0  }
0x9b: {  	s20 =	simm.s32 $0x1400;
	[sflag:s26] =	ssyncadd.s32 $0xFFFFC000  }
0x9c: {  	[spmem:s3] =	stream.indirect.scatter.add.f32 [tilespmem:s25], [sflag:$0x2], $0x80, s20, s24, $0xb8;
	[tilespmem:$0x1A800] =	vst v63  }
0x9d: {  	_ =	swait.ge [sflag:s19], $0x4000  }
0x9e: {  	s1 =	simm.s32 $0x200;
	s0 =	simm.s32 $0x400;
	[sflag:s19] =	ssyncset.done $0x0  }
.LBB2_6:
0x9f: {  	s4 =	sshra.s32 s1, $0x2  }
0xa0: {  	[sflag:s19] =	ssyncadd.s32 $0xFFFFC000;
	s1 =	smov.u32 s0;
	s20 =	sadd.s32 $0x200, s0  }
0xa1: {  	[tilespmem:s25], [sflag:$0x1] =	stream.indirect.gather [hbm4b:s7+s24], $0x80, s4, s24, $0xb8;
	[tilespmem:$0x1A800] =	vst v63  }
0xa2: {  	p0 =	sne.s32 s0, $0x4E00;
	_ =	swait.ge [sflag:s26], $0x4000  }
.Ltmp2:
0xa3: {  	[sflag:s26] =	ssyncset.done $0x0;
	(pc) =	sbr.rel @p0 .LBB2_6-.Ltmp2, $4  }
0xa4: {  	s0 =	sadd.s32 $0x1400, s4;
	[sflag:s26] =	ssyncadd.s32 $0xFFFFC000  }
0xa5: {  	[spmem:s3] =	stream.indirect.scatter.add.f32 [tilespmem:s25], [sflag:$0x2], $0x80, s0, s24, $0xb8;
	[tilespmem:$0x1A800] =	vst v63  }
0xa6: {  	_ =	swait.ge [sflag:s19], $0x4000  }
0xa7: {  	s0 =	smov.u32 s20;
	[sflag:s19] =	ssyncset.done $0x0  }
0xa8: {  	s0 =	sshra.s32 s1, $0x2;
	[sflag:s19] =	ssyncadd.s32 $0xFFFFC000  }
0xa9: {  	[tilespmem:s25], [sflag:$0x1] =	stream.indirect.gather [hbm4b:s7+s24], $0x80, s0, s24, $0xb8;
	[tilespmem:$0x1A800] =	vst v63  }
0xaa: {  	_ =	swait.ge [sflag:s26], $0x4000  }
0xab: {  	[sflag:s26] =	ssyncset.done $0x0  }
0xac: {  	s0 =	sadd.s32 $0x1400, s0;
	[sflag:s26] =	ssyncadd.s32 $0xFFFFC000  }
0xad: {  	[spmem:s3] =	stream.indirect.scatter.add.f32 [tilespmem:s25], [sflag:$0x2], $0x80, s0, s24, $0xb8;
	[tilespmem:$0x1A800] =	vst v63  }
0xae: {  	_ =	swait.ge [sflag:s19], $0x4000  }
0xaf: {  	[sflag:s19] =	ssyncset.done $0x0  }
0xb0: {  	[sflag:s19] =	ssyncadd.s32 $0xFFFFC000  }
0xb1: {  	[bflag:$0x0] =	sbarrier.arrive $0xFFFF  }
0xb2: {  	[hbm:s16], [sflag:s21] =	dma.local [spmem:s22], $0x2800  }
0xb3: {  	_ =	swait.ge [sflag:s19], $0x2800  }
0xb4: {  	[sflag:s19] =	ssyncset.done $0x0  }
0xb5: {  	[sflag:s19] =	ssyncadd.s32 $0xFFFFD800  }
0xb6: {  	[bflag:$0x0] =	sbarrier.arrive $0xFFFF  }
0xb7: {  	[spmem:s22], [sflag:s21] =	dma.local [hbm:s2], $0x800  }
0xb8: {  	_ =	swait.ge [sflag:s19], $0x800  }
0xb9: {  	[sflag:s19] =	ssyncset.done $0x0  }
0xba: {  	[sflag:s19] =	ssyncadd.s32 $0xFFFFF800  }
0xbb: {  	[spmem:s23], [sflag:s21] =	dma.local [hbm:s2], $0x800  }
0xbc: {  	_ =	swait.ge [sflag:s19], $0x800  }
0xbd: {  	[sflag:s19] =	ssyncset.done $0x0  }
0xbe: {  	[sflag:s19] =	ssyncadd.s32 $0xFFFFF800  }
0xbf: {  	[spmem:s29], [sflag:s21] =	dma.local [hbm:s2], $0x800  }
0xc0: {  	_ =	swait.ge [sflag:s19], $0x800  }
0xc1: {  	[sflag:s19] =	ssyncset.done $0x0  }
0xc2: {  	[sflag:s19] =	ssyncadd.s32 $0xFFFFF800  }
0xc3: {  	[spmem:s30], [sflag:s21] =	dma.local [hbm:s2], $0x800  }
0xc4: {  	_ =	swait.ge [sflag:s19], $0x800  }
0xc5: {  	[sflag:s19] =	ssyncset.done $0x0  }
0xc6: {  	[sflag:s19] =	ssyncadd.s32 $0xFFFFF800  }
0xc7: {  	[spmem:s31], [sflag:s21] =	dma.local [hbm:s2], $0x800  }
0xc8: {  	_ =	swait.ge [sflag:s19], $0x800  }
0xc9: {  	[sflag:s19] =	ssyncset.done $0x0  }
0xca: {  	[sflag:s19] =	ssyncadd.s32 $0xFFFFF800  }
0xcb: {  	s30 =	simm.s32 $0x0;
	[bflag:$0x0] =	sbarrier.arrive $0xFFFF  }
0xcc: {  	[tilespmem:s25], [sflag:$0x1] =	stream.indirect.gather [hbm4b:s8+s24], $0x80, s30, s24, $0xb8;
	[tilespmem:$0x1A800] =	vst v63  }
0xcd: {  	_ =	swait.ge [sflag:s26], $0x4000  }
0xce: {  	[sflag:s26] =	ssyncset.done $0x0  }
0xcf: {  	s31 =	simm.s32 $0x1400;
	[sflag:s26] =	ssyncadd.s32 $0xFFFFC000  }
0xd0: {  	[spmem:s3] =	stream.indirect.scatter.add.f32 [tilespmem:s25], [sflag:$0x2], $0x80, s31, s24, $0xb8;
	[tilespmem:$0x1A800] =	vst v63  }
0xd1: {  	_ =	swait.ge [sflag:s19], $0x4000  }
0xd2: {  	s1 =	simm.s32 $0x200;
	s0 =	simm.s32 $0x400;
	[sflag:s19] =	ssyncset.done $0x0  }
.LBB2_8:
0xd3: {  	s4 =	sshra.s32 s1, $0x2  }
0xd4: {  	[sflag:s19] =	ssyncadd.s32 $0xFFFFC000;
	s1 =	smov.u32 s0;
	s20 =	sadd.s32 $0x200, s0  }
0xd5: {  	[tilespmem:s25], [sflag:$0x1] =	stream.indirect.gather [hbm4b:s8+s24], $0x80, s4, s24, $0xb8;
	[tilespmem:$0x1A800] =	vst v63  }
0xd6: {  	p0 =	sne.s32 s0, $0x4E00;
	_ =	swait.ge [sflag:s26], $0x4000  }
.Ltmp3:
0xd7: {  	[sflag:s26] =	ssyncset.done $0x0;
	(pc) =	sbr.rel @p0 .LBB2_8-.Ltmp3, $4  }
0xd8: {  	s0 =	sadd.s32 $0x1400, s4;
	[sflag:s26] =	ssyncadd.s32 $0xFFFFC000  }
0xd9: {  	[spmem:s3] =	stream.indirect.scatter.add.f32 [tilespmem:s25], [sflag:$0x2], $0x80, s0, s24, $0xb8;
	[tilespmem:$0x1A800] =	vst v63  }
0xda: {  	_ =	swait.ge [sflag:s19], $0x4000  }
0xdb: {  	s0 =	smov.u32 s20;
	[sflag:s19] =	ssyncset.done $0x0  }
0xdc: {  	s0 =	sshra.s32 s1, $0x2;
	[sflag:s19] =	ssyncadd.s32 $0xFFFFC000  }
0xdd: {  	[tilespmem:s25], [sflag:$0x1] =	stream.indirect.gather [hbm4b:s8+s24], $0x80, s0, s24, $0xb8;
	[tilespmem:$0x1A800] =	vst v63  }
0xde: {  	_ =	swait.ge [sflag:s26], $0x4000  }
0xdf: {  	[sflag:s26] =	ssyncset.done $0x0  }
0xe0: {  	s0 =	sadd.s32 $0x1400, s0;
	[sflag:s26] =	ssyncadd.s32 $0xFFFFC000  }
0xe1: {  	[spmem:s3] =	stream.indirect.scatter.add.f32 [tilespmem:s25], [sflag:$0x2], $0x80, s0, s24, $0xb8;
	[tilespmem:$0x1A800] =	vst v63  }
0xe2: {  	_ =	swait.ge [sflag:s19], $0x4000  }
0xe3: {  	[sflag:s19] =	ssyncset.done $0x0  }
0xe4: {  	s28 =	sadd.s32 $0x1, s28;
	[sflag:s19] =	ssyncadd.s32 $0xFFFFC000  }
0xe5: {  	p0 =	sne.s32 s28, s18;
	[bflag:$0x0] =	sbarrier.arrive $0xFFFF  }
0xe6: {  	[hbm:s17], [sflag:s21] =	dma.local [spmem:s22], $0x2800  }
.Ltmp4:
0xe7: {  	_ =	swait.ge [sflag:s19], $0x2800;
	(pc) =	sbr.rel @p0 .LBB2_1-.Ltmp4, $3  }
0xe8: {  	[sflag:s19] =	ssyncset.done $0x0  }
0xe9: {  	[sflag:s19] =	ssyncadd.s32 $0xFFFFD800  }
0xea: {  	[bflag:$0x0] =	sbarrier.arrive $0xFFFF;
	_ =	sdelay $0x1  }
0xeb: {  	_ =	sfence.sel $0x180000  }
0xec: {  	[bflag:$0x0] =	sbarrier.arrive $0xFFFF  }
0xed: {  	_ =	strace $0x9000004A  }
0xee: {  	s0 =	stileid.u32;
	[bflag:$0x2] =	sbarrier.arrive $0xFFFF  }
0xef: {  	p0 =	sne.s32 s0, $0x0;
	s0 =	rddreg [dreg:$0x3]  }
0xf0: {  	s0 =	sadd.s32 @!p0 $0x100000, s0  }
0xf1: {  	[sflag:s0] =	ssyncadd.tile.s32 @!p0 $0x1;
	_ =	shalt  }
.Lfunc_end2:
_tile_overlayer_lowered:
.L_overlay_start_2:
0xf2: {  	(tag) =	ssettag $0x2  }
0xf3: {  	s0 =	rddreg [dreg:$0x0];
	s2 =	stileid.u32  }
0xf4: {  	s1 =	rddreg [dreg:$0x1];
	p0 =	sne.s32 s2, $0x0  }
0xf5: {  	s3 =	rddreg [dreg:$0x2];
	[bflag:$0x3] =	sbarrier.arrive $0xFFFF;
	s2 =	simm.s32 @!p0 $0x1C02  }
0xf6: {  	[timem:s3], [sflag:s2] =	dma.local @!p0 [hbm:s0], s1  }
0xf7: {  	s0 =	simm.s32 @!p0 $0x2  }
0xf8: {  	_ =	swait.ge @!p0 [sflag:s0], s1  }
0xf9: {  	s1 =	ssub.s32 @!p0 $0x0, s1;
	[sflag:s0] =	ssyncset.done @!p0 $0x0  }
0xfa: {  	[sflag:s0] =	ssyncadd.s32 @!p0 s1  }
0xfb: {  	[bflag:$0x3] =	sbarrier.arrive $0xFFFF  }
0xfc: {  	_ =	shalt  }

// kernel: kernel.17.cloned.1.call-start
scs
__scs_entry_jumppad:
0x0: {  	(pc) =	sbr.rel $0x88, $3  }
0x1: {  	(tag) =	ssettag $0x0;
	lr =	simm.s32 $0x1  }
0x2: {  	[smem:$0x3F98] =	sst lr;
	_ =	strace $0xD0000000  }
0x3: {  	_ = 	snop  }
0x4: {  	_ = 	snop  }
0x5: {  	_ = 	snop  }
0x6: {  	_ = 	snop  }
0x7: {  	_ = 	snop  }
__scs_overlays_trampoline_lowered:
0x8: {  	[smem:$0x3FA7] =	sst s0  }
0x9: {  	[smem:$0x3FA8] =	sst s1  }
0xa: {  	[smem:$0x3FA9] =	sst s2  }
0xb: {  	[smem:$0x3FAA] =	sst s3  }
0xc: {  	[smem:$0x3FAB] =	sst s4  }
0xd: {  	[smem:$0x3FAC] =	sst s5  }
0xe: {  	[smem:$0x3FAD] =	sst s6  }
0xf: {  	[smem:$0x3FAE] =	sst s7  }
0x10: {  	[smem:$0x3FAF] =	sst s8  }
0x11: {  	[smem:$0x3FB0] =	sst s9;
	s0 =	simm.s32 @!p0 $0x0  }
0x12: {  	s1 =	sld [smem:$0x3F96];
	s0 =	simm.s32 @p0 $0x1  }
0x13: {  	[smem:$0x3FB1] =	sst s0;
	s0 =	simm.s32 @!p1 $0x0  }
0x14: {  	s2 =	sld [smem:$0x3F95];
	s0 =	simm.s32 @p1 $0x1  }
0x15: {  	[smem:$0x3FB2] =	sst s0;
	s0 =	simm.s32 @!p2 $0x0  }
0x16: {  	s3 =	sld [smem:$0x3FDB];
	s0 =	simm.s32 @p2 $0x1  }
0x17: {  	s4 =	simm.s32 $0x1BF5;
	[smem:$0x3FB4] =	sst s0  }
0x18: {  	s0 =	sld [smem:$0x3F97];
	_ =	swait.ge [sflag:s4], $0x0  }
0x19: {  	s7 =	sld [smem:$0x3F98]  }
0x1a: {  	s8 =	sadd.s32 $0xFFFFE003, lr  }
0x1b: {  	s9 =	sadd.s32 $0xFFFFFEF7, lr;
	s5 =	simm.s32 $0xFFFFFFFF;
	p2 =	slt.u32 s8, $0xFFFFF086  }
0x1c: {  	p1 =	slt.u32 s9, $0xF7A;
	s5 =	simm.s32 @!p2 $0x0  }
0x1d: {  	s5 =	simm.s32 @p1 $0x1;
	p0 =	seq.s32 s7, s2  }
0x1e: {  	s7 =	smul.u32 @!p0 $0xF7A, s2;
	p2 =	seq.s32 @!p0 s5, $0x0  }
0x1f: {  	s9 =	smul.u32 $0xF7A, s1;
	s8 =	simm.s32 @!p0 $0x1BF5;
	p2 =	por !p2, p0  }
0x20: {  	[sflag:s8] =	ssyncset.s32 @!p0 $0xFFFFF086;
	s6 =	sadd.s32 @!p0 s3, s7;
	s7 =	simm.s32 @!p0 $0x108  }
0x21: {  	s3 =	sadd.s32 s3, s9;
	s6 =	sadd.s32 @!p0 $0x88, s6;
	s7 =	simm.s32 @p2 $0x1082  }
0x22: {  	[simem:s7], [sflag:s8] =	dma.local @!p0 [hbm:s6], $0xF7A  }
0x23: {  	s9 =	sor.u32 $0xD0000000, s2;
	s6 =	simm.s32 $0x108;
	_ =	swait.ge @!p0 [sflag:s8], $0x0  }
0x24: {  	s3 =	sadd.s32 $0x88, s3;
	s6 =	simm.s32 @!p1 $0x1082;
	[sflag:s4] =	ssyncset.s32 $0xFFFFF086  }
0x25: {  	[simem:s6], [sflag:s4] =	dma.local [hbm:s3], $0xF7A  }
0x26: {  	[smem:$0x3F98] =	sst s1;
	(tag) =	ssettag s2;
	_ =	strace s9  }
0x27: {  	s1 =	sld [smem:$0x3FA8]  }
0x28: {  	s2 =	sld [smem:$0x3FA9]  }
0x29: {  	s4 =	sld [smem:$0x3FAB]  }
0x2a: {  	p0 =	seq.s32 s5, $0x0;
	s5 =	sld [smem:$0x3FAC]  }
0x2b: {  	s6 =	sld [smem:$0x3FAD]  }
0x2c: {  	s7 =	sld [smem:$0x3FAE]  }
0x2d: {  	s3 =	simm.s32 $0x108;
	s8 =	sld [smem:$0x3FAF]  }
0x2e: {  	s3 =	simm.s32 @!p0 $0x1082;
	s9 =	sld [smem:$0x3FB0]  }
0x2f: {  	lr =	sadd.s32 s0, s3;
	s0 =	sld [smem:$0x3FA7]  }
0x30: {  	s3 =	sld [smem:$0x3FAA]  }
0x31: {  	[smem:$0x3FB3] =	sst s10  }
0x32: {  	s10 =	sld [smem:$0x3FB1];
	_ =	sdelay $0x3  }
0x33: {  	p0 =	seq.s32 s10, $0x1;
	s10 =	sld [smem:$0x3FB3];
	_ =	sdelay $0x3  }
0x34: {  	[smem:$0x3FB3] =	sst s10  }
0x35: {  	s10 =	sld [smem:$0x3FB2];
	_ =	sdelay $0x3  }
0x36: {  	p1 =	seq.s32 s10, $0x1;
	s10 =	sld [smem:$0x3FB3];
	_ =	sdelay $0x3  }
0x37: {  	[smem:$0x3FB3] =	sst s10  }
0x38: {  	s10 =	sld [smem:$0x3FB4]  }
0x39: {  	_ = 	snop;
	(pc) =	sbr.ind lr, $3  }
0x3a: {  	_ = 	snop  }
0x3b: {  	_ = 	snop  }
0x3c: {  	p2 =	seq.s32 s10, $0x1;
	s10 =	sld [smem:$0x3FB3]  }
0x3d: {  	_ =	shalt  }
0x3e: {  	_ =	shalt  }
0x3f: {  	_ =	shalt  }
0x40: {  	_ =	shalt  }
0x41: {  	_ =	shalt  }
0x42: {  	_ =	shalt  }
0x43: {  	_ =	shalt  }
0x44: {  	_ =	shalt  }
0x45: {  	_ =	shalt  }
0x46: {  	_ =	shalt  }
0x47: {  	_ =	shalt  }
0x48: {  	_ =	shalt  }
0x49: {  	_ =	shalt  }
0x4a: {  	_ =	shalt  }
0x4b: {  	_ =	shalt  }
0x4c: {  	_ =	shalt  }
0x4d: {  	_ =	shalt  }
0x4e: {  	_ =	shalt  }
0x4f: {  	_ =	shalt  }
0x50: {  	_ =	shalt  }
0x51: {  	_ =	shalt  }
0x52: {  	_ =	shalt  }
0x53: {  	_ =	shalt  }
0x54: {  	_ =	shalt  }
0x55: {  	_ =	shalt  }
0x56: {  	_ =	shalt  }
0x57: {  	_ =	shalt  }
0x58: {  	_ =	shalt  }
0x59: {  	_ =	shalt  }
0x5a: {  	_ =	shalt  }
0x5b: {  	_ =	shalt  }
0x5c: {  	_ =	shalt  }
0x5d: {  	_ =	shalt  }
0x5e: {  	_ =	shalt  }
0x5f: {  	_ =	shalt  }
0x60: {  	_ =	shalt  }
0x61: {  	_ =	shalt  }
0x62: {  	_ =	shalt  }
0x63: {  	_ =	shalt  }
0x64: {  	_ =	shalt  }
0x65: {  	_ =	shalt  }
0x66: {  	_ =	shalt  }
0x67: {  	_ =	shalt  }
0x68: {  	_ =	shalt  }
0x69: {  	_ =	shalt  }
0x6a: {  	_ =	shalt  }
0x6b: {  	_ =	shalt  }
0x6c: {  	_ =	shalt  }
0x6d: {  	_ =	shalt  }
0x6e: {  	_ =	shalt  }
0x6f: {  	_ =	shalt  }
0x70: {  	_ =	shalt  }
0x71: {  	_ =	shalt  }
0x72: {  	_ =	shalt  }
0x73: {  	_ =	shalt  }
0x74: {  	_ =	shalt  }
0x75: {  	_ =	shalt  }
0x76: {  	_ =	shalt  }
0x77: {  	_ =	shalt  }
0x78: {  	_ =	shalt  }
0x79: {  	_ =	shalt  }
0x7a: {  	_ =	shalt  }
0x7b: {  	_ =	shalt  }
0x7c: {  	_ =	shalt  }
0x7d: {  	_ =	shalt  }
0x7e: {  	_ =	shalt  }
0x7f: {  	_ =	shalt  }
0x80: {  	_ =	shalt  }
0x81: {  	_ =	shalt  }
0x82: {  	_ =	shalt  }
0x83: {  	_ =	shalt  }
0x84: {  	_ =	shalt  }
0x85: {  	_ =	shalt  }
0x86: {  	_ =	shalt  }
0x87: {  	_ =	shalt  }
.Lfunc_end0:
.L_simem_size_0:
called_computation.2_lowered:
.L_overlay_start_0:
0x88: {  	s2 =	sld [smem:$0x3FD9]  }
0x89: {  	s3 =	sld [smem:$0x3FFE];
	_ =	sdelay $0x1  }
0x8a: {  	s1 =	srdreg.scid  }
0x8b: {  	s0 =	sand.u32 $0x1, s1  }
0x8c: {  	s17 =	sshll.u32 s0, $0xA;
	s2 =	sadd.s32 s3, s2  }
0x8d: {  	s2 =	sadd.s32 s2, s17  }
0x8e: {  	[smem:$0x3FBF] =	sst s2  }
0x8f: {  	_ = 	snop  }
0x90: {  	s2 =	sld [smem:$0x3FD0];
	(tm) =	ssettm $0x1  }
0x91: {  	s18 =	sld [smem:$0x3FFB];
	_ =	sdelay $0x3  }
0x92: {  	_ =	strace s18  }
0x93: {  	s3 =	sld [smem:$0x3FFC];
	_ =	sdelay $0x3  }
0x94: {  	_ =	strace s3  }
0x95: {  	s3 =	sld [smem:$0x3FFD];
	_ =	sdelay $0x3  }
0x96: {  	_ =	strace s3  }
0x97: {  	_ =	strace $0x8FFFFFFF  }
0x98: {  	s19 =	sld [smem:$0x3FDB];
	_ =	sdelay $0x1  }
0x99: {  	s4 =	simm.s32 $_scs_section_size  }
0x9a: {  	s5 =	simm.s32 $_size__tile_overlayer_lowered;
	s6 =	simm.s32 $_tile_overlayer_lowered  }
0x9b: {  	s22 =	simm.s32 $0x1BFF;
	s21 =	sshll.u32 s6, $0x1;
	s3 =	sadd.s32 s4, s19  }
0x9c: {  	s7 =	simm.s32 $0x0;
	s20 =	sshll.u32 s5, $0x1;
	s5 =	sadd.s32 s21, s3  }
0x9d: {  	[timem:s7], [sflag:s22] =	dma.local [hbm:s5], s20  }
0x9e: {  	_ =	swait.ge [sflag:s22], s20  }
0x9f: {  	s4 =	ssub.s32 $0x0, s20;
	[sflag:s22] =	ssyncset.done $0x0  }
0xa0: {  	[sflag:s22] =	ssyncadd.s32 s4;
	_ =	sdelay $0x1  }
0xa1: {  	s23 =	simm.s32 $0x1B8B  }
0xa2: {  	_ =	swait.ge [sflag:s23], $0x1  }
0xa3: {  	[sflag:s23] =	ssyncset.done $0x0  }
0xa4: {  	s25 =	simm.s32 $0x1B8E;
	s24 =	sld [smem:$0x3FFE];
	[sflag:s23] =	ssyncadd.s32 $0xFFFFFFFF  }
0xa5: {  	s26 =	simm.s32 $execute0_lowered;
	[smem:$0x3FD2] =	sst s25  }
0xa6: {  	s5 =	sshll.u32 s26, $0x1;
	_ =	strace $0x8000004C;
	[dreg:$0x1] =	wrdreg $0xFFFFFFFF  }
0xa7: {  	s28 =	simm.s32 $_size_execute0_lowered;
	s3 =	sadd.s32 s3, s5;
	[dreg:$0x0] =	wrdreg $0x0  }
0xa8: {  	s5 =	sshll.u32 s28, $0x1;
	[dreg:$0x2] =	wrdreg s3  }
0xa9: {  	[dreg:$0x3] =	wrdreg s5  }
0xaa: {  	[dreg:$0x4] =	wrdreg $0xC0  }
0xab: {  	_ =	task [dreg:s7], $0x5FFFF  }
0xac: {  	[dreg:$0x1] =	wrdreg $0xFFFFFFFF  }
0xad: {  	[dreg:$0x0] =	wrdreg $0x60  }
0xae: {  	[dreg:$0x2] =	wrdreg s24  }
0xaf: {  	[dreg:$0x3] =	wrdreg s2  }
0xb0: {  	[dreg:$0x4] =	wrdreg $0x68000  }
0xb1: {  	[dreg:$0x5] =	wrdreg $0x9  }
0xb2: {  	_ =	task.clear_ibuf [dreg:s7], $0x6FFFF;
	_ =	strace $0x9000004C  }
0xb3: {  	s29 =	simm.s32 $0x9;
	_ =	strace $0x8000004E  }
0xb4: {  	_ =	swait.ge [sflag:s29], $0x1  }
0xb5: {  	[sflag:s29] =	ssyncadd.s32 $0xFFFFFFFF  }
0xb6: {  	_ =	strace $0x9000004E  }
0xb7: {  	_ =	sfence  }
0xb8: {  	s30 =	sld [smem:$0x0];
	_ =	sdelay $0x2  }
0xb9: {  	s31 =	sshll.u32 s1, $0xD;
	s1 =	sshrl.u32 s1, $0x2  }
0xba: {  	s3 =	sand.u32 $0x4000, s31;
	s1 =	sadd.s32 s1, s30  }
0xbb: {  	s0 =	sor.u32 s3, s0;
	s1 =	sshll.u32 s1, $0x11  }
0xbc: {  	s0 =	sor.u32 s1, s0  }
0xbd: {  	s0 =	sadd.s32 $0x8F2B, s0  }
0xbe: {  	[sflag:s0] =	ssyncadd.remote.s32 $0x1  }
0xbf: {  	_ =	sfence.sel $0xFFFF  }
0xc0: {  	[dreg:$0x0] =	wrdreg $0xFFFFFFFF;
	(pc) =	sbr.abs _section_cstart, $3  }
0xc1: {  	[dreg:$0x1] =	wrdreg $0xFFFFFFFF  }
0xc2: {  	_ =	task.clear_ibuf [dreg:s7], $0x2FFFF;
	_ =	strace $0x9FFFFFFF  }
0xc3: {  	(tm) =	ssettm $0x7FFFFFFF  }
tec
execute0_lowered:
.L_overlay_start_1:
0x0: {  	(tag) =	ssettag $0x1  }
0x1: {  	s0 =	srdreg.scid  }
0x2: {  	s1 =	rddreg [dreg:$0x0];
	s19 =	stileid.u32  }
0x3: {  	s2 =	rddreg [dreg:$0x1];
	s30 =	simm.s32 $0x0;
	s24 =	simm.s32 $0x80  }
0x4: {  	s25 =	simm.s32 $0x2800;
	s26 =	simm.s32 $0x1;
	s28 =	simm.s32 $0x0  }
0x5: {  	s0 =	sand.u32 $0x1, s0;
	s7 =	smul.u32 $0x280, s19;
	[smem:$0x7FF] =	sst s30  }
0x6: {  	s6 =	sadd.s32 $0xFE200, s1;
	s11 =	smul.u32 $0x50000, s19;
	s31 =	sshll.u32 s19, $0x6  }
0x7: {  	s3 =	sshll.u32 s0, $0x4;
	s8 =	smul.u32 $0x2800, s0;
	s0 =	ssub.s32 $0x2, s0  }
0x8: {  	s21 =	sor.u32 $0x1C02, s31;
	s4 =	sor.u32 s19, s3;
	s3 =	rddreg [dreg:$0x2]  }
0x9: {  	_ =	strace $0x8000004D;
	s11 =	sshrl.u32 s11, $0x2;
	s15 =	sshrl.u32 s0, $0x1  }
0xa: {  	s19 =	simm.s32 $0x2;
	s5 =	smul.u32 $0x280, s4;
	s9 =	sadd.s32 s7, s8  }
0xb: {  	s7 =	sadd.s32 $0xD6200, s1;
	s8 =	sadd.s32 $0xAE200, s1;
	s22 =	sadd.s32 s11, s3  }
0xc: {  	s0 =	ssub.s32 s0, s15;
	s9 =	sshll.u32 s9, $0x4;
	s23 =	sadd.s32 $0x4000, s22  }
0xd: {  	s11 =	sadd.s32 $0x8000, s22;
	s12 =	sadd.s32 $0xC000, s22;
	s13 =	sadd.s32 $0x10000, s22  }
0xe: {  	s18 =	smax.u32 s0, $0x1;
	s10 =	sadd.s32 s5, s1;
	s5 =	sadd.s32 $0x126200, s1  }
0xf: {  	s1 =	sadd.s32 s9, s1;
	s9 =	sadd.s32 $0x9200, s10;
	s10 =	sadd.s32 $0x4200, s10  }
0x10: {  	s22 =	sshrl.u32 s22, $0x3;
	s14 =	sadd.s32 $0x14E200, s1;
	s15 =	sadd.s32 $0x19E200, s1  }
0x11: {  	s23 =	sshrl.u32 s23, $0x3;
	s16 =	sadd.s32 $0x1EE200, s1;
	s17 =	sadd.s32 $0x23E200, s1  }
.LBB2_1:
0x12: {  	s0 =	simm.s32 $0x0  }
0x13: {  	[tilespmem:s0], [sflag:$0x2] =	stream.linear.gather [hbm4b:s9+s0], $0x1400, $0x38;
	[tilespmem:$0x1A800] =	vst v63  }
0x14: {  	_ =	swait.ge [sflag:s19], $0x1400  }
0x15: {  	[sflag:s19] =	ssyncset.done $0x0  }
0x16: {  	s1 =	simm.s32 $0x1400;
	[sflag:s19] =	ssyncadd.s32 $0xFFFFEC00  }
0x17: {  	[tilespmem:s1], [sflag:$0x2] =	stream.linear.gather [hbm4b:s10+s0], $0x1400, $0x38;
	[tilespmem:$0x1A800] =	vst v63  }
0x18: {  	_ =	swait.ge [sflag:s19], $0x1400  }
0x19: {  	[sflag:s19] =	ssyncset.done $0x0  }
0x1a: {  	[sflag:s19] =	ssyncadd.s32 $0xFFFFEC00  }
0x1b: {  	[spmem:s22], [sflag:s21] =	dma.local [hbm:s2], $0x800  }
0x1c: {  	_ =	swait.ge [sflag:s19], $0x800  }
0x1d: {  	[sflag:s19] =	ssyncset.done $0x0  }
0x1e: {  	[sflag:s19] =	ssyncadd.s32 $0xFFFFF800  }
0x1f: {  	[spmem:s23], [sflag:s21] =	dma.local [hbm:s2], $0x800  }
0x20: {  	_ =	swait.ge [sflag:s19], $0x800  }
0x21: {  	[sflag:s19] =	ssyncset.done $0x0  }
0x22: {  	s29 =	sshrl.u32 s11, $0x3;
	[sflag:s19] =	ssyncadd.s32 $0xFFFFF800  }
0x23: {  	[spmem:s29], [sflag:s21] =	dma.local [hbm:s2], $0x800  }
0x24: {  	_ =	swait.ge [sflag:s19], $0x800  }
0x25: {  	[sflag:s19] =	ssyncset.done $0x0  }
0x26: {  	s30 =	sshrl.u32 s12, $0x3;
	[sflag:s19] =	ssyncadd.s32 $0xFFFFF800  }
0x27: {  	[spmem:s30], [sflag:s21] =	dma.local [hbm:s2], $0x800  }
0x28: {  	_ =	swait.ge [sflag:s19], $0x800  }
0x29: {  	[sflag:s19] =	ssyncset.done $0x0  }
0x2a: {  	s31 =	sshrl.u32 s13, $0x3;
	[sflag:s19] =	ssyncadd.s32 $0xFFFFF800  }
0x2b: {  	[spmem:s31], [sflag:s21] =	dma.local [hbm:s2], $0x800  }
0x2c: {  	_ =	swait.ge [sflag:s19], $0x800  }
0x2d: {  	[sflag:s19] =	ssyncset.done $0x0  }
0x2e: {  	[sflag:s19] =	ssyncadd.s32 $0xFFFFF800  }
0x2f: {  	s4 =	simm.s32 $0x0;
	[bflag:$0x0] =	sbarrier.arrive $0xFFFF  }
0x30: {  	[tilespmem:s25], [sflag:$0x1] =	stream.indirect.gather [hbm4b:s5+s24], $0x80, s4, s24, $0xb8;
	[tilespmem:$0x1A800] =	vst v63  }
0x31: {  	_ =	swait.ge [sflag:s26], $0x4000  }
0x32: {  	[sflag:s26] =	ssyncset.done $0x0  }
0x33: {  	s20 =	simm.s32 $0x1400;
	[sflag:s26] =	ssyncadd.s32 $0xFFFFC000  }
0x34: {  	[spmem:s3] =	stream.indirect.scatter.add.f32 [tilespmem:s25], [sflag:$0x2], $0x80, s20, s24, $0xb8;
	[tilespmem:$0x1A800] =	vst v63  }
0x35: {  	_ =	swait.ge [sflag:s19], $0x4000  }
0x36: {  	s1 =	simm.s32 $0x200;
	s0 =	simm.s32 $0x400;
	[sflag:s19] =	ssyncset.done $0x0  }
.LBB2_2:
0x37: {  	s20 =	sshra.s32 s1, $0x2  }
0x38: {  	[sflag:s19] =	ssyncadd.s32 $0xFFFFC000;
	s1 =	smov.u32 s0;
	s4 =	sadd.s32 $0x200, s0  }
0x39: {  	[tilespmem:s25], [sflag:$0x1] =	stream.indirect.gather [hbm4b:s5+s24], $0x80, s20, s24, $0xb8;
	[tilespmem:$0x1A800] =	vst v63  }
0x3a: {  	p0 =	sne.s32 s0, $0x4E00;
	_ =	swait.ge [sflag:s26], $0x4000  }
.Ltmp0:
0x3b: {  	[sflag:s26] =	ssyncset.done $0x0;
	(pc) =	sbr.rel @p0 .LBB2_2-.Ltmp0, $4  }
0x3c: {  	s0 =	sadd.s32 $0x1400, s20;
	[sflag:s26] =	ssyncadd.s32 $0xFFFFC000  }
0x3d: {  	[spmem:s3] =	stream.indirect.scatter.add.f32 [tilespmem:s25], [sflag:$0x2], $0x80, s0, s24, $0xb8;
	[tilespmem:$0x1A800] =	vst v63  }
0x3e: {  	_ =	swait.ge [sflag:s19], $0x4000  }
0x3f: {  	s0 =	smov.u32 s4;
	[sflag:s19] =	ssyncset.done $0x0  }
0x40: {  	s0 =	sshra.s32 s1, $0x2;
	[sflag:s19] =	ssyncadd.s32 $0xFFFFC000  }
0x41: {  	[tilespmem:s25], [sflag:$0x1] =	stream.indirect.gather [hbm4b:s5+s24], $0x80, s0, s24, $0xb8;
	[tilespmem:$0x1A800] =	vst v63  }
0x42: {  	_ =	swait.ge [sflag:s26], $0x4000  }
0x43: {  	[sflag:s26] =	ssyncset.done $0x0  }
0x44: {  	s0 =	sadd.s32 $0x1400, s0;
	[sflag:s26] =	ssyncadd.s32 $0xFFFFC000  }
0x45: {  	[spmem:s3] =	stream.indirect.scatter.add.f32 [tilespmem:s25], [sflag:$0x2], $0x80, s0, s24, $0xb8;
	[tilespmem:$0x1A800] =	vst v63  }
0x46: {  	_ =	swait.ge [sflag:s19], $0x4000  }
0x47: {  	[sflag:s19] =	ssyncset.done $0x0  }
0x48: {  	[sflag:s19] =	ssyncadd.s32 $0xFFFFC000  }
0x49: {  	[bflag:$0x0] =	sbarrier.arrive $0xFFFF  }
0x4a: {  	[hbm:s14], [sflag:s21] =	dma.local [spmem:s22], $0x2800  }
0x4b: {  	_ =	swait.ge [sflag:s19], $0x2800  }
0x4c: {  	[sflag:s19] =	ssyncset.done $0x0  }
0x4d: {  	[sflag:s19] =	ssyncadd.s32 $0xFFFFD800  }
0x4e: {  	[bflag:$0x0] =	sbarrier.arrive $0xFFFF  }
0x4f: {  	[spmem:s22], [sflag:s21] =	dma.local [hbm:s2], $0x800  }
0x50: {  	_ =	swait.ge [sflag:s19], $0x800  }
0x51: {  	[sflag:s19] =	ssyncset.done $0x0  }
0x52: {  	[sflag:s19] =	ssyncadd.s32 $0xFFFFF800  }
0x53: {  	[spmem:s23], [sflag:s21] =	dma.local [hbm:s2], $0x800  }
0x54: {  	_ =	swait.ge [sflag:s19], $0x800  }
0x55: {  	[sflag:s19] =	ssyncset.done $0x0  }
0x56: {  	[sflag:s19] =	ssyncadd.s32 $0xFFFFF800  }
0x57: {  	[spmem:s29], [sflag:s21] =	dma.local [hbm:s2], $0x800  }
0x58: {  	_ =	swait.ge [sflag:s19], $0x800  }
0x59: {  	[sflag:s19] =	ssyncset.done $0x0  }
0x5a: {  	[sflag:s19] =	ssyncadd.s32 $0xFFFFF800  }
0x5b: {  	[spmem:s30], [sflag:s21] =	dma.local [hbm:s2], $0x800  }
0x5c: {  	_ =	swait.ge [sflag:s19], $0x800  }
0x5d: {  	[sflag:s19] =	ssyncset.done $0x0  }
0x5e: {  	[sflag:s19] =	ssyncadd.s32 $0xFFFFF800  }
0x5f: {  	[spmem:s31], [sflag:s21] =	dma.local [hbm:s2], $0x800  }
0x60: {  	_ =	swait.ge [sflag:s19], $0x800  }
0x61: {  	[sflag:s19] =	ssyncset.done $0x0  }
0x62: {  	[sflag:s19] =	ssyncadd.s32 $0xFFFFF800  }
0x63: {  	s4 =	simm.s32 $0x0;
	[bflag:$0x0] =	sbarrier.arrive $0xFFFF  }
0x64: {  	[tilespmem:s25], [sflag:$0x1] =	stream.indirect.gather [hbm4b:s6+s24], $0x80, s4, s24, $0xb8;
	[tilespmem:$0x1A800] =	vst v63  }
0x65: {  	_ =	swait.ge [sflag:s26], $0x4000  }
0x66: {  	[sflag:s26] =	ssyncset.done $0x0  }
0x67: {  	s20 =	simm.s32 $0x1400;
	[sflag:s26] =	ssyncadd.s32 $0xFFFFC000  }
0x68: {  	[spmem:s3] =	stream.indirect.scatter.add.f32 [tilespmem:s25], [sflag:$0x2], $0x80, s20, s24, $0xb8;
	[tilespmem:$0x1A800] =	vst v63  }
0x69: {  	_ =	swait.ge [sflag:s19], $0x4000  }
0x6a: {  	s1 =	simm.s32 $0x200;
	s0 =	simm.s32 $0x400;
	[sflag:s19] =	ssyncset.done $0x0  }
.LBB2_4:
0x6b: {  	s4 =	sshra.s32 s1, $0x2  }
0x6c: {  	[sflag:s19] =	ssyncadd.s32 $0xFFFFC000;
	s1 =	smov.u32 s0;
	s20 =	sadd.s32 $0x200, s0  }
0x6d: {  	[tilespmem:s25], [sflag:$0x1] =	stream.indirect.gather [hbm4b:s6+s24], $0x80, s4, s24, $0xb8;
	[tilespmem:$0x1A800] =	vst v63  }
0x6e: {  	p0 =	sne.s32 s0, $0x4E00;
	_ =	swait.ge [sflag:s26], $0x4000  }
.Ltmp1:
0x6f: {  	[sflag:s26] =	ssyncset.done $0x0;
	(pc) =	sbr.rel @p0 .LBB2_4-.Ltmp1, $4  }
0x70: {  	s0 =	sadd.s32 $0x1400, s4;
	[sflag:s26] =	ssyncadd.s32 $0xFFFFC000  }
0x71: {  	[spmem:s3] =	stream.indirect.scatter.add.f32 [tilespmem:s25], [sflag:$0x2], $0x80, s0, s24, $0xb8;
	[tilespmem:$0x1A800] =	vst v63  }
0x72: {  	_ =	swait.ge [sflag:s19], $0x4000  }
0x73: {  	s0 =	smov.u32 s20;
	[sflag:s19] =	ssyncset.done $0x0  }
0x74: {  	s0 =	sshra.s32 s1, $0x2;
	[sflag:s19] =	ssyncadd.s32 $0xFFFFC000  }
0x75: {  	[tilespmem:s25], [sflag:$0x1] =	stream.indirect.gather [hbm4b:s6+s24], $0x80, s0, s24, $0xb8;
	[tilespmem:$0x1A800] =	vst v63  }
0x76: {  	_ =	swait.ge [sflag:s26], $0x4000  }
0x77: {  	[sflag:s26] =	ssyncset.done $0x0  }
0x78: {  	s0 =	sadd.s32 $0x1400, s0;
	[sflag:s26] =	ssyncadd.s32 $0xFFFFC000  }
0x79: {  	[spmem:s3] =	stream.indirect.scatter.add.f32 [tilespmem:s25], [sflag:$0x2], $0x80, s0, s24, $0xb8;
	[tilespmem:$0x1A800] =	vst v63  }
0x7a: {  	_ =	swait.ge [sflag:s19], $0x4000  }
0x7b: {  	[sflag:s19] =	ssyncset.done $0x0  }
0x7c: {  	[sflag:s19] =	ssyncadd.s32 $0xFFFFC000  }
0x7d: {  	[bflag:$0x0] =	sbarrier.arrive $0xFFFF  }
0x7e: {  	[hbm:s15], [sflag:s21] =	dma.local [spmem:s22], $0x2800  }
0x7f: {  	_ =	swait.ge [sflag:s19], $0x2800  }
0x80: {  	[sflag:s19] =	ssyncset.done $0x0  }
0x81: {  	[sflag:s19] =	ssyncadd.s32 $0xFFFFD800  }
0x82: {  	[bflag:$0x0] =	sbarrier.arrive $0xFFFF  }
0x83: {  	[spmem:s22], [sflag:s21] =	dma.local [hbm:s2], $0x800  }
0x84: {  	_ =	swait.ge [sflag:s19], $0x800  }
0x85: {  	[sflag:s19] =	ssyncset.done $0x0  }
0x86: {  	[sflag:s19] =	ssyncadd.s32 $0xFFFFF800  }
0x87: {  	[spmem:s23], [sflag:s21] =	dma.local [hbm:s2], $0x800  }
0x88: {  	_ =	swait.ge [sflag:s19], $0x800  }
0x89: {  	[sflag:s19] =	ssyncset.done $0x0  }
0x8a: {  	[sflag:s19] =	ssyncadd.s32 $0xFFFFF800  }
0x8b: {  	[spmem:s29], [sflag:s21] =	dma.local [hbm:s2], $0x800  }
0x8c: {  	_ =	swait.ge [sflag:s19], $0x800  }
0x8d: {  	[sflag:s19] =	ssyncset.done $0x0  }
0x8e: {  	[sflag:s19] =	ssyncadd.s32 $0xFFFFF800  }
0x8f: {  	[spmem:s30], [sflag:s21] =	dma.local [hbm:s2], $0x800  }
0x90: {  	_ =	swait.ge [sflag:s19], $0x800  }
0x91: {  	[sflag:s19] =	ssyncset.done $0x0  }
0x92: {  	[sflag:s19] =	ssyncadd.s32 $0xFFFFF800  }
0x93: {  	[spmem:s31], [sflag:s21] =	dma.local [hbm:s2], $0x800  }
0x94: {  	_ =	swait.ge [sflag:s19], $0x800  }
0x95: {  	[sflag:s19] =	ssyncset.done $0x0  }
0x96: {  	[sflag:s19] =	ssyncadd.s32 $0xFFFFF800  }
0x97: {  	s4 =	simm.s32 $0x0;
	[bflag:$0x0] =	sbarrier.arrive $0xFFFF  }
0x98: {  	[tilespmem:s25], [sflag:$0x1] =	stream.indirect.gather [hbm4b:s7+s24], $0x80, s4, s24, $0xb8;
	[tilespmem:$0x1A800] =	vst v63  }
0x99: {  	_ =	swait.ge [sflag:s26], $0x4000  }
0x9a: {  	[sflag:s26] =	ssyncset.done $0x0  }
0x9b: {  	s20 =	simm.s32 $0x1400;
	[sflag:s26] =	ssyncadd.s32 $0xFFFFC000  }
0x9c: {  	[spmem:s3] =	stream.indirect.scatter.add.f32 [tilespmem:s25], [sflag:$0x2], $0x80, s20, s24, $0xb8;
	[tilespmem:$0x1A800] =	vst v63  }
0x9d: {  	_ =	swait.ge [sflag:s19], $0x4000  }
0x9e: {  	s1 =	simm.s32 $0x200;
	s0 =	simm.s32 $0x400;
	[sflag:s19] =	ssyncset.done $0x0  }
.LBB2_6:
0x9f: {  	s4 =	sshra.s32 s1, $0x2  }
0xa0: {  	[sflag:s19] =	ssyncadd.s32 $0xFFFFC000;
	s1 =	smov.u32 s0;
	s20 =	sadd.s32 $0x200, s0  }
0xa1: {  	[tilespmem:s25], [sflag:$0x1] =	stream.indirect.gather [hbm4b:s7+s24], $0x80, s4, s24, $0xb8;
	[tilespmem:$0x1A800] =	vst v63  }
0xa2: {  	p0 =	sne.s32 s0, $0x4E00;
	_ =	swait.ge [sflag:s26], $0x4000  }
.Ltmp2:
0xa3: {  	[sflag:s26] =	ssyncset.done $0x0;
	(pc) =	sbr.rel @p0 .LBB2_6-.Ltmp2, $4  }
0xa4: {  	s0 =	sadd.s32 $0x1400, s4;
	[sflag:s26] =	ssyncadd.s32 $0xFFFFC000  }
0xa5: {  	[spmem:s3] =	stream.indirect.scatter.add.f32 [tilespmem:s25], [sflag:$0x2], $0x80, s0, s24, $0xb8;
	[tilespmem:$0x1A800] =	vst v63  }
0xa6: {  	_ =	swait.ge [sflag:s19], $0x4000  }
0xa7: {  	s0 =	smov.u32 s20;
	[sflag:s19] =	ssyncset.done $0x0  }
0xa8: {  	s0 =	sshra.s32 s1, $0x2;
	[sflag:s19] =	ssyncadd.s32 $0xFFFFC000  }
0xa9: {  	[tilespmem:s25], [sflag:$0x1] =	stream.indirect.gather [hbm4b:s7+s24], $0x80, s0, s24, $0xb8;
	[tilespmem:$0x1A800] =	vst v63  }
0xaa: {  	_ =	swait.ge [sflag:s26], $0x4000  }
0xab: {  	[sflag:s26] =	ssyncset.done $0x0  }
0xac: {  	s0 =	sadd.s32 $0x1400, s0;
	[sflag:s26] =	ssyncadd.s32 $0xFFFFC000  }
0xad: {  	[spmem:s3] =	stream.indirect.scatter.add.f32 [tilespmem:s25], [sflag:$0x2], $0x80, s0, s24, $0xb8;
	[tilespmem:$0x1A800] =	vst v63  }
0xae: {  	_ =	swait.ge [sflag:s19], $0x4000  }
0xaf: {  	[sflag:s19] =	ssyncset.done $0x0  }
0xb0: {  	[sflag:s19] =	ssyncadd.s32 $0xFFFFC000  }
0xb1: {  	[bflag:$0x0] =	sbarrier.arrive $0xFFFF  }
0xb2: {  	[hbm:s16], [sflag:s21] =	dma.local [spmem:s22], $0x2800  }
0xb3: {  	_ =	swait.ge [sflag:s19], $0x2800  }
0xb4: {  	[sflag:s19] =	ssyncset.done $0x0  }
0xb5: {  	[sflag:s19] =	ssyncadd.s32 $0xFFFFD800  }
0xb6: {  	[bflag:$0x0] =	sbarrier.arrive $0xFFFF  }
0xb7: {  	[spmem:s22], [sflag:s21] =	dma.local [hbm:s2], $0x800  }
0xb8: {  	_ =	swait.ge [sflag:s19], $0x800  }
0xb9: {  	[sflag:s19] =	ssyncset.done $0x0  }
0xba: {  	[sflag:s19] =	ssyncadd.s32 $0xFFFFF800  }
0xbb: {  	[spmem:s23], [sflag:s21] =	dma.local [hbm:s2], $0x800  }
0xbc: {  	_ =	swait.ge [sflag:s19], $0x800  }
0xbd: {  	[sflag:s19] =	ssyncset.done $0x0  }
0xbe: {  	[sflag:s19] =	ssyncadd.s32 $0xFFFFF800  }
0xbf: {  	[spmem:s29], [sflag:s21] =	dma.local [hbm:s2], $0x800  }
0xc0: {  	_ =	swait.ge [sflag:s19], $0x800  }
0xc1: {  	[sflag:s19] =	ssyncset.done $0x0  }
0xc2: {  	[sflag:s19] =	ssyncadd.s32 $0xFFFFF800  }
0xc3: {  	[spmem:s30], [sflag:s21] =	dma.local [hbm:s2], $0x800  }
0xc4: {  	_ =	swait.ge [sflag:s19], $0x800  }
0xc5: {  	[sflag:s19] =	ssyncset.done $0x0  }
0xc6: {  	[sflag:s19] =	ssyncadd.s32 $0xFFFFF800  }
0xc7: {  	[spmem:s31], [sflag:s21] =	dma.local [hbm:s2], $0x800  }
0xc8: {  	_ =	swait.ge [sflag:s19], $0x800  }
0xc9: {  	[sflag:s19] =	ssyncset.done $0x0  }
0xca: {  	[sflag:s19] =	ssyncadd.s32 $0xFFFFF800  }
0xcb: {  	s30 =	simm.s32 $0x0;
	[bflag:$0x0] =	sbarrier.arrive $0xFFFF  }
0xcc: {  	[tilespmem:s25], [sflag:$0x1] =	stream.indirect.gather [hbm4b:s8+s24], $0x80, s30, s24, $0xb8;
	[tilespmem:$0x1A800] =	vst v63  }
0xcd: {  	_ =	swait.ge [sflag:s26], $0x4000  }
0xce: {  	[sflag:s26] =	ssyncset.done $0x0  }
0xcf: {  	s31 =	simm.s32 $0x1400;
	[sflag:s26] =	ssyncadd.s32 $0xFFFFC000  }
0xd0: {  	[spmem:s3] =	stream.indirect.scatter.add.f32 [tilespmem:s25], [sflag:$0x2], $0x80, s31, s24, $0xb8;
	[tilespmem:$0x1A800] =	vst v63  }
0xd1: {  	_ =	swait.ge [sflag:s19], $0x4000  }
0xd2: {  	s1 =	simm.s32 $0x200;
	s0 =	simm.s32 $0x400;
	[sflag:s19] =	ssyncset.done $0x0  }
.LBB2_8:
0xd3: {  	s4 =	sshra.s32 s1, $0x2  }
0xd4: {  	[sflag:s19] =	ssyncadd.s32 $0xFFFFC000;
	s1 =	smov.u32 s0;
	s20 =	sadd.s32 $0x200, s0  }
0xd5: {  	[tilespmem:s25], [sflag:$0x1] =	stream.indirect.gather [hbm4b:s8+s24], $0x80, s4, s24, $0xb8;
	[tilespmem:$0x1A800] =	vst v63  }
0xd6: {  	p0 =	sne.s32 s0, $0x4E00;
	_ =	swait.ge [sflag:s26], $0x4000  }
.Ltmp3:
0xd7: {  	[sflag:s26] =	ssyncset.done $0x0;
	(pc) =	sbr.rel @p0 .LBB2_8-.Ltmp3, $4  }
0xd8: {  	s0 =	sadd.s32 $0x1400, s4;
	[sflag:s26] =	ssyncadd.s32 $0xFFFFC000  }
0xd9: {  	[spmem:s3] =	stream.indirect.scatter.add.f32 [tilespmem:s25], [sflag:$0x2], $0x80, s0, s24, $0xb8;
	[tilespmem:$0x1A800] =	vst v63  }
0xda: {  	_ =	swait.ge [sflag:s19], $0x4000  }
0xdb: {  	s0 =	smov.u32 s20;
	[sflag:s19] =	ssyncset.done $0x0  }
0xdc: {  	s0 =	sshra.s32 s1, $0x2;
	[sflag:s19] =	ssyncadd.s32 $0xFFFFC000  }
0xdd: {  	[tilespmem:s25], [sflag:$0x1] =	stream.indirect.gather [hbm4b:s8+s24], $0x80, s0, s24, $0xb8;
	[tilespmem:$0x1A800] =	vst v63  }
0xde: {  	_ =	swait.ge [sflag:s26], $0x4000  }
0xdf: {  	[sflag:s26] =	ssyncset.done $0x0  }
0xe0: {  	s0 =	sadd.s32 $0x1400, s0;
	[sflag:s26] =	ssyncadd.s32 $0xFFFFC000  }
0xe1: {  	[spmem:s3] =	stream.indirect.scatter.add.f32 [tilespmem:s25], [sflag:$0x2], $0x80, s0, s24, $0xb8;
	[tilespmem:$0x1A800] =	vst v63  }
0xe2: {  	_ =	swait.ge [sflag:s19], $0x4000  }
0xe3: {  	[sflag:s19] =	ssyncset.done $0x0  }
0xe4: {  	s28 =	sadd.s32 $0x1, s28;
	[sflag:s19] =	ssyncadd.s32 $0xFFFFC000  }
0xe5: {  	p0 =	sne.s32 s28, s18;
	[bflag:$0x0] =	sbarrier.arrive $0xFFFF  }
0xe6: {  	[hbm:s17], [sflag:s21] =	dma.local [spmem:s22], $0x2800  }
.Ltmp4:
0xe7: {  	_ =	swait.ge [sflag:s19], $0x2800;
	(pc) =	sbr.rel @p0 .LBB2_1-.Ltmp4, $3  }
0xe8: {  	[sflag:s19] =	ssyncset.done $0x0  }
0xe9: {  	[sflag:s19] =	ssyncadd.s32 $0xFFFFD800  }
0xea: {  	[bflag:$0x0] =	sbarrier.arrive $0xFFFF;
	_ =	sdelay $0x1  }
0xeb: {  	_ =	sfence.sel $0x180000  }
0xec: {  	[bflag:$0x0] =	sbarrier.arrive $0xFFFF  }
0xed: {  	_ =	strace $0x9000004D  }
0xee: {  	s0 =	stileid.u32;
	[bflag:$0x2] =	sbarrier.arrive $0xFFFF  }
0xef: {  	p0 =	sne.s32 s0, $0x0;
	s0 =	rddreg [dreg:$0x3]  }
0xf0: {  	s0 =	sadd.s32 @!p0 $0x100000, s0  }
0xf1: {  	[sflag:s0] =	ssyncadd.tile.s32 @!p0 $0x1;
	_ =	shalt  }
.Lfunc_end2:
_tile_overlayer_lowered:
.L_overlay_start_2:
0xf2: {  	(tag) =	ssettag $0x2  }
0xf3: {  	s0 =	rddreg [dreg:$0x0];
	s2 =	stileid.u32  }
0xf4: {  	s1 =	rddreg [dreg:$0x1];
	p0 =	sne.s32 s2, $0x0  }
0xf5: {  	s3 =	rddreg [dreg:$0x2];
	[bflag:$0x3] =	sbarrier.arrive $0xFFFF;
	s2 =	simm.s32 @!p0 $0x1C02  }
0xf6: {  	[timem:s3], [sflag:s2] =	dma.local @!p0 [hbm:s0], s1  }
0xf7: {  	s0 =	simm.s32 @!p0 $0x2  }
0xf8: {  	_ =	swait.ge @!p0 [sflag:s0], s1  }
0xf9: {  	s1 =	ssub.s32 @!p0 $0x0, s1;
	[sflag:s0] =	ssyncset.done @!p0 $0x0  }
0xfa: {  	[sflag:s0] =	ssyncadd.s32 @!p0 s1  }
0xfb: {  	[bflag:$0x3] =	sbarrier.arrive $0xFFFF  }
0xfc: {  	_ =	shalt  }

</sc_bundles>
